<compile_context>
chip_gen: v7x
topology: tpu7x:2x2x1
jax: 0.10.2.dev20260603
libtpu: 0.0.44.dev20260713+nightly
codegen_flags: <defaults>
</compile_context>

<pallas_src>
import math
import dataclasses
import functools
import jax
import jax.numpy as jnp
from jax import lax
from jax.experimental import pallas as pl
from jax.experimental.pallas import tpu as pltpu
from jax.experimental.pallas import tpu_sc as plsc

N_HEAD = 8
HEAD_DIM = 64
ORDER = 3
K_KEEP = 102
K_PAD = 104


def _matmul_kernel(x_ref, w_ref, o_ref):
    o_ref[...] = jax.lax.dot_general(
        x_ref[...].astype(jnp.bfloat16), w_ref[...].astype(jnp.bfloat16),
        (((1,), (0,)), ((), ())),
        preferred_element_type=jnp.float32)


def _pallas_matmul(x, w, bm=256):
    M, K = x.shape
    _, N = w.shape
    return pl.pallas_call(
        _matmul_kernel,
        grid=(M // bm,),
        in_specs=[pl.BlockSpec((bm, K), lambda i: (i, 0)),
                  pl.BlockSpec((K, N), lambda i: (0, 0))],
        out_specs=pl.BlockSpec((bm, N), lambda i: (i, 0)),
        out_shape=jax.ShapeDtypeStruct((M, N), jnp.float32),
    )(x, w)


def _select_kernel(q_ref, kt_ref, mask_ref, pad_ref):
    T = q_ref.shape[1]
    INT_MIN = jnp.int32(-2147483648)
    lg = jax.lax.dot_general(
        q_ref[0].astype(jnp.bfloat16), kt_ref[0], (((1,), (0,)), ((), ())),
        preferred_element_type=jnp.float32)
    n = jax.lax.bitcast_convert_type(lg, jnp.int32)
    ikey = jnp.where(n < 0, ~n, n ^ INT_MIN)
    ukey = jax.lax.bitcast_convert_type(ikey, jnp.uint32)
    row = jax.lax.broadcasted_iota(jnp.int32, (T, T), 0)
    col = jax.lax.broadcasted_iota(jnp.int32, (T, T), 1)
    ukey = jnp.where(col > row, jnp.uint32(0), ukey)

    th = jnp.zeros((T, 1), jnp.uint32)
    for b in range(31, -1, -1):
        cand = th | jnp.uint32(1 << b)
        cnt = jnp.sum((ukey >= cand).astype(jnp.int32), axis=1, keepdims=True)
        th = jnp.where(cnt >= K_KEEP, cand, th)

    gt = ukey > th
    eq = jnp.logical_and(ukey == th, th > jnp.uint32(0))
    cnt_gt = jnp.sum(gt.astype(jnp.int32), axis=1, keepdims=True)
    tri = (row <= col).astype(jnp.bfloat16)
    prefix = jax.lax.dot_general(eq.astype(jnp.bfloat16), tri,
                                 (((1,), (0,)), ((), ())),
                                 preferred_element_type=jnp.float32)
    quota = (K_KEEP - cnt_gt).astype(jnp.float32)
    sel = jnp.logical_or(gt, jnp.logical_and(eq, prefix <= quota))
    mask_ref[0] = sel.astype(jnp.int32)

    valid = ukey > jnp.uint32(0)
    ik = jax.lax.bitcast_convert_type(ukey, jnp.int32) ^ INT_MIN
    vk = jnp.where(valid, ik, jnp.int32(2147483647))
    mn = jnp.min(vk, axis=1, keepdims=True)
    iv = jnp.where(vk == mn, col, jnp.int32(1 << 30))
    pad_ref[0] = jnp.min(iv, axis=1).reshape(1, T)


def _pallas_select(q, kt):
    H, T, D = q.shape
    mask, pad = pl.pallas_call(
        _select_kernel,
        grid=(H,),
        in_specs=[pl.BlockSpec((1, T, D), lambda h: (h, 0, 0)),
                  pl.BlockSpec((1, D, T), lambda h: (h, 0, 0))],
        out_specs=[pl.BlockSpec((1, T, T), lambda h: (h, 0, 0)),
                   pl.BlockSpec((1, 1, T), lambda h: (h, 0, 0))],
        out_shape=[jax.ShapeDtypeStruct((H, T, T), jnp.int32),
                   jax.ShapeDtypeStruct((H, 1, T), jnp.int32)],
    )(q, kt)
    return mask, pad.reshape(H, T)


def _core_kernel(q_ref, g1_ref, g2_ref, o_ref, *, scale, R):
    D = q_ref.shape[1]
    q = q_ref[...]
    for r in range(R):
        g1 = g1_ref[r]
        k1 = g1[:K_KEEP, :D]
        v1 = g1[:K_KEEP, D:]
        g2 = g2_ref[r]
        k2 = g2[:K_KEEP, :D].astype(jnp.bfloat16)
        v2 = g2[:K_KEEP, D:].astype(jnp.bfloat16)
        u = (k1 * q[r][None, :]).astype(jnp.bfloat16)
        a = jax.lax.dot_general(u, k2, (((1,), (1,)), ((), ())),
                                preferred_element_type=jnp.float32) * scale
        m = jnp.max(a, axis=-1, keepdims=True)
        e = jnp.exp(a - m)
        alpha = (e / jnp.sum(e, axis=-1, keepdims=True)).astype(jnp.bfloat16)
        wm = jax.lax.dot_general(alpha, v2, (((1,), (0,)), ((), ())),
                                 preferred_element_type=jnp.float32)
        o_ref[r, :] = jnp.sum(v1 * wm, axis=0)


def _pallas_core(q2, g1, g2, scale, R=16):
    HT, D = q2.shape
    kern = functools.partial(_core_kernel, scale=scale, R=R)
    return pl.pallas_call(
        kern,
        grid=(HT // R,),
        in_specs=[pl.BlockSpec((R, D), lambda i: (i, 0)),
                  pl.BlockSpec((R, K_PAD, 2 * D), lambda i: (i, 0, 0)),
                  pl.BlockSpec((R, K_PAD, 2 * D), lambda i: (i, 0, 0))],
        out_specs=pl.BlockSpec((R, D), lambda i: (i, 0)),
        out_shape=jax.ShapeDtypeStruct((HT, D), jnp.float32),
    )(q2, g1, g2)


def _sc_compact_gather(mask, pad_flat, table):
    HT, T = mask.shape
    W = table.shape[1]
    NW = 32
    rows_per = HT // NW
    nchunk = T // 16
    mesh = plsc.VectorSubcoreMesh(core_axis_name="c", subcore_axis_name="s")

    cp = pltpu.CompilerParams()
    if "needs_layout_passes" in pltpu.CompilerParams.__dataclass_fields__:
        cp = dataclasses.replace(cp, needs_layout_passes=False)

    @functools.partial(
        pl.kernel, mesh=mesh, compiler_params=cp,
        out_type=jax.ShapeDtypeStruct((HT, K_PAD, W), table.dtype),
        scratch_types=[
            pltpu.VMEM((T,), jnp.int32),
            pltpu.VMEM((T,), jnp.int32),
            pltpu.VMEM((T + 16,), jnp.int32),
            pltpu.VMEM((T + 16,), jnp.int32),
            pltpu.VMEM((rows_per,), jnp.int32),
            pltpu.VMEM((2, K_PAD, W), table.dtype),
            pltpu.SemaphoreType.DMA((2,)),
            pltpu.SemaphoreType.DMA((2,)),
            pltpu.SemaphoreType.DMA((2,)),
        ],
    )
    def k(mask_hbm, pad_hbm, tab_hbm, out_hbm, mrow_v0, mrow_v1, idx_v0,
          idx_v1, padv, rows_v, msem, gsem, osem):
        mrow_b = (mrow_v0, mrow_v1)
        idx_b = (idx_v0, idx_v1)
        wid = lax.axis_index("s") * 2 + lax.axis_index("c")
        base_row = wid * rows_per
        pltpu.sync_copy(pad_hbm.at[pl.ds(base_row, rows_per)], padv)
        iota16 = lax.iota(jnp.int32, 16)

        def mask_cp(ii, b):
            return pltpu.make_async_copy(mask_hbm.at[base_row + ii],
                                         mrow_b[b], msem.at[b])

        def gather_cp(ii, b):
            return pltpu.make_async_copy(
                tab_hbm.at[idx_b[b].at[pl.ds(0, K_PAD)]],
                rows_v.at[b], gsem.at[b])

        def out_cp(ii, b):
            return pltpu.make_async_copy(rows_v.at[b],
                                         out_hbm.at[base_row + ii], osem.at[b])

        mask_cp(0, 0).start()
        mask_cp(1, 1).start()

        @pl.loop(0, rows_per, step=2)
        def _row(i):
            for b in range(2):
                ii = i + b
                row = base_row + ii
                base_s = (row // T) * T
                mask_cp(ii, b).wait()

                def chunk(c, cnt):
                    w = mrow_b[b][pl.ds(c * 16, 16)]
                    m = w > 0
                    mi = m.astype(jnp.int32)
                    svec = iota16 + (base_s + c * 16)
                    pos = cnt + plsc.cumsum(mi) - mi
                    plsc.store_scatter(idx_b[b], [pos], svec, mask=m)
                    return cnt + jnp.sum(mi)

                cnt = lax.fori_loop(0, nchunk, chunk, jnp.int32(0))

                padvec = plsc.load_gather(padv, [jnp.full((16,), ii, jnp.int32)])
                for c in range(K_PAD // 8 // 2 + 1):
                    cur = idx_b[b][pl.ds(c * 16, 16)]
                    keep = (iota16 + c * 16) < cnt
                    idx_b[b][pl.ds(c * 16, 16)] = jnp.where(keep, cur, padvec)

                @pl.when(ii >= 2)
                def _():
                    out_cp(ii - 2, b).wait()

                gather_cp(ii, b).start()

                @pl.when(ii + 2 < rows_per)
                def _():
                    mask_cp(ii + 2, b).start()

                gather_cp(ii, b).wait()
                out_cp(ii, b).start()

        out_cp(rows_per - 2, 0).wait()
        out_cp(rows_per - 1, 1).wait()

    return k(mask, pad_flat, table)


def _compact_gather_xla(mask, pad, table):
    H, T, _ = mask.shape
    s = jnp.arange(T, dtype=jnp.int32)
    key = jnp.where(mask > 0, s[None, None, :], T + s[None, None, :])
    order = jnp.sort(key, axis=-1)[..., :K_PAD]
    cnt = jnp.sum(mask, axis=-1, keepdims=True)
    j = jnp.arange(K_PAD, dtype=jnp.int32)
    base = (jnp.arange(H, dtype=jnp.int32) * T)[:, None, None]
    idx = jnp.where(j[None, None, :] < cnt, order + base, pad[:, :, None])
    return table[idx.reshape(H * T, K_PAD)]


def kernel(x, W_q, W_k1, W_k2, W_v1, W_v2, W_o):
    B, T, E = x.shape
    H, D = N_HEAD, HEAD_DIM
    scale = D ** -0.5

    x2 = x.reshape(T, E)
    Wcat = jnp.concatenate([W_q, W_k1, W_k2, W_v1, W_v2], axis=1)
    proj = _pallas_matmul(x2, Wcat)
    q, k1, k2, v1, v2 = [
        proj[:, i * H * D:(i + 1) * H * D].reshape(T, H, D).transpose(1, 0, 2)
        for i in range(5)
    ]

    mask1, pad1 = _pallas_select(q, k1.transpose(0, 2, 1).astype(jnp.bfloat16))
    mask2, pad2 = _pallas_select(q, k2.transpose(0, 2, 1).astype(jnp.bfloat16))

    tab1 = jnp.concatenate([k1, v1], axis=-1).reshape(H * T, 2 * D)
    tab2 = jnp.concatenate([k2, v2], axis=-1).reshape(H * T, 2 * D)
    base = (jnp.arange(H, dtype=jnp.int32) * T)[:, None]
    g1 = _sc_compact_gather(mask1.reshape(H * T, T),
                            (pad1 + base).reshape(H * T), tab1)
    g2 = _sc_compact_gather(mask2.reshape(H * T, T),
                            (pad2 + base).reshape(H * T), tab2)

    out = _pallas_core(q.reshape(H * T, D), g1, g2, scale)
    y = out.reshape(H, T, D).transpose(1, 0, 2).reshape(T, H * D)
    res = _pallas_matmul(y, W_o)
    return res.reshape(B, T, E)

# --- scband reference (transcript-rebuilt; emitter-appended) ---
"""Pipeline reference for scband-higher-order-attention-33097017983134 (READ-ONLY COPY).

The authoritative reference and input builder live on the scoring server;
editing this copy changes nothing except your own understanding.
"""

import jax, jax.numpy as jnp
import numpy as np
import math

ORDER = 3
N_HEAD = 8
HEAD_DIM = 64
EMBED_DIM = 1024


def _split_head(x, n_head, head_dim):
    B, T, _ = x.shape
    return x.reshape(B, T, n_head, head_dim).transpose(0, 2, 1, 3)


def _gather_time(tensor, idx):
    # tensor: (B,H,T,D), idx: (B,H,T,k) -> (B,H,T,k,D)
    B, H, T, D = tensor.shape
    k = idx.shape[-1]
    flat = idx.reshape(B, H, T * k)
    g = jnp.take_along_axis(tensor, flat[..., None], axis=2)
    return g.reshape(B, H, T, k, D)


def setup_inputs(seed: int = 0) -> dict:
    key = jax.random.key(seed)
    ks = jax.random.split(key, 8)
    B, T = 1, 1024
    s = EMBED_DIM ** -0.5
    x = jax.random.normal(ks[0], (B, T, EMBED_DIM), dtype=jnp.float32)
    W_q = jax.random.normal(ks[1], (EMBED_DIM, N_HEAD * HEAD_DIM), dtype=jnp.float32) * s
    W_k1 = jax.random.normal(ks[2], (EMBED_DIM, N_HEAD * HEAD_DIM), dtype=jnp.float32) * s
    W_k2 = jax.random.normal(ks[3], (EMBED_DIM, N_HEAD * HEAD_DIM), dtype=jnp.float32) * s
    W_v1 = jax.random.normal(ks[4], (EMBED_DIM, N_HEAD * HEAD_DIM), dtype=jnp.float32) * s
    W_v2 = jax.random.normal(ks[5], (EMBED_DIM, N_HEAD * HEAD_DIM), dtype=jnp.float32) * s
    W_o = jax.random.normal(ks[6], (N_HEAD * HEAD_DIM, EMBED_DIM), dtype=jnp.float32) * s
    return {"x": x, "W_q": W_q, "W_k1": W_k1, "W_k2": W_k2, "W_v1": W_v1, "W_v2": W_v2, "W_o": W_o}


def reference(x, W_q, W_k1, W_k2, W_v1, W_v2, W_o):
    B, T, E = x.shape
    H, D = N_HEAD, HEAD_DIM
    k_keep = max(1, math.ceil(T ** (2.0 / ORDER)))
    scale = D ** -0.5
    q = _split_head(x @ W_q, H, D)
    Ks = [_split_head(x @ W, H, D) for W in (W_k1, W_k2)]
    Vs = [_split_head(x @ W, H, D) for W in (W_v1, W_v2)]
    t_ar = jnp.arange(T)
    causal = t_ar[:, None] < t_ar[None, :]  # True = future (masked)
    this_k = jnp.minimum(k_keep, t_ar + 1)  # (T,)
    j = jnp.arange(k_keep)
    # replicate torch padding: positions j >= this_k reuse the last valid topk index
    clip_j = jnp.minimum(j[None, :], this_k[:, None] - 1)  # (T, k)
    gK, gV = [], []
    for K_r, V_r in zip(Ks, Vs):
        logits = jnp.einsum('bhtd,bhsd->bhts', q, K_r) * scale
        logits = jnp.where(causal[None, None, :, :], -jnp.inf, logits)
        _, idx = jax.lax.top_k(logits, k_keep)  # (B,H,T,k); masked (-inf) entries rank last
        idx = jnp.take_along_axis(idx, jnp.broadcast_to(clip_j[None, None], idx.shape), axis=-1)
        gK.append(_gather_time(K_r, idx))
        gV.append(_gather_time(V_r, idx))
    A = jnp.einsum('bhid,bhijd,bhikd->bhijk', q, gK[0], gK[1]) * scale
    alpha = jax.nn.softmax(A, axis=-1)  # torch softmaxes only over last axis
    out = jnp.einsum('bhijk,bhijd,bhikd->bhid', alpha, gV[0], gV[1])
    out = out.transpose(0, 2, 1, 3).reshape(B, T, H * D)
    return out @ W_o

if __name__ == "__main__":
    import jax
    _d = setup_inputs()
    print(jax.jit(kernel)(*tuple(_d.values())))

</pallas_src>

<mosaic_0001>
#map = affine_map<(d0, d1) -> (0, 0)>
#map1 = affine_map<(d0, d1) -> (0)>
#map2 = affine_map<(d0, d1) -> (0, 0, 0)>
module attributes {stable_mosaic.version = 14 : i64} {
  func.func @k(%arg0: i32, %arg1: i32, %arg2: memref<8192x1024xi32, #tpu.memory_space<hbm>>, %arg3: memref<8192xi32, #tpu.memory_space<hbm>>, %arg4: memref<8192x128xf32, #tpu.memory_space<hbm>>, %arg5: memref<8192x104x128xf32, #tpu.memory_space<hbm>>, %arg6: memref<1024xi32, #tpu.memory_space<vmem>>, %arg7: memref<1024xi32, #tpu.memory_space<vmem>>, %arg8: memref<1040xi32, #tpu.memory_space<vmem>>, %arg9: memref<1040xi32, #tpu.memory_space<vmem>>, %arg10: memref<256xi32, #tpu.memory_space<vmem>>, %arg11: memref<2x104x128xf32, #tpu.memory_space<vmem>>, %arg12: memref<2x!tpu.dma_semaphore, #tpu.memory_space<semaphore_mem>>, %arg13: memref<2x!tpu.dma_semaphore, #tpu.memory_space<semaphore_mem>>, %arg14: memref<2x!tpu.dma_semaphore, #tpu.memory_space<semaphore_mem>>) attributes {dimension_semantics = [#tpu.dimension_semantics<core_parallel>, #tpu.dimension_semantics<subcore_parallel>], iteration_bounds = array<i64: 2, 16>, scalar_prefetch = 0 : i64, scratch_operands = 9 : i64, tpu.core_type = #tpu.core_type<sc_vector_subcore>, window_params = [{transform_indices = #map}, {transform_indices = #map1}, {transform_indices = #map}, {transform_indices = #map2}]} {
    %mul3A = arith.constant 2 : i32
    %mul3A_0 = arith.muli %arg1, %mul3A : i32
    %add3A = arith.addi %mul3A_0, %arg0 : i32
    %mul3A_1 = arith.constant 256 : i32
    %mul3A_2 = arith.muli %add3A, %mul3A_1 : i32
    "tpu.region"() ({
      %run_scoped3A = tpu.sem_alloc : memref<!tpu.dma_semaphore, #tpu.memory_space<semaphore_mem>>
      %dma_start3A_71 = tpu.memref_slice %arg3[%mul3A_2] : memref<8192xi32, #tpu.memory_space<hbm>> -> memref<256xi32, #tpu.memory_space<hbm>>
      %dma_start3A_72 = tpu.memref_slice %arg3[%mul3A_2] : memref<8192xi32, #tpu.memory_space<hbm>> -> memref<256xi32, #tpu.memory_space<hbm>>
      tpu.enqueue_dma source(%dma_start3A_72 : memref<256xi32, #tpu.memory_space<hbm>>) target(%arg10 : memref<256xi32, #tpu.memory_space<vmem>>) target_semaphore(%run_scoped3A : memref<!tpu.dma_semaphore, #tpu.memory_space<semaphore_mem>>)
      %dma_wait3A_73 = tpu.memref_slice %arg3[%mul3A_2] : memref<8192xi32, #tpu.memory_space<hbm>> -> memref<256xi32, #tpu.memory_space<hbm>>
      %dma_wait3A_74 = tpu.memref_slice %arg3[%mul3A_2] : memref<8192xi32, #tpu.memory_space<hbm>> -> memref<256xi32, #tpu.memory_space<hbm>>
      tpu.wait_dma2 semaphore(%run_scoped3A : memref<!tpu.dma_semaphore, #tpu.memory_space<semaphore_mem>>) src(%dma_wait3A_74 : memref<256xi32, #tpu.memory_space<hbm>>) dst(%arg10 : memref<256xi32, #tpu.memory_space<vmem>>)
      tpu.yield
    }) : () -> ()
    %iota3A = tpu.iota {dimensions = array<i32: 0>} : vector<16xi32>
    %add3A_3 = arith.constant 0 : i32
    %add3A_4 = arith.addi %mul3A_2, %add3A_3 : i32
    %dma_start3A = arith.constant 0 : i32
    %dma_start3A_5 = arith.constant 0 : i32
    %dma_start3A_6 = tpu.memref_slice %arg2[%add3A_4, %dma_start3A_5] : memref<8192x1024xi32, #tpu.memory_space<hbm>> -> memref<1x1024xi32, #tpu.memory_space<hbm>>
    %dma_start3A_7 = tpu.memref_squeeze %dma_start3A_6 : memref<1x1024xi32, #tpu.memory_space<hbm>> -> memref<1024xi32, #tpu.memory_space<hbm>>
    %dma_start3A_8 = tpu.memref_slice %arg12[%dma_start3A] : memref<2x!tpu.dma_semaphore, #tpu.memory_space<semaphore_mem>> -> memref<1x!tpu.dma_semaphore, #tpu.memory_space<semaphore_mem>>
    %dma_start3A_9 = tpu.memref_squeeze %dma_start3A_8 : memref<1x!tpu.dma_semaphore, #tpu.memory_space<semaphore_mem>> -> memref<!tpu.dma_semaphore, #tpu.memory_space<semaphore_mem>>
    %dma_start3A_10 = arith.constant 0 : i32
    %dma_start3A_11 = tpu.memref_slice %arg2[%add3A_4, %dma_start3A_10] : memref<8192x1024xi32, #tpu.memory_space<hbm>> -> memref<1x1024xi32, #tpu.memory_space<hbm>>
    %dma_start3A_12 = tpu.memref_squeeze %dma_start3A_11 : memref<1x1024xi32, #tpu.memory_space<hbm>> -> memref<1024xi32, #tpu.memory_space<hbm>>
    tpu.enqueue_dma source(%dma_start3A_12 : memref<1024xi32, #tpu.memory_space<hbm>>) target(%arg6 : memref<1024xi32, #tpu.memory_space<vmem>>) target_semaphore(%dma_start3A_9 : memref<!tpu.dma_semaphore, #tpu.memory_space<semaphore_mem>>)
    %add3A_13 = arith.constant 1 : i32
    %add3A_14 = arith.addi %mul3A_2, %add3A_13 : i32
    %dma_start3A_15 = arith.constant 1 : i32
    %dma_start3A_16 = arith.constant 0 : i32
    %dma_start3A_17 = tpu.memref_slice %arg2[%add3A_14, %dma_start3A_16] : memref<8192x1024xi32, #tpu.memory_space<hbm>> -> memref<1x1024xi32, #tpu.memory_space<hbm>>
    %dma_start3A_18 = tpu.memref_squeeze %dma_start3A_17 : memref<1x1024xi32, #tpu.memory_space<hbm>> -> memref<1024xi32, #tpu.memory_space<hbm>>
    %dma_start3A_19 = tpu.memref_slice %arg12[%dma_start3A_15] : memref<2x!tpu.dma_semaphore, #tpu.memory_space<semaphore_mem>> -> memref<1x!tpu.dma_semaphore, #tpu.memory_space<semaphore_mem>>
    %dma_start3A_20 = tpu.memref_squeeze %dma_start3A_19 : memref<1x!tpu.dma_semaphore, #tpu.memory_space<semaphore_mem>> -> memref<!tpu.dma_semaphore, #tpu.memory_space<semaphore_mem>>
    %dma_start3A_21 = arith.constant 0 : i32
    %dma_start3A_22 = tpu.memref_slice %arg2[%add3A_14, %dma_start3A_21] : memref<8192x1024xi32, #tpu.memory_space<hbm>> -> memref<1x1024xi32, #tpu.memory_space<hbm>>
    %dma_start3A_23 = tpu.memref_squeeze %dma_start3A_22 : memref<1x1024xi32, #tpu.memory_space<hbm>> -> memref<1024xi32, #tpu.memory_space<hbm>>
    tpu.enqueue_dma source(%dma_start3A_23 : memref<1024xi32, #tpu.memory_space<hbm>>) target(%arg7 : memref<1024xi32, #tpu.memory_space<vmem>>) target_semaphore(%dma_start3A_20 : memref<!tpu.dma_semaphore, #tpu.memory_space<semaphore_mem>>)
    %scan3A = arith.constant 0 : i32
    %scan3A_24 = arith.constant 128 : i32
    %scan3A_25 = arith.addi %scan3A, %scan3A_24 : i32
    %scan3A_26 = arith.constant 1 : i32
    scf.for %scan3A_71 = %scan3A to %scan3A_25 step %scan3A_26  : i32 {
      %mul3A_72 = arith.constant 2 : i32
      %mul3A_73 = arith.muli %scan3A_71, %mul3A_72 : i32
      %add3A_74 = arith.constant 0 : i32
      %add3A_75 = arith.addi %add3A_74, %mul3A_73 : i32
      %add3A_76 = arith.constant 0 : i32
      %add3A_77 = arith.addi %add3A_75, %add3A_76 : i32
      %add3A_78 = arith.addi %mul3A_2, %add3A_77 : i32
      %jit3A = arith.constant 1024 : i32
      %div3A = arith.divsi %add3A_78, %jit3A : i32
      %sign3A = arith.constant 0 : i32
      %sign3A_79 = arith.cmpi sgt, %add3A_78, %sign3A : i32
      %sign3A_80 = arith.extui %sign3A_79 : i1 to i32
      %sign3A_81 = arith.constant 0 : i32
      %sign3A_82 = arith.cmpi slt, %add3A_78, %sign3A_81 : i32
      %sign3A_83 = arith.extui %sign3A_82 : i1 to i32
      %sign3A_84 = arith.subi %sign3A_80, %sign3A_83 : i32
      %sign3A_85 = arith.constant 0 : i32
      %sign3A_86 = arith.cmpi sgt, %jit3A, %sign3A_85 : i32
      %sign3A_87 = arith.extui %sign3A_86 : i1 to i32
      %sign3A_88 = arith.constant 0 : i32
      %sign3A_89 = arith.cmpi slt, %jit3A, %sign3A_88 : i32
      %sign3A_90 = arith.extui %sign3A_89 : i1 to i32
      %sign3A_91 = arith.subi %sign3A_87, %sign3A_90 : i32
      %ne3A = arith.cmpi ne, %sign3A_84, %sign3A_91 : i32
      %rem3A = arith.remsi %add3A_78, %jit3A : i32
      %ne3A_92 = arith.constant 0 : i32
      %ne3A_93 = arith.cmpi ne, %rem3A, %ne3A_92 : i32
      %and3A = arith.andi %ne3A, %ne3A_93 : i1
      %sub3A = arith.constant 1 : i32
      %sub3A_94 = arith.subi %div3A, %sub3A : i32
      %select_n3A = arith.select %and3A, %sub3A_94, %div3A : i32
      %mul3A_95 = arith.constant 1024 : i32
      %mul3A_96 = arith.muli %select_n3A, %mul3A_95 : i32
      %add3A_97 = arith.addi %mul3A_2, %add3A_77 : i32
      %dma_wait3A_98 = arith.constant 0 : i32
      %dma_wait3A_99 = arith.constant 0 : i32
      %dma_wait3A_100 = tpu.memref_slice %arg2[%add3A_97, %dma_wait3A_99] : memref<8192x1024xi32, #tpu.memory_space<hbm>> -> memref<1x1024xi32, #tpu.memory_space<hbm>>
      %dma_wait3A_101 = tpu.memref_squeeze %dma_wait3A_100 : memref<1x1024xi32, #tpu.memory_space<hbm>> -> memref<1024xi32, #tpu.memory_space<hbm>>
      %dma_wait3A_102 = tpu.memref_slice %arg12[%dma_wait3A_98] : memref<2x!tpu.dma_semaphore, #tpu.memory_space<semaphore_mem>> -> memref<1x!tpu.dma_semaphore, #tpu.memory_space<semaphore_mem>>
      %dma_wait3A_103 = tpu.memref_squeeze %dma_wait3A_102 : memref<1x!tpu.dma_semaphore, #tpu.memory_space<semaphore_mem>> -> memref<!tpu.dma_semaphore, #tpu.memory_space<semaphore_mem>>
      %dma_wait3A_104 = arith.constant 0 : i32
      %dma_wait3A_105 = tpu.memref_slice %arg2[%add3A_97, %dma_wait3A_104] : memref<8192x1024xi32, #tpu.memory_space<hbm>> -> memref<1x1024xi32, #tpu.memory_space<hbm>>
      %dma_wait3A_106 = tpu.memref_squeeze %dma_wait3A_105 : memref<1x1024xi32, #tpu.memory_space<hbm>> -> memref<1024xi32, #tpu.memory_space<hbm>>
      tpu.wait_dma2 semaphore(%dma_wait3A_103 : memref<!tpu.dma_semaphore, #tpu.memory_space<semaphore_mem>>) src(%dma_wait3A_106 : memref<1024xi32, #tpu.memory_space<hbm>>) dst(%arg6 : memref<1024xi32, #tpu.memory_space<vmem>>)
      %scan3A_107 = arith.constant 0 : i32
      %scan3A_108 = arith.constant 0 : i32
      %scan3A_109 = arith.constant 64 : i32
      %scan3A_110 = arith.addi %scan3A_108, %scan3A_109 : i32
      %scan3A_111 = arith.constant 1 : i32
      %scan3A_112 = scf.for %scan3A_414 = %scan3A_108 to %scan3A_110 step %scan3A_111 iter_args(%scan3A_415 = %scan3A_107) -> (i32)  : i32 {
        %mul3A_416 = arith.constant 16 : i32
        %mul3A_417 = arith.muli %scan3A_414, %mul3A_416 : i32
        %get3A_418 = arith.index_cast %mul3A_417 : i32 to index
        %get3A_419 = tpu.vector_load %arg6[%get3A_418] {strides = array<i32>} : memref<1024xi32, #tpu.memory_space<vmem>>, vector<16xi32>,
        %gt3A = arith.constant 0 : i32
        %gt3A_420 = vector.broadcast %gt3A : i32 to vector<16xi32>
        %gt3A_421 = arith.cmpi sgt, %get3A_419, %gt3A_420 : vector<16xi32>
        %convert_element_type3A_422 = arith.extui %gt3A_421 : vector<16xi1> to vector<16xi32>
        %mul3A_423 = arith.constant 16 : i32
        %mul3A_424 = arith.muli %scan3A_414, %mul3A_423 : i32
        %add3A_425 = arith.addi %mul3A_96, %mul3A_424 : i32
        %add3A_426 = vector.broadcast %add3A_425 : i32 to vector<16xi32>
        %add3A_427 = arith.addi %iota3A, %add3A_426 : vector<16xi32>
        %broadcast_in_dim3A_428 = arith.constant true
        %broadcast_in_dim3A_429 = vector.broadcast %broadcast_in_dim3A_428 : i1 to vector<16xi1>
        %masked_cumsum3A = tpu.scan <sum>, %convert_element_type3A_422 masked %broadcast_in_dim3A_429 : vector<16xi32>, vector<16xi1> -> vector<16xi32>
        %add3A_430 = vector.broadcast %scan3A_415 : i32 to vector<16xi32>
        %add3A_431 = arith.addi %add3A_430, %masked_cumsum3A : vector<16xi32>
        %sub3A_432 = arith.subi %add3A_431, %convert_element_type3A_422 : vector<16xi32>
        tpu.vector_store_idx %arg8[%sub3A_432], %add3A_427 masked %gt3A_421 : memref<1040xi32, #tpu.memory_space<vmem>>[vector<16xi32>], vector<16xi32>, vector<16xi1>
        %reduce_sum3A = arith.constant true
        %reduce_sum3A_433 = vector.broadcast %reduce_sum3A : i1 to vector<16xi1>
        %reduce_sum3A_434 = tpu.scan <sum>, %convert_element_type3A_422 masked %reduce_sum3A_433 : vector<16xi32>, vector<16xi1> -> vector<16xi32>
        %reduce_sum3A_435 = vector.extract %reduce_sum3A_434[15] : i32 from vector<16xi32>
        %add3A_436 = arith.addi %scan3A_415, %reduce_sum3A_435 : i32
        scf.yield %add3A_436 : i32
      }
      %scan3A_113 = arith.constant 64 : i32
      %broadcast_in_dim3A = vector.broadcast %add3A_77 : i32 to vector<16xi32>
      %gather3A = tpu.vector_load_idx %arg10[%broadcast_in_dim3A] : memref<256xi32, #tpu.memory_space<vmem>>[vector<16xi32>], vector<16xi32>,
      %get3A = arith.constant 0 : index
      %get3A_114 = tpu.vector_load %arg8[%get3A] {strides = array<i32>} : memref<1040xi32, #tpu.memory_space<vmem>>, vector<16xi32>,
      %add3A_115 = arith.constant 0 : i32
      %add3A_116 = vector.broadcast %add3A_115 : i32 to vector<16xi32>
      %add3A_117 = arith.addi %iota3A, %add3A_116 : vector<16xi32>
      %lt3A = vector.broadcast %scan3A_112 : i32 to vector<16xi32>
      %lt3A_118 = arith.cmpi slt, %add3A_117, %lt3A : vector<16xi32>
      %select_n3A_119 = arith.select %lt3A_118, %get3A_114, %gather3A : vector<16xi1>, vector<16xi32>
      %swap3A = arith.constant 0 : index
      %swap3A_120 = tpu.vector_load %arg8[%swap3A] {strides = array<i32>} : memref<1040xi32, #tpu.memory_space<vmem>>, vector<16xi32>,
      tpu.vector_store %arg8[%swap3A], %select_n3A_119 {strides = array<i32>} : memref<1040xi32, #tpu.memory_space<vmem>>, vector<16xi32>,
      %get3A_121 = arith.constant 16 : index
      %get3A_122 = tpu.vector_load %arg8[%get3A_121] {strides = array<i32>} : memref<1040xi32, #tpu.memory_space<vmem>>, vector<16xi32>,
      %add3A_123 = arith.constant 16 : i32
      %add3A_124 = vector.broadcast %add3A_123 : i32 to vector<16xi32>
      %add3A_125 = arith.addi %iota3A, %add3A_124 : vector<16xi32>
      %lt3A_126 = vector.broadcast %scan3A_112 : i32 to vector<16xi32>
      %lt3A_127 = arith.cmpi slt, %add3A_125, %lt3A_126 : vector<16xi32>
      %select_n3A_128 = arith.select %lt3A_127, %get3A_122, %gather3A : vector<16xi1>, vector<16xi32>
      %swap3A_129 = arith.constant 16 : index
      %swap3A_130 = tpu.vector_load %arg8[%swap3A_129] {strides = array<i32>} : memref<1040xi32, #tpu.memory_space<vmem>>, vector<16xi32>,
      tpu.vector_store %arg8[%swap3A_129], %select_n3A_128 {strides = array<i32>} : memref<1040xi32, #tpu.memory_space<vmem>>, vector<16xi32>,
      %get3A_131 = arith.constant 32 : index
      %get3A_132 = tpu.vector_load %arg8[%get3A_131] {strides = array<i32>} : memref<1040xi32, #tpu.memory_space<vmem>>, vector<16xi32>,
      %add3A_133 = arith.constant 32 : i32
      %add3A_134 = vector.broadcast %add3A_133 : i32 to vector<16xi32>
      %add3A_135 = arith.addi %iota3A, %add3A_134 : vector<16xi32>
      %lt3A_136 = vector.broadcast %scan3A_112 : i32 to vector<16xi32>
      %lt3A_137 = arith.cmpi slt, %add3A_135, %lt3A_136 : vector<16xi32>
      %select_n3A_138 = arith.select %lt3A_137, %get3A_132, %gather3A : vector<16xi1>, vector<16xi32>
      %swap3A_139 = arith.constant 32 : index
      %swap3A_140 = tpu.vector_load %arg8[%swap3A_139] {strides = array<i32>} : memref<1040xi32, #tpu.memory_space<vmem>>, vector<16xi32>,
      tpu.vector_store %arg8[%swap3A_139], %select_n3A_138 {strides = array<i32>} : memref<1040xi32, #tpu.memory_space<vmem>>, vector<16xi32>,
      %get3A_141 = arith.constant 48 : index
      %get3A_142 = tpu.vector_load %arg8[%get3A_141] {strides = array<i32>} : memref<1040xi32, #tpu.memory_space<vmem>>, vector<16xi32>,
      %add3A_143 = arith.constant 48 : i32
      %add3A_144 = vector.broadcast %add3A_143 : i32 to vector<16xi32>
      %add3A_145 = arith.addi %iota3A, %add3A_144 : vector<16xi32>
      %lt3A_146 = vector.broadcast %scan3A_112 : i32 to vector<16xi32>
      %lt3A_147 = arith.cmpi slt, %add3A_145, %lt3A_146 : vector<16xi32>
      %select_n3A_148 = arith.select %lt3A_147, %get3A_142, %gather3A : vector<16xi1>, vector<16xi32>
      %swap3A_149 = arith.constant 48 : index
      %swap3A_150 = tpu.vector_load %arg8[%swap3A_149] {strides = array<i32>} : memref<1040xi32, #tpu.memory_space<vmem>>, vector<16xi32>,
      tpu.vector_store %arg8[%swap3A_149], %select_n3A_148 {strides = array<i32>} : memref<1040xi32, #tpu.memory_space<vmem>>, vector<16xi32>,
      %get3A_151 = arith.constant 64 : index
      %get3A_152 = tpu.vector_load %arg8[%get3A_151] {strides = array<i32>} : memref<1040xi32, #tpu.memory_space<vmem>>, vector<16xi32>,
      %add3A_153 = arith.constant 64 : i32
      %add3A_154 = vector.broadcast %add3A_153 : i32 to vector<16xi32>
      %add3A_155 = arith.addi %iota3A, %add3A_154 : vector<16xi32>
      %lt3A_156 = vector.broadcast %scan3A_112 : i32 to vector<16xi32>
      %lt3A_157 = arith.cmpi slt, %add3A_155, %lt3A_156 : vector<16xi32>
      %select_n3A_158 = arith.select %lt3A_157, %get3A_152, %gather3A : vector<16xi1>, vector<16xi32>
      %swap3A_159 = arith.constant 64 : index
      %swap3A_160 = tpu.vector_load %arg8[%swap3A_159] {strides = array<i32>} : memref<1040xi32, #tpu.memory_space<vmem>>, vector<16xi32>,
      tpu.vector_store %arg8[%swap3A_159], %select_n3A_158 {strides = array<i32>} : memref<1040xi32, #tpu.memory_space<vmem>>, vector<16xi32>,
      %get3A_161 = arith.constant 80 : index
      %get3A_162 = tpu.vector_load %arg8[%get3A_161] {strides = array<i32>} : memref<1040xi32, #tpu.memory_space<vmem>>, vector<16xi32>,
      %add3A_163 = arith.constant 80 : i32
      %add3A_164 = vector.broadcast %add3A_163 : i32 to vector<16xi32>
      %add3A_165 = arith.addi %iota3A, %add3A_164 : vector<16xi32>
      %lt3A_166 = vector.broadcast %scan3A_112 : i32 to vector<16xi32>
      %lt3A_167 = arith.cmpi slt, %add3A_165, %lt3A_166 : vector<16xi32>
      %select_n3A_168 = arith.select %lt3A_167, %get3A_162, %gather3A : vector<16xi1>, vector<16xi32>
      %swap3A_169 = arith.constant 80 : index
      %swap3A_170 = tpu.vector_load %arg8[%swap3A_169] {strides = array<i32>} : memref<1040xi32, #tpu.memory_space<vmem>>, vector<16xi32>,
      tpu.vector_store %arg8[%swap3A_169], %select_n3A_168 {strides = array<i32>} : memref<1040xi32, #tpu.memory_space<vmem>>, vector<16xi32>,
      %get3A_171 = arith.constant 96 : index
      %get3A_172 = tpu.vector_load %arg8[%get3A_171] {strides = array<i32>} : memref<1040xi32, #tpu.memory_space<vmem>>, vector<16xi32>,
      %add3A_173 = arith.constant 96 : i32
      %add3A_174 = vector.broadcast %add3A_173 : i32 to vector<16xi32>
      %add3A_175 = arith.addi %iota3A, %add3A_174 : vector<16xi32>
      %lt3A_176 = vector.broadcast %scan3A_112 : i32 to vector<16xi32>
      %lt3A_177 = arith.cmpi slt, %add3A_175, %lt3A_176 : vector<16xi32>
      %select_n3A_178 = arith.select %lt3A_177, %get3A_172, %gather3A : vector<16xi1>, vector<16xi32>
      %swap3A_179 = arith.constant 96 : index
      %swap3A_180 = tpu.vector_load %arg8[%swap3A_179] {strides = array<i32>} : memref<1040xi32, #tpu.memory_space<vmem>>, vector<16xi32>,
      tpu.vector_store %arg8[%swap3A_179], %select_n3A_178 {strides = array<i32>} : memref<1040xi32, #tpu.memory_space<vmem>>, vector<16xi32>,
      %ge3A = arith.constant 2 : i32
      %ge3A_181 = arith.cmpi sge, %add3A_77, %ge3A : i32
      %convert_element_type3A = arith.extui %ge3A_181 : i1 to i32
      %cond3A = arith.constant 0 : i32
      %cond3A_182 = arith.cmpi ne, %convert_element_type3A, %cond3A : i32
      scf.if %cond3A_182 {
        %sub3A_414 = arith.constant 2 : i32
        %sub3A_415 = arith.subi %add3A_77, %sub3A_414 : i32
        %add3A_416 = arith.addi %mul3A_2, %sub3A_415 : i32
        %dma_wait3A_417 = arith.constant 0 : i32
        %dma_wait3A_418 = arith.constant 0 : i32
        %dma_wait3A_419 = arith.constant 0 : i32
        %dma_wait3A_420 = arith.constant 0 : i32
        %dma_wait3A_421 = tpu.memref_slice %arg11[%dma_wait3A_417, %dma_wait3A_419, %dma_wait3A_420] : memref<2x104x128xf32, #tpu.memory_space<vmem>> -> memref<1x104x128xf32, #tpu.memory_space<vmem>>
        %dma_wait3A_422 = tpu.memref_squeeze %dma_wait3A_421 : memref<1x104x128xf32, #tpu.memory_space<vmem>> -> memref<104x128xf32, #tpu.memory_space<vmem>>
        %dma_wait3A_423 = arith.constant 0 : i32
        %dma_wait3A_424 = arith.constant 0 : i32
        %dma_wait3A_425 = tpu.memref_slice %arg5[%add3A_416, %dma_wait3A_423, %dma_wait3A_424] : memref<8192x104x128xf32, #tpu.memory_space<hbm>> -> memref<1x104x128xf32, #tpu.memory_space<hbm>>
        %dma_wait3A_426 = tpu.memref_squeeze %dma_wait3A_425 : memref<1x104x128xf32, #tpu.memory_space<hbm>> -> memref<104x128xf32, #tpu.memory_space<hbm>>
        %dma_wait3A_427 = tpu.memref_slice %arg14[%dma_wait3A_418] : memref<2x!tpu.dma_semaphore, #tpu.memory_space<semaphore_mem>> -> memref<1x!tpu.dma_semaphore, #tpu.memory_space<semaphore_mem>>
        %dma_wait3A_428 = tpu.memref_squeeze %dma_wait3A_427 : memref<1x!tpu.dma_semaphore, #tpu.memory_space<semaphore_mem>> -> memref<!tpu.dma_semaphore, #tpu.memory_space<semaphore_mem>>
        %dma_wait3A_429 = arith.constant 0 : i32
        %dma_wait3A_430 = arith.constant 0 : i32
        %dma_wait3A_431 = tpu.memref_slice %arg5[%add3A_416, %dma_wait3A_429, %dma_wait3A_430] : memref<8192x104x128xf32, #tpu.memory_space<hbm>> -> memref<1x104x128xf32, #tpu.memory_space<hbm>>
        %dma_wait3A_432 = tpu.memref_squeeze %dma_wait3A_431 : memref<1x104x128xf32, #tpu.memory_space<hbm>> -> memref<104x128xf32, #tpu.memory_space<hbm>>
        %dma_wait3A_433 = arith.constant 0 : i32
        %dma_wait3A_434 = arith.constant 0 : i32
        %dma_wait3A_435 = tpu.memref_slice %arg11[%dma_wait3A_417, %dma_wait3A_433, %dma_wait3A_434] : memref<2x104x128xf32, #tpu.memory_space<vmem>> -> memref<1x104x128xf32, #tpu.memory_space<vmem>>
        %dma_wait3A_436 = tpu.memref_squeeze %dma_wait3A_435 : memref<1x104x128xf32, #tpu.memory_space<vmem>> -> memref<104x128xf32, #tpu.memory_space<vmem>>
        tpu.wait_dma2 semaphore(%dma_wait3A_428 : memref<!tpu.dma_semaphore, #tpu.memory_space<semaphore_mem>>) src(%dma_wait3A_436 : memref<104x128xf32, #tpu.memory_space<vmem>>) dst(%dma_wait3A_432 : memref<104x128xf32, #tpu.memory_space<hbm>>)
      } else {
      }
      %dma_start3A_183 = arith.constant 0 : i32
      %dma_start3A_184 = arith.constant 0 : i32
      %dma_start3A_185 = arith.constant 0 : i32
      %dma_start3A_186 = arith.constant 0 : i32
      %dma_start3A_187 = tpu.memref_slice %arg11[%dma_start3A_183, %dma_start3A_185, %dma_start3A_186] : memref<2x104x128xf32, #tpu.memory_space<vmem>> -> memref<1x104x128xf32, #tpu.memory_space<vmem>>
      %dma_start3A_188 = tpu.memref_squeeze %dma_start3A_187 : memref<1x104x128xf32, #tpu.memory_space<vmem>> -> memref<104x128xf32, #tpu.memory_space<vmem>>
      %dma_start3A_189 = arith.constant 0 : i32
      %dma_start3A_190 = tpu.memref_slice %arg8[%dma_start3A_189] : memref<1040xi32, #tpu.memory_space<vmem>> -> memref<104xi32, #tpu.memory_space<vmem>>
      %dma_start3A_191 = arith.constant 0 : i32
      %dma_start3A_192 = arith.constant 0 : i32
      %dma_start3A_193 = tpu.memref_slice %arg4[%dma_start3A_191, %dma_start3A_192] : memref<8192x128xf32, #tpu.memory_space<hbm>> -> memref<8192x128xf32, #tpu.memory_space<hbm>>
      %dma_start3A_194 = tpu.memref_slice %arg13[%dma_start3A_184] : memref<2x!tpu.dma_semaphore, #tpu.memory_space<semaphore_mem>> -> memref<1x!tpu.dma_semaphore, #tpu.memory_space<semaphore_mem>>
      %dma_start3A_195 = tpu.memref_squeeze %dma_start3A_194 : memref<1x!tpu.dma_semaphore, #tpu.memory_space<semaphore_mem>> -> memref<!tpu.dma_semaphore, #tpu.memory_space<semaphore_mem>>
      tpu.enqueue_indirect_dma source(%dma_start3A_193 : memref<8192x128xf32, #tpu.memory_space<hbm>>) target(%dma_start3A_188 : memref<104x128xf32, #tpu.memory_space<vmem>>) offsets(%dma_start3A_190 : memref<104xi32, #tpu.memory_space<vmem>>) semaphore(%dma_start3A_195 : memref<!tpu.dma_semaphore, #tpu.memory_space<semaphore_mem>>)
      %add3A_196 = arith.constant 2 : i32
      %add3A_197 = arith.addi %add3A_77, %add3A_196 : i32
      %lt3A_198 = arith.constant 256 : i32
      %lt3A_199 = arith.cmpi slt, %add3A_197, %lt3A_198 : i32
      %convert_element_type3A_200 = arith.extui %lt3A_199 : i1 to i32
      %cond3A_201 = arith.constant 0 : i32
      %cond3A_202 = arith.cmpi ne, %convert_element_type3A_200, %cond3A_201 : i32
      scf.if %cond3A_202 {
        %add3A_414 = arith.constant 2 : i32
        %add3A_415 = arith.addi %add3A_77, %add3A_414 : i32
        %add3A_416 = arith.addi %mul3A_2, %add3A_415 : i32
        %dma_start3A_417 = arith.constant 0 : i32
        %dma_start3A_418 = arith.constant 0 : i32
        %dma_start3A_419 = tpu.memref_slice %arg2[%add3A_416, %dma_start3A_418] : memref<8192x1024xi32, #tpu.memory_space<hbm>> -> memref<1x1024xi32, #tpu.memory_space<hbm>>
        %dma_start3A_420 = tpu.memref_squeeze %dma_start3A_419 : memref<1x1024xi32, #tpu.memory_space<hbm>> -> memref<1024xi32, #tpu.memory_space<hbm>>
        %dma_start3A_421 = tpu.memref_slice %arg12[%dma_start3A_417] : memref<2x!tpu.dma_semaphore, #tpu.memory_space<semaphore_mem>> -> memref<1x!tpu.dma_semaphore, #tpu.memory_space<semaphore_mem>>
        %dma_start3A_422 = tpu.memref_squeeze %dma_start3A_421 : memref<1x!tpu.dma_semaphore, #tpu.memory_space<semaphore_mem>> -> memref<!tpu.dma_semaphore, #tpu.memory_space<semaphore_mem>>
        %dma_start3A_423 = arith.constant 0 : i32
        %dma_start3A_424 = tpu.memref_slice %arg2[%add3A_416, %dma_start3A_423] : memref<8192x1024xi32, #tpu.memory_space<hbm>> -> memref<1x1024xi32, #tpu.memory_space<hbm>>
        %dma_start3A_425 = tpu.memref_squeeze %dma_start3A_424 : memref<1x1024xi32, #tpu.memory_space<hbm>> -> memref<1024xi32, #tpu.memory_space<hbm>>
        tpu.enqueue_dma source(%dma_start3A_425 : memref<1024xi32, #tpu.memory_space<hbm>>) target(%arg6 : memref<1024xi32, #tpu.memory_space<vmem>>) target_semaphore(%dma_start3A_422 : memref<!tpu.dma_semaphore, #tpu.memory_space<semaphore_mem>>)
      } else {
      }
      %dma_wait3A_203 = arith.constant 0 : i32
      %dma_wait3A_204 = arith.constant 0 : i32
      %dma_wait3A_205 = arith.constant 0 : i32
      %dma_wait3A_206 = arith.constant 0 : i32
      %dma_wait3A_207 = tpu.memref_slice %arg11[%dma_wait3A_203, %dma_wait3A_205, %dma_wait3A_206] : memref<2x104x128xf32, #tpu.memory_space<vmem>> -> memref<1x104x128xf32, #tpu.memory_space<vmem>>
      %dma_wait3A_208 = tpu.memref_squeeze %dma_wait3A_207 : memref<1x104x128xf32, #tpu.memory_space<vmem>> -> memref<104x128xf32, #tpu.memory_space<vmem>>
      %dma_wait3A_209 = arith.constant 0 : i32
      %dma_wait3A_210 = tpu.memref_slice %arg8[%dma_wait3A_209] : memref<1040xi32, #tpu.memory_space<vmem>> -> memref<104xi32, #tpu.memory_space<vmem>>
      %dma_wait3A_211 = arith.constant 0 : i32
      %dma_wait3A_212 = arith.constant 0 : i32
      %dma_wait3A_213 = tpu.memref_slice %arg4[%dma_wait3A_211, %dma_wait3A_212] : memref<8192x128xf32, #tpu.memory_space<hbm>> -> memref<8192x128xf32, #tpu.memory_space<hbm>>
      %dma_wait3A_214 = tpu.memref_slice %arg13[%dma_wait3A_204] : memref<2x!tpu.dma_semaphore, #tpu.memory_space<semaphore_mem>> -> memref<1x!tpu.dma_semaphore, #tpu.memory_space<semaphore_mem>>
      %dma_wait3A_215 = tpu.memref_squeeze %dma_wait3A_214 : memref<1x!tpu.dma_semaphore, #tpu.memory_space<semaphore_mem>> -> memref<!tpu.dma_semaphore, #tpu.memory_space<semaphore_mem>>
      tpu.wait_indirect_dma semaphore(%dma_wait3A_215 : memref<!tpu.dma_semaphore, #tpu.memory_space<semaphore_mem>>) src(%dma_wait3A_213 : memref<8192x128xf32, #tpu.memory_space<hbm>>) dst(%dma_wait3A_208 : memref<104x128xf32, #tpu.memory_space<vmem>>)
      %add3A_216 = arith.addi %mul3A_2, %add3A_77 : i32
      %dma_start3A_217 = arith.constant 0 : i32
      %dma_start3A_218 = arith.constant 0 : i32
      %dma_start3A_219 = arith.constant 0 : i32
      %dma_start3A_220 = arith.constant 0 : i32
      %dma_start3A_221 = tpu.memref_slice %arg11[%dma_start3A_217, %dma_start3A_219, %dma_start3A_220] : memref<2x104x128xf32, #tpu.memory_space<vmem>> -> memref<1x104x128xf32, #tpu.memory_space<vmem>>
      %dma_start3A_222 = tpu.memref_squeeze %dma_start3A_221 : memref<1x104x128xf32, #tpu.memory_space<vmem>> -> memref<104x128xf32, #tpu.memory_space<vmem>>
      %dma_start3A_223 = arith.constant 0 : i32
      %dma_start3A_224 = arith.constant 0 : i32
      %dma_start3A_225 = tpu.memref_slice %arg5[%add3A_216, %dma_start3A_223, %dma_start3A_224] : memref<8192x104x128xf32, #tpu.memory_space<hbm>> -> memref<1x104x128xf32, #tpu.memory_space<hbm>>
      %dma_start3A_226 = tpu.memref_squeeze %dma_start3A_225 : memref<1x104x128xf32, #tpu.memory_space<hbm>> -> memref<104x128xf32, #tpu.memory_space<hbm>>
      %dma_start3A_227 = tpu.memref_slice %arg14[%dma_start3A_218] : memref<2x!tpu.dma_semaphore, #tpu.memory_space<semaphore_mem>> -> memref<1x!tpu.dma_semaphore, #tpu.memory_space<semaphore_mem>>
      %dma_start3A_228 = tpu.memref_squeeze %dma_start3A_227 : memref<1x!tpu.dma_semaphore, #tpu.memory_space<semaphore_mem>> -> memref<!tpu.dma_semaphore, #tpu.memory_space<semaphore_mem>>
      %dma_start3A_229 = arith.constant 0 : i32
      %dma_start3A_230 = arith.constant 0 : i32
      %dma_start3A_231 = tpu.memref_slice %arg5[%add3A_216, %dma_start3A_229, %dma_start3A_230] : memref<8192x104x128xf32, #tpu.memory_space<hbm>> -> memref<1x104x128xf32, #tpu.memory_space<hbm>>
      %dma_start3A_232 = tpu.memref_squeeze %dma_start3A_231 : memref<1x104x128xf32, #tpu.memory_space<hbm>> -> memref<104x128xf32, #tpu.memory_space<hbm>>
      %dma_start3A_233 = arith.constant 0 : i32
      %dma_start3A_234 = arith.constant 0 : i32
      %dma_start3A_235 = tpu.memref_slice %arg11[%dma_start3A_217, %dma_start3A_233, %dma_start3A_234] : memref<2x104x128xf32, #tpu.memory_space<vmem>> -> memref<1x104x128xf32, #tpu.memory_space<vmem>>
      %dma_start3A_236 = tpu.memref_squeeze %dma_start3A_235 : memref<1x104x128xf32, #tpu.memory_space<vmem>> -> memref<104x128xf32, #tpu.memory_space<vmem>>
      tpu.enqueue_dma source(%dma_start3A_236 : memref<104x128xf32, #tpu.memory_space<vmem>>) target(%dma_start3A_232 : memref<104x128xf32, #tpu.memory_space<hbm>>) target_semaphore(%dma_start3A_228 : memref<!tpu.dma_semaphore, #tpu.memory_space<semaphore_mem>>)
      %add3A_237 = arith.constant 1 : i32
      %add3A_238 = arith.addi %add3A_75, %add3A_237 : i32
      %add3A_239 = arith.addi %mul3A_2, %add3A_238 : i32
      %jit3A_240 = arith.constant 1024 : i32
      %div3A_241 = arith.divsi %add3A_239, %jit3A_240 : i32
      %sign3A_242 = arith.constant 0 : i32
      %sign3A_243 = arith.cmpi sgt, %add3A_239, %sign3A_242 : i32
      %sign3A_244 = arith.extui %sign3A_243 : i1 to i32
      %sign3A_245 = arith.constant 0 : i32
      %sign3A_246 = arith.cmpi slt, %add3A_239, %sign3A_245 : i32
      %sign3A_247 = arith.extui %sign3A_246 : i1 to i32
      %sign3A_248 = arith.subi %sign3A_244, %sign3A_247 : i32
      %sign3A_249 = arith.constant 0 : i32
      %sign3A_250 = arith.cmpi sgt, %jit3A_240, %sign3A_249 : i32
      %sign3A_251 = arith.extui %sign3A_250 : i1 to i32
      %sign3A_252 = arith.constant 0 : i32
      %sign3A_253 = arith.cmpi slt, %jit3A_240, %sign3A_252 : i32
      %sign3A_254 = arith.extui %sign3A_253 : i1 to i32
      %sign3A_255 = arith.subi %sign3A_251, %sign3A_254 : i32
      %ne3A_256 = arith.cmpi ne, %sign3A_248, %sign3A_255 : i32
      %rem3A_257 = arith.remsi %add3A_239, %jit3A_240 : i32
      %ne3A_258 = arith.constant 0 : i32
      %ne3A_259 = arith.cmpi ne, %rem3A_257, %ne3A_258 : i32
      %and3A_260 = arith.andi %ne3A_256, %ne3A_259 : i1
      %sub3A_261 = arith.constant 1 : i32
      %sub3A_262 = arith.subi %div3A_241, %sub3A_261 : i32
      %select_n3A_263 = arith.select %and3A_260, %sub3A_262, %div3A_241 : i32
      %mul3A_264 = arith.constant 1024 : i32
      %mul3A_265 = arith.muli %select_n3A_263, %mul3A_264 : i32
      %add3A_266 = arith.addi %mul3A_2, %add3A_238 : i32
      %dma_wait3A_267 = arith.constant 1 : i32
      %dma_wait3A_268 = arith.constant 0 : i32
      %dma_wait3A_269 = tpu.memref_slice %arg2[%add3A_266, %dma_wait3A_268] : memref<8192x1024xi32, #tpu.memory_space<hbm>> -> memref<1x1024xi32, #tpu.memory_space<hbm>>
      %dma_wait3A_270 = tpu.memref_squeeze %dma_wait3A_269 : memref<1x1024xi32, #tpu.memory_space<hbm>> -> memref<1024xi32, #tpu.memory_space<hbm>>
      %dma_wait3A_271 = tpu.memref_slice %arg12[%dma_wait3A_267] : memref<2x!tpu.dma_semaphore, #tpu.memory_space<semaphore_mem>> -> memref<1x!tpu.dma_semaphore, #tpu.memory_space<semaphore_mem>>
      %dma_wait3A_272 = tpu.memref_squeeze %dma_wait3A_271 : memref<1x!tpu.dma_semaphore, #tpu.memory_space<semaphore_mem>> -> memref<!tpu.dma_semaphore, #tpu.memory_space<semaphore_mem>>
      %dma_wait3A_273 = arith.constant 0 : i32
      %dma_wait3A_274 = tpu.memref_slice %arg2[%add3A_266, %dma_wait3A_273] : memref<8192x1024xi32, #tpu.memory_space<hbm>> -> memref<1x1024xi32, #tpu.memory_space<hbm>>
      %dma_wait3A_275 = tpu.memref_squeeze %dma_wait3A_274 : memref<1x1024xi32, #tpu.memory_space<hbm>> -> memref<1024xi32, #tpu.memory_space<hbm>>
      tpu.wait_dma2 semaphore(%dma_wait3A_272 : memref<!tpu.dma_semaphore, #tpu.memory_space<semaphore_mem>>) src(%dma_wait3A_275 : memref<1024xi32, #tpu.memory_space<hbm>>) dst(%arg7 : memref<1024xi32, #tpu.memory_space<vmem>>)
      %scan3A_276 = arith.constant 0 : i32
      %scan3A_277 = arith.constant 0 : i32
      %scan3A_278 = arith.constant 64 : i32
      %scan3A_279 = arith.addi %scan3A_277, %scan3A_278 : i32
      %scan3A_280 = arith.constant 1 : i32
      %scan3A_281 = scf.for %scan3A_414 = %scan3A_277 to %scan3A_279 step %scan3A_280 iter_args(%scan3A_415 = %scan3A_276) -> (i32)  : i32 {
        %mul3A_416 = arith.constant 16 : i32
        %mul3A_417 = arith.muli %scan3A_414, %mul3A_416 : i32
        %get3A_418 = arith.index_cast %mul3A_417 : i32 to index
        %get3A_419 = tpu.vector_load %arg7[%get3A_418] {strides = array<i32>} : memref<1024xi32, #tpu.memory_space<vmem>>, vector<16xi32>,
        %gt3A = arith.constant 0 : i32
        %gt3A_420 = vector.broadcast %gt3A : i32 to vector<16xi32>
        %gt3A_421 = arith.cmpi sgt, %get3A_419, %gt3A_420 : vector<16xi32>
        %convert_element_type3A_422 = arith.extui %gt3A_421 : vector<16xi1> to vector<16xi32>
        %mul3A_423 = arith.constant 16 : i32
        %mul3A_424 = arith.muli %scan3A_414, %mul3A_423 : i32
        %add3A_425 = arith.addi %mul3A_265, %mul3A_424 : i32
        %add3A_426 = vector.broadcast %add3A_425 : i32 to vector<16xi32>
        %add3A_427 = arith.addi %iota3A, %add3A_426 : vector<16xi32>
        %broadcast_in_dim3A_428 = arith.constant true
        %broadcast_in_dim3A_429 = vector.broadcast %broadcast_in_dim3A_428 : i1 to vector<16xi1>
        %masked_cumsum3A = tpu.scan <sum>, %convert_element_type3A_422 masked %broadcast_in_dim3A_429 : vector<16xi32>, vector<16xi1> -> vector<16xi32>
        %add3A_430 = vector.broadcast %scan3A_415 : i32 to vector<16xi32>
        %add3A_431 = arith.addi %add3A_430, %masked_cumsum3A : vector<16xi32>
        %sub3A_432 = arith.subi %add3A_431, %convert_element_type3A_422 : vector<16xi32>
        tpu.vector_store_idx %arg9[%sub3A_432], %add3A_427 masked %gt3A_421 : memref<1040xi32, #tpu.memory_space<vmem>>[vector<16xi32>], vector<16xi32>, vector<16xi1>
        %reduce_sum3A = arith.constant true
        %reduce_sum3A_433 = vector.broadcast %reduce_sum3A : i1 to vector<16xi1>
        %reduce_sum3A_434 = tpu.scan <sum>, %convert_element_type3A_422 masked %reduce_sum3A_433 : vector<16xi32>, vector<16xi1> -> vector<16xi32>
        %reduce_sum3A_435 = vector.extract %reduce_sum3A_434[15] : i32 from vector<16xi32>
        %add3A_436 = arith.addi %scan3A_415, %reduce_sum3A_435 : i32
        scf.yield %add3A_436 : i32
      }
      %scan3A_282 = arith.constant 64 : i32
      %broadcast_in_dim3A_283 = vector.broadcast %add3A_238 : i32 to vector<16xi32>
      %gather3A_284 = tpu.vector_load_idx %arg10[%broadcast_in_dim3A_283] : memref<256xi32, #tpu.memory_space<vmem>>[vector<16xi32>], vector<16xi32>,
      %get3A_285 = arith.constant 0 : index
      %get3A_286 = tpu.vector_load %arg9[%get3A_285] {strides = array<i32>} : memref<1040xi32, #tpu.memory_space<vmem>>, vector<16xi32>,
      %add3A_287 = arith.constant 0 : i32
      %add3A_288 = vector.broadcast %add3A_287 : i32 to vector<16xi32>
      %add3A_289 = arith.addi %iota3A, %add3A_288 : vector<16xi32>
      %lt3A_290 = vector.broadcast %scan3A_281 : i32 to vector<16xi32>
      %lt3A_291 = arith.cmpi slt, %add3A_289, %lt3A_290 : vector<16xi32>
      %select_n3A_292 = arith.select %lt3A_291, %get3A_286, %gather3A_284 : vector<16xi1>, vector<16xi32>
      %swap3A_293 = arith.constant 0 : index
      %swap3A_294 = tpu.vector_load %arg9[%swap3A_293] {strides = array<i32>} : memref<1040xi32, #tpu.memory_space<vmem>>, vector<16xi32>,
      tpu.vector_store %arg9[%swap3A_293], %select_n3A_292 {strides = array<i32>} : memref<1040xi32, #tpu.memory_space<vmem>>, vector<16xi32>,
      %get3A_295 = arith.constant 16 : index
      %get3A_296 = tpu.vector_load %arg9[%get3A_295] {strides = array<i32>} : memref<1040xi32, #tpu.memory_space<vmem>>, vector<16xi32>,
      %add3A_297 = arith.constant 16 : i32
      %add3A_298 = vector.broadcast %add3A_297 : i32 to vector<16xi32>
      %add3A_299 = arith.addi %iota3A, %add3A_298 : vector<16xi32>
      %lt3A_300 = vector.broadcast %scan3A_281 : i32 to vector<16xi32>
      %lt3A_301 = arith.cmpi slt, %add3A_299, %lt3A_300 : vector<16xi32>
      %select_n3A_302 = arith.select %lt3A_301, %get3A_296, %gather3A_284 : vector<16xi1>, vector<16xi32>
      %swap3A_303 = arith.constant 16 : index
      %swap3A_304 = tpu.vector_load %arg9[%swap3A_303] {strides = array<i32>} : memref<1040xi32, #tpu.memory_space<vmem>>, vector<16xi32>,
      tpu.vector_store %arg9[%swap3A_303], %select_n3A_302 {strides = array<i32>} : memref<1040xi32, #tpu.memory_space<vmem>>, vector<16xi32>,
      %get3A_305 = arith.constant 32 : index
      %get3A_306 = tpu.vector_load %arg9[%get3A_305] {strides = array<i32>} : memref<1040xi32, #tpu.memory_space<vmem>>, vector<16xi32>,
      %add3A_307 = arith.constant 32 : i32
      %add3A_308 = vector.broadcast %add3A_307 : i32 to vector<16xi32>
      %add3A_309 = arith.addi %iota3A, %add3A_308 : vector<16xi32>
      %lt3A_310 = vector.broadcast %scan3A_281 : i32 to vector<16xi32>
      %lt3A_311 = arith.cmpi slt, %add3A_309, %lt3A_310 : vector<16xi32>
      %select_n3A_312 = arith.select %lt3A_311, %get3A_306, %gather3A_284 : vector<16xi1>, vector<16xi32>
      %swap3A_313 = arith.constant 32 : index
      %swap3A_314 = tpu.vector_load %arg9[%swap3A_313] {strides = array<i32>} : memref<1040xi32, #tpu.memory_space<vmem>>, vector<16xi32>,
      tpu.vector_store %arg9[%swap3A_313], %select_n3A_312 {strides = array<i32>} : memref<1040xi32, #tpu.memory_space<vmem>>, vector<16xi32>,
      %get3A_315 = arith.constant 48 : index
      %get3A_316 = tpu.vector_load %arg9[%get3A_315] {strides = array<i32>} : memref<1040xi32, #tpu.memory_space<vmem>>, vector<16xi32>,
      %add3A_317 = arith.constant 48 : i32
      %add3A_318 = vector.broadcast %add3A_317 : i32 to vector<16xi32>
      %add3A_319 = arith.addi %iota3A, %add3A_318 : vector<16xi32>
      %lt3A_320 = vector.broadcast %scan3A_281 : i32 to vector<16xi32>
      %lt3A_321 = arith.cmpi slt, %add3A_319, %lt3A_320 : vector<16xi32>
      %select_n3A_322 = arith.select %lt3A_321, %get3A_316, %gather3A_284 : vector<16xi1>, vector<16xi32>
      %swap3A_323 = arith.constant 48 : index
      %swap3A_324 = tpu.vector_load %arg9[%swap3A_323] {strides = array<i32>} : memref<1040xi32, #tpu.memory_space<vmem>>, vector<16xi32>,
      tpu.vector_store %arg9[%swap3A_323], %select_n3A_322 {strides = array<i32>} : memref<1040xi32, #tpu.memory_space<vmem>>, vector<16xi32>,
      %get3A_325 = arith.constant 64 : index
      %get3A_326 = tpu.vector_load %arg9[%get3A_325] {strides = array<i32>} : memref<1040xi32, #tpu.memory_space<vmem>>, vector<16xi32>,
      %add3A_327 = arith.constant 64 : i32
      %add3A_328 = vector.broadcast %add3A_327 : i32 to vector<16xi32>
      %add3A_329 = arith.addi %iota3A, %add3A_328 : vector<16xi32>
      %lt3A_330 = vector.broadcast %scan3A_281 : i32 to vector<16xi32>
      %lt3A_331 = arith.cmpi slt, %add3A_329, %lt3A_330 : vector<16xi32>
      %select_n3A_332 = arith.select %lt3A_331, %get3A_326, %gather3A_284 : vector<16xi1>, vector<16xi32>
      %swap3A_333 = arith.constant 64 : index
      %swap3A_334 = tpu.vector_load %arg9[%swap3A_333] {strides = array<i32>} : memref<1040xi32, #tpu.memory_space<vmem>>, vector<16xi32>,
      tpu.vector_store %arg9[%swap3A_333], %select_n3A_332 {strides = array<i32>} : memref<1040xi32, #tpu.memory_space<vmem>>, vector<16xi32>,
      %get3A_335 = arith.constant 80 : index
      %get3A_336 = tpu.vector_load %arg9[%get3A_335] {strides = array<i32>} : memref<1040xi32, #tpu.memory_space<vmem>>, vector<16xi32>,
      %add3A_337 = arith.constant 80 : i32
      %add3A_338 = vector.broadcast %add3A_337 : i32 to vector<16xi32>
      %add3A_339 = arith.addi %iota3A, %add3A_338 : vector<16xi32>
      %lt3A_340 = vector.broadcast %scan3A_281 : i32 to vector<16xi32>
      %lt3A_341 = arith.cmpi slt, %add3A_339, %lt3A_340 : vector<16xi32>
      %select_n3A_342 = arith.select %lt3A_341, %get3A_336, %gather3A_284 : vector<16xi1>, vector<16xi32>
      %swap3A_343 = arith.constant 80 : index
      %swap3A_344 = tpu.vector_load %arg9[%swap3A_343] {strides = array<i32>} : memref<1040xi32, #tpu.memory_space<vmem>>, vector<16xi32>,
      tpu.vector_store %arg9[%swap3A_343], %select_n3A_342 {strides = array<i32>} : memref<1040xi32, #tpu.memory_space<vmem>>, vector<16xi32>,
      %get3A_345 = arith.constant 96 : index
      %get3A_346 = tpu.vector_load %arg9[%get3A_345] {strides = array<i32>} : memref<1040xi32, #tpu.memory_space<vmem>>, vector<16xi32>,
      %add3A_347 = arith.constant 96 : i32
      %add3A_348 = vector.broadcast %add3A_347 : i32 to vector<16xi32>
      %add3A_349 = arith.addi %iota3A, %add3A_348 : vector<16xi32>
      %lt3A_350 = vector.broadcast %scan3A_281 : i32 to vector<16xi32>
      %lt3A_351 = arith.cmpi slt, %add3A_349, %lt3A_350 : vector<16xi32>
      %select_n3A_352 = arith.select %lt3A_351, %get3A_346, %gather3A_284 : vector<16xi1>, vector<16xi32>
      %swap3A_353 = arith.constant 96 : index
      %swap3A_354 = tpu.vector_load %arg9[%swap3A_353] {strides = array<i32>} : memref<1040xi32, #tpu.memory_space<vmem>>, vector<16xi32>,
      tpu.vector_store %arg9[%swap3A_353], %select_n3A_352 {strides = array<i32>} : memref<1040xi32, #tpu.memory_space<vmem>>, vector<16xi32>,
      %ge3A_355 = arith.constant 2 : i32
      %ge3A_356 = arith.cmpi sge, %add3A_238, %ge3A_355 : i32
      %convert_element_type3A_357 = arith.extui %ge3A_356 : i1 to i32
      %cond3A_358 = arith.constant 0 : i32
      %cond3A_359 = arith.cmpi ne, %convert_element_type3A_357, %cond3A_358 : i32
      scf.if %cond3A_359 {
        %sub3A_414 = arith.constant 2 : i32
        %sub3A_415 = arith.subi %add3A_238, %sub3A_414 : i32
        %add3A_416 = arith.addi %mul3A_2, %sub3A_415 : i32
        %dma_wait3A_417 = arith.constant 1 : i32
        %dma_wait3A_418 = arith.constant 1 : i32
        %dma_wait3A_419 = arith.constant 0 : i32
        %dma_wait3A_420 = arith.constant 0 : i32
        %dma_wait3A_421 = tpu.memref_slice %arg11[%dma_wait3A_417, %dma_wait3A_419, %dma_wait3A_420] : memref<2x104x128xf32, #tpu.memory_space<vmem>> -> memref<1x104x128xf32, #tpu.memory_space<vmem>>
        %dma_wait3A_422 = tpu.memref_squeeze %dma_wait3A_421 : memref<1x104x128xf32, #tpu.memory_space<vmem>> -> memref<104x128xf32, #tpu.memory_space<vmem>>
        %dma_wait3A_423 = arith.constant 0 : i32
        %dma_wait3A_424 = arith.constant 0 : i32
        %dma_wait3A_425 = tpu.memref_slice %arg5[%add3A_416, %dma_wait3A_423, %dma_wait3A_424] : memref<8192x104x128xf32, #tpu.memory_space<hbm>> -> memref<1x104x128xf32, #tpu.memory_space<hbm>>
        %dma_wait3A_426 = tpu.memref_squeeze %dma_wait3A_425 : memref<1x104x128xf32, #tpu.memory_space<hbm>> -> memref<104x128xf32, #tpu.memory_space<hbm>>
        %dma_wait3A_427 = tpu.memref_slice %arg14[%dma_wait3A_418] : memref<2x!tpu.dma_semaphore, #tpu.memory_space<semaphore_mem>> -> memref<1x!tpu.dma_semaphore, #tpu.memory_space<semaphore_mem>>
        %dma_wait3A_428 = tpu.memref_squeeze %dma_wait3A_427 : memref<1x!tpu.dma_semaphore, #tpu.memory_space<semaphore_mem>> -> memref<!tpu.dma_semaphore, #tpu.memory_space<semaphore_mem>>
        %dma_wait3A_429 = arith.constant 0 : i32
        %dma_wait3A_430 = arith.constant 0 : i32
        %dma_wait3A_431 = tpu.memref_slice %arg5[%add3A_416, %dma_wait3A_429, %dma_wait3A_430] : memref<8192x104x128xf32, #tpu.memory_space<hbm>> -> memref<1x104x128xf32, #tpu.memory_space<hbm>>
        %dma_wait3A_432 = tpu.memref_squeeze %dma_wait3A_431 : memref<1x104x128xf32, #tpu.memory_space<hbm>> -> memref<104x128xf32, #tpu.memory_space<hbm>>
        %dma_wait3A_433 = arith.constant 0 : i32
        %dma_wait3A_434 = arith.constant 0 : i32
        %dma_wait3A_435 = tpu.memref_slice %arg11[%dma_wait3A_417, %dma_wait3A_433, %dma_wait3A_434] : memref<2x104x128xf32, #tpu.memory_space<vmem>> -> memref<1x104x128xf32, #tpu.memory_space<vmem>>
        %dma_wait3A_436 = tpu.memref_squeeze %dma_wait3A_435 : memref<1x104x128xf32, #tpu.memory_space<vmem>> -> memref<104x128xf32, #tpu.memory_space<vmem>>
        tpu.wait_dma2 semaphore(%dma_wait3A_428 : memref<!tpu.dma_semaphore, #tpu.memory_space<semaphore_mem>>) src(%dma_wait3A_436 : memref<104x128xf32, #tpu.memory_space<vmem>>) dst(%dma_wait3A_432 : memref<104x128xf32, #tpu.memory_space<hbm>>)
      } else {
      }
      %dma_start3A_360 = arith.constant 1 : i32
      %dma_start3A_361 = arith.constant 1 : i32
      %dma_start3A_362 = arith.constant 0 : i32
      %dma_start3A_363 = arith.constant 0 : i32
      %dma_start3A_364 = tpu.memref_slice %arg11[%dma_start3A_360, %dma_start3A_362, %dma_start3A_363] : memref<2x104x128xf32, #tpu.memory_space<vmem>> -> memref<1x104x128xf32, #tpu.memory_space<vmem>>
      %dma_start3A_365 = tpu.memref_squeeze %dma_start3A_364 : memref<1x104x128xf32, #tpu.memory_space<vmem>> -> memref<104x128xf32, #tpu.memory_space<vmem>>
      %dma_start3A_366 = arith.constant 0 : i32
      %dma_start3A_367 = tpu.memref_slice %arg9[%dma_start3A_366] : memref<1040xi32, #tpu.memory_space<vmem>> -> memref<104xi32, #tpu.memory_space<vmem>>
      %dma_start3A_368 = arith.constant 0 : i32
      %dma_start3A_369 = arith.constant 0 : i32
      %dma_start3A_370 = tpu.memref_slice %arg4[%dma_start3A_368, %dma_start3A_369] : memref<8192x128xf32, #tpu.memory_space<hbm>> -> memref<8192x128xf32, #tpu.memory_space<hbm>>
      %dma_start3A_371 = tpu.memref_slice %arg13[%dma_start3A_361] : memref<2x!tpu.dma_semaphore, #tpu.memory_space<semaphore_mem>> -> memref<1x!tpu.dma_semaphore, #tpu.memory_space<semaphore_mem>>
      %dma_start3A_372 = tpu.memref_squeeze %dma_start3A_371 : memref<1x!tpu.dma_semaphore, #tpu.memory_space<semaphore_mem>> -> memref<!tpu.dma_semaphore, #tpu.memory_space<semaphore_mem>>
      tpu.enqueue_indirect_dma source(%dma_start3A_370 : memref<8192x128xf32, #tpu.memory_space<hbm>>) target(%dma_start3A_365 : memref<104x128xf32, #tpu.memory_space<vmem>>) offsets(%dma_start3A_367 : memref<104xi32, #tpu.memory_space<vmem>>) semaphore(%dma_start3A_372 : memref<!tpu.dma_semaphore, #tpu.memory_space<semaphore_mem>>)
      %add3A_373 = arith.constant 2 : i32
      %add3A_374 = arith.addi %add3A_238, %add3A_373 : i32
      %lt3A_375 = arith.constant 256 : i32
      %lt3A_376 = arith.cmpi slt, %add3A_374, %lt3A_375 : i32
      %convert_element_type3A_377 = arith.extui %lt3A_376 : i1 to i32
      %cond3A_378 = arith.constant 0 : i32
      %cond3A_379 = arith.cmpi ne, %convert_element_type3A_377, %cond3A_378 : i32
      scf.if %cond3A_379 {
        %add3A_414 = arith.constant 2 : i32
        %add3A_415 = arith.addi %add3A_238, %add3A_414 : i32
        %add3A_416 = arith.addi %mul3A_2, %add3A_415 : i32
        %dma_start3A_417 = arith.constant 1 : i32
        %dma_start3A_418 = arith.constant 0 : i32
        %dma_start3A_419 = tpu.memref_slice %arg2[%add3A_416, %dma_start3A_418] : memref<8192x1024xi32, #tpu.memory_space<hbm>> -> memref<1x1024xi32, #tpu.memory_space<hbm>>
        %dma_start3A_420 = tpu.memref_squeeze %dma_start3A_419 : memref<1x1024xi32, #tpu.memory_space<hbm>> -> memref<1024xi32, #tpu.memory_space<hbm>>
        %dma_start3A_421 = tpu.memref_slice %arg12[%dma_start3A_417] : memref<2x!tpu.dma_semaphore, #tpu.memory_space<semaphore_mem>> -> memref<1x!tpu.dma_semaphore, #tpu.memory_space<semaphore_mem>>
        %dma_start3A_422 = tpu.memref_squeeze %dma_start3A_421 : memref<1x!tpu.dma_semaphore, #tpu.memory_space<semaphore_mem>> -> memref<!tpu.dma_semaphore, #tpu.memory_space<semaphore_mem>>
        %dma_start3A_423 = arith.constant 0 : i32
        %dma_start3A_424 = tpu.memref_slice %arg2[%add3A_416, %dma_start3A_423] : memref<8192x1024xi32, #tpu.memory_space<hbm>> -> memref<1x1024xi32, #tpu.memory_space<hbm>>
        %dma_start3A_425 = tpu.memref_squeeze %dma_start3A_424 : memref<1x1024xi32, #tpu.memory_space<hbm>> -> memref<1024xi32, #tpu.memory_space<hbm>>
        tpu.enqueue_dma source(%dma_start3A_425 : memref<1024xi32, #tpu.memory_space<hbm>>) target(%arg7 : memref<1024xi32, #tpu.memory_space<vmem>>) target_semaphore(%dma_start3A_422 : memref<!tpu.dma_semaphore, #tpu.memory_space<semaphore_mem>>)
      } else {
      }
      %dma_wait3A_380 = arith.constant 1 : i32
      %dma_wait3A_381 = arith.constant 1 : i32
      %dma_wait3A_382 = arith.constant 0 : i32
      %dma_wait3A_383 = arith.constant 0 : i32
      %dma_wait3A_384 = tpu.memref_slice %arg11[%dma_wait3A_380, %dma_wait3A_382, %dma_wait3A_383] : memref<2x104x128xf32, #tpu.memory_space<vmem>> -> memref<1x104x128xf32, #tpu.memory_space<vmem>>
      %dma_wait3A_385 = tpu.memref_squeeze %dma_wait3A_384 : memref<1x104x128xf32, #tpu.memory_space<vmem>> -> memref<104x128xf32, #tpu.memory_space<vmem>>
      %dma_wait3A_386 = arith.constant 0 : i32
      %dma_wait3A_387 = tpu.memref_slice %arg9[%dma_wait3A_386] : memref<1040xi32, #tpu.memory_space<vmem>> -> memref<104xi32, #tpu.memory_space<vmem>>
      %dma_wait3A_388 = arith.constant 0 : i32
      %dma_wait3A_389 = arith.constant 0 : i32
      %dma_wait3A_390 = tpu.memref_slice %arg4[%dma_wait3A_388, %dma_wait3A_389] : memref<8192x128xf32, #tpu.memory_space<hbm>> -> memref<8192x128xf32, #tpu.memory_space<hbm>>
      %dma_wait3A_391 = tpu.memref_slice %arg13[%dma_wait3A_381] : memref<2x!tpu.dma_semaphore, #tpu.memory_space<semaphore_mem>> -> memref<1x!tpu.dma_semaphore, #tpu.memory_space<semaphore_mem>>
      %dma_wait3A_392 = tpu.memref_squeeze %dma_wait3A_391 : memref<1x!tpu.dma_semaphore, #tpu.memory_space<semaphore_mem>> -> memref<!tpu.dma_semaphore, #tpu.memory_space<semaphore_mem>>
      tpu.wait_indirect_dma semaphore(%dma_wait3A_392 : memref<!tpu.dma_semaphore, #tpu.memory_space<semaphore_mem>>) src(%dma_wait3A_390 : memref<8192x128xf32, #tpu.memory_space<hbm>>) dst(%dma_wait3A_385 : memref<104x128xf32, #tpu.memory_space<vmem>>)
      %add3A_393 = arith.addi %mul3A_2, %add3A_238 : i32
      %dma_start3A_394 = arith.constant 1 : i32
      %dma_start3A_395 = arith.constant 1 : i32
      %dma_start3A_396 = arith.constant 0 : i32
      %dma_start3A_397 = arith.constant 0 : i32
      %dma_start3A_398 = tpu.memref_slice %arg11[%dma_start3A_394, %dma_start3A_396, %dma_start3A_397] : memref<2x104x128xf32, #tpu.memory_space<vmem>> -> memref<1x104x128xf32, #tpu.memory_space<vmem>>
      %dma_start3A_399 = tpu.memref_squeeze %dma_start3A_398 : memref<1x104x128xf32, #tpu.memory_space<vmem>> -> memref<104x128xf32, #tpu.memory_space<vmem>>
      %dma_start3A_400 = arith.constant 0 : i32
      %dma_start3A_401 = arith.constant 0 : i32
      %dma_start3A_402 = tpu.memref_slice %arg5[%add3A_393, %dma_start3A_400, %dma_start3A_401] : memref<8192x104x128xf32, #tpu.memory_space<hbm>> -> memref<1x104x128xf32, #tpu.memory_space<hbm>>
      %dma_start3A_403 = tpu.memref_squeeze %dma_start3A_402 : memref<1x104x128xf32, #tpu.memory_space<hbm>> -> memref<104x128xf32, #tpu.memory_space<hbm>>
      %dma_start3A_404 = tpu.memref_slice %arg14[%dma_start3A_395] : memref<2x!tpu.dma_semaphore, #tpu.memory_space<semaphore_mem>> -> memref<1x!tpu.dma_semaphore, #tpu.memory_space<semaphore_mem>>
      %dma_start3A_405 = tpu.memref_squeeze %dma_start3A_404 : memref<1x!tpu.dma_semaphore, #tpu.memory_space<semaphore_mem>> -> memref<!tpu.dma_semaphore, #tpu.memory_space<semaphore_mem>>
      %dma_start3A_406 = arith.constant 0 : i32
      %dma_start3A_407 = arith.constant 0 : i32
      %dma_start3A_408 = tpu.memref_slice %arg5[%add3A_393, %dma_start3A_406, %dma_start3A_407] : memref<8192x104x128xf32, #tpu.memory_space<hbm>> -> memref<1x104x128xf32, #tpu.memory_space<hbm>>
      %dma_start3A_409 = tpu.memref_squeeze %dma_start3A_408 : memref<1x104x128xf32, #tpu.memory_space<hbm>> -> memref<104x128xf32, #tpu.memory_space<hbm>>
      %dma_start3A_410 = arith.constant 0 : i32
      %dma_start3A_411 = arith.constant 0 : i32
      %dma_start3A_412 = tpu.memref_slice %arg11[%dma_start3A_394, %dma_start3A_410, %dma_start3A_411] : memref<2x104x128xf32, #tpu.memory_space<vmem>> -> memref<1x104x128xf32, #tpu.memory_space<vmem>>
      %dma_start3A_413 = tpu.memref_squeeze %dma_start3A_412 : memref<1x104x128xf32, #tpu.memory_space<vmem>> -> memref<104x128xf32, #tpu.memory_space<vmem>>
      tpu.enqueue_dma source(%dma_start3A_413 : memref<104x128xf32, #tpu.memory_space<vmem>>) target(%dma_start3A_409 : memref<104x128xf32, #tpu.memory_space<hbm>>) target_semaphore(%dma_start3A_405 : memref<!tpu.dma_semaphore, #tpu.memory_space<semaphore_mem>>)
    }
    %scan3A_27 = arith.constant 128 : i32
    %add3A_28 = arith.constant 254 : i32
    %add3A_29 = arith.addi %mul3A_2, %add3A_28 : i32
    %dma_wait3A = arith.constant 0 : i32
    %dma_wait3A_30 = arith.constant 0 : i32
    %dma_wait3A_31 = arith.constant 0 : i32
    %dma_wait3A_32 = arith.constant 0 : i32
    %dma_wait3A_33 = tpu.memref_slice %arg11[%dma_wait3A, %dma_wait3A_31, %dma_wait3A_32] : memref<2x104x128xf32, #tpu.memory_space<vmem>> -> memref<1x104x128xf32, #tpu.memory_space<vmem>>
    %dma_wait3A_34 = tpu.memref_squeeze %dma_wait3A_33 : memref<1x104x128xf32, #tpu.memory_space<vmem>> -> memref<104x128xf32, #tpu.memory_space<vmem>>
    %dma_wait3A_35 = arith.constant 0 : i32
    %dma_wait3A_36 = arith.constant 0 : i32
    %dma_wait3A_37 = tpu.memref_slice %arg5[%add3A_29, %dma_wait3A_35, %dma_wait3A_36] : memref<8192x104x128xf32, #tpu.memory_space<hbm>> -> memref<1x104x128xf32, #tpu.memory_space<hbm>>
    %dma_wait3A_38 = tpu.memref_squeeze %dma_wait3A_37 : memref<1x104x128xf32, #tpu.memory_space<hbm>> -> memref<104x128xf32, #tpu.memory_space<hbm>>
    %dma_wait3A_39 = tpu.memref_slice %arg14[%dma_wait3A_30] : memref<2x!tpu.dma_semaphore, #tpu.memory_space<semaphore_mem>> -> memref<1x!tpu.dma_semaphore, #tpu.memory_space<semaphore_mem>>
    %dma_wait3A_40 = tpu.memref_squeeze %dma_wait3A_39 : memref<1x!tpu.dma_semaphore, #tpu.memory_space<semaphore_mem>> -> memref<!tpu.dma_semaphore, #tpu.memory_space<semaphore_mem>>
    %dma_wait3A_41 = arith.constant 0 : i32
    %dma_wait3A_42 = arith.constant 0 : i32
    %dma_wait3A_43 = tpu.memref_slice %arg5[%add3A_29, %dma_wait3A_41, %dma_wait3A_42] : memref<8192x104x128xf32, #tpu.memory_space<hbm>> -> memref<1x104x128xf32, #tpu.memory_space<hbm>>
    %dma_wait3A_44 = tpu.memref_squeeze %dma_wait3A_43 : memref<1x104x128xf32, #tpu.memory_space<hbm>> -> memref<104x128xf32, #tpu.memory_space<hbm>>
    %dma_wait3A_45 = arith.constant 0 : i32
    %dma_wait3A_46 = arith.constant 0 : i32
    %dma_wait3A_47 = tpu.memref_slice %arg11[%dma_wait3A, %dma_wait3A_45, %dma_wait3A_46] : memref<2x104x128xf32, #tpu.memory_space<vmem>> -> memref<1x104x128xf32, #tpu.memory_space<vmem>>
    %dma_wait3A_48 = tpu.memref_squeeze %dma_wait3A_47 : memref<1x104x128xf32, #tpu.memory_space<vmem>> -> memref<104x128xf32, #tpu.memory_space<vmem>>
    tpu.wait_dma2 semaphore(%dma_wait3A_40 : memref<!tpu.dma_semaphore, #tpu.memory_space<semaphore_mem>>) src(%dma_wait3A_48 : memref<104x128xf32, #tpu.memory_space<vmem>>) dst(%dma_wait3A_44 : memref<104x128xf32, #tpu.memory_space<hbm>>)
    %add3A_49 = arith.constant 255 : i32
    %add3A_50 = arith.addi %mul3A_2, %add3A_49 : i32
    %dma_wait3A_51 = arith.constant 1 : i32
    %dma_wait3A_52 = arith.constant 1 : i32
    %dma_wait3A_53 = arith.constant 0 : i32
    %dma_wait3A_54 = arith.constant 0 : i32
    %dma_wait3A_55 = tpu.memref_slice %arg11[%dma_wait3A_51, %dma_wait3A_53, %dma_wait3A_54] : memref<2x104x128xf32, #tpu.memory_space<vmem>> -> memref<1x104x128xf32, #tpu.memory_space<vmem>>
    %dma_wait3A_56 = tpu.memref_squeeze %dma_wait3A_55 : memref<1x104x128xf32, #tpu.memory_space<vmem>> -> memref<104x128xf32, #tpu.memory_space<vmem>>
    %dma_wait3A_57 = arith.constant 0 : i32
    %dma_wait3A_58 = arith.constant 0 : i32
    %dma_wait3A_59 = tpu.memref_slice %arg5[%add3A_50, %dma_wait3A_57, %dma_wait3A_58] : memref<8192x104x128xf32, #tpu.memory_space<hbm>> -> memref<1x104x128xf32, #tpu.memory_space<hbm>>
    %dma_wait3A_60 = tpu.memref_squeeze %dma_wait3A_59 : memref<1x104x128xf32, #tpu.memory_space<hbm>> -> memref<104x128xf32, #tpu.memory_space<hbm>>
    %dma_wait3A_61 = tpu.memref_slice %arg14[%dma_wait3A_52] : memref<2x!tpu.dma_semaphore, #tpu.memory_space<semaphore_mem>> -> memref<1x!tpu.dma_semaphore, #tpu.memory_space<semaphore_mem>>
    %dma_wait3A_62 = tpu.memref_squeeze %dma_wait3A_61 : memref<1x!tpu.dma_semaphore, #tpu.memory_space<semaphore_mem>> -> memref<!tpu.dma_semaphore, #tpu.memory_space<semaphore_mem>>
    %dma_wait3A_63 = arith.constant 0 : i32
    %dma_wait3A_64 = arith.constant 0 : i32
    %dma_wait3A_65 = tpu.memref_slice %arg5[%add3A_50, %dma_wait3A_63, %dma_wait3A_64] : memref<8192x104x128xf32, #tpu.memory_space<hbm>> -> memref<1x104x128xf32, #tpu.memory_space<hbm>>
    %dma_wait3A_66 = tpu.memref_squeeze %dma_wait3A_65 : memref<1x104x128xf32, #tpu.memory_space<hbm>> -> memref<104x128xf32, #tpu.memory_space<hbm>>
    %dma_wait3A_67 = arith.constant 0 : i32
    %dma_wait3A_68 = arith.constant 0 : i32
    %dma_wait3A_69 = tpu.memref_slice %arg11[%dma_wait3A_51, %dma_wait3A_67, %dma_wait3A_68] : memref<2x104x128xf32, #tpu.memory_space<vmem>> -> memref<1x104x128xf32, #tpu.memory_space<vmem>>
    %dma_wait3A_70 = tpu.memref_squeeze %dma_wait3A_69 : memref<1x104x128xf32, #tpu.memory_space<vmem>> -> memref<104x128xf32, #tpu.memory_space<vmem>>
    tpu.wait_dma2 semaphore(%dma_wait3A_62 : memref<!tpu.dma_semaphore, #tpu.memory_space<semaphore_mem>>) src(%dma_wait3A_70 : memref<104x128xf32, #tpu.memory_space<vmem>>) dst(%dma_wait3A_66 : memref<104x128xf32, #tpu.memory_space<hbm>>)
    return
  }
}

#map = affine_map<(d0, d1) -> (0, 0)>
#map1 = affine_map<(d0, d1) -> (0)>
#map2 = affine_map<(d0, d1) -> (0, 0, 0)>
module attributes {stable_mosaic.version = 14 : i64} {
  func.func @k(%arg0: i32, %arg1: i32, %arg2: memref<8192x1024xi32, #tpu.memory_space<hbm>>, %arg3: memref<8192xi32, #tpu.memory_space<hbm>>, %arg4: memref<8192x128xf32, #tpu.memory_space<hbm>>, %arg5: memref<8192x104x128xf32, #tpu.memory_space<hbm>>, %arg6: memref<1024xi32, #tpu.memory_space<vmem>>, %arg7: memref<1024xi32, #tpu.memory_space<vmem>>, %arg8: memref<1040xi32, #tpu.memory_space<vmem>>, %arg9: memref<1040xi32, #tpu.memory_space<vmem>>, %arg10: memref<256xi32, #tpu.memory_space<vmem>>, %arg11: memref<2x104x128xf32, #tpu.memory_space<vmem>>, %arg12: memref<2x!tpu.dma_semaphore, #tpu.memory_space<semaphore_mem>>, %arg13: memref<2x!tpu.dma_semaphore, #tpu.memory_space<semaphore_mem>>, %arg14: memref<2x!tpu.dma_semaphore, #tpu.memory_space<semaphore_mem>>) attributes {dimension_semantics = [#tpu.dimension_semantics<core_parallel>, #tpu.dimension_semantics<subcore_parallel>], iteration_bounds = array<i64: 2, 16>, scalar_prefetch = 0 : i64, scratch_operands = 9 : i64, tpu.core_type = #tpu.core_type<sc_vector_subcore>, window_params = [{transform_indices = #map}, {transform_indices = #map1}, {transform_indices = #map}, {transform_indices = #map2}]} {
    %mul3A = arith.constant 2 : i32
    %mul3A_0 = arith.muli %arg1, %mul3A : i32
    %add3A = arith.addi %mul3A_0, %arg0 : i32
    %mul3A_1 = arith.constant 256 : i32
    %mul3A_2 = arith.muli %add3A, %mul3A_1 : i32
    "tpu.region"() ({
      %run_scoped3A = tpu.sem_alloc : memref<!tpu.dma_semaphore, #tpu.memory_space<semaphore_mem>>
      %dma_start3A_71 = tpu.memref_slice %arg3[%mul3A_2] : memref<8192xi32, #tpu.memory_space<hbm>> -> memref<256xi32, #tpu.memory_space<hbm>>
      %dma_start3A_72 = tpu.memref_slice %arg3[%mul3A_2] : memref<8192xi32, #tpu.memory_space<hbm>> -> memref<256xi32, #tpu.memory_space<hbm>>
      tpu.enqueue_dma source(%dma_start3A_72 : memref<256xi32, #tpu.memory_space<hbm>>) target(%arg10 : memref<256xi32, #tpu.memory_space<vmem>>) target_semaphore(%run_scoped3A : memref<!tpu.dma_semaphore, #tpu.memory_space<semaphore_mem>>)
      %dma_wait3A_73 = tpu.memref_slice %arg3[%mul3A_2] : memref<8192xi32, #tpu.memory_space<hbm>> -> memref<256xi32, #tpu.memory_space<hbm>>
      %dma_wait3A_74 = tpu.memref_slice %arg3[%mul3A_2] : memref<8192xi32, #tpu.memory_space<hbm>> -> memref<256xi32, #tpu.memory_space<hbm>>
      tpu.wait_dma2 semaphore(%run_scoped3A : memref<!tpu.dma_semaphore, #tpu.memory_space<semaphore_mem>>) src(%dma_wait3A_74 : memref<256xi32, #tpu.memory_space<hbm>>) dst(%arg10 : memref<256xi32, #tpu.memory_space<vmem>>)
      tpu.yield
    }) : () -> ()
    %iota3A = tpu.iota {dimensions = array<i32: 0>} : vector<16xi32>
    %add3A_3 = arith.constant 0 : i32
    %add3A_4 = arith.addi %mul3A_2, %add3A_3 : i32
    %dma_start3A = arith.constant 0 : i32
    %dma_start3A_5 = arith.constant 0 : i32
    %dma_start3A_6 = tpu.memref_slice %arg2[%add3A_4, %dma_start3A_5] : memref<8192x1024xi32, #tpu.memory_space<hbm>> -> memref<1x1024xi32, #tpu.memory_space<hbm>>
    %dma_start3A_7 = tpu.memref_squeeze %dma_start3A_6 : memref<1x1024xi32, #tpu.memory_space<hbm>> -> memref<1024xi32, #tpu.memory_space<hbm>>
    %dma_start3A_8 = tpu.memref_slice %arg12[%dma_start3A] : memref<2x!tpu.dma_semaphore, #tpu.memory_space<semaphore_mem>> -> memref<1x!tpu.dma_semaphore, #tpu.memory_space<semaphore_mem>>
    %dma_start3A_9 = tpu.memref_squeeze %dma_start3A_8 : memref<1x!tpu.dma_semaphore, #tpu.memory_space<semaphore_mem>> -> memref<!tpu.dma_semaphore, #tpu.memory_space<semaphore_mem>>
    %dma_start3A_10 = arith.constant 0 : i32
    %dma_start3A_11 = tpu.memref_slice %arg2[%add3A_4, %dma_start3A_10] : memref<8192x1024xi32, #tpu.memory_space<hbm>> -> memref<1x1024xi32, #tpu.memory_space<hbm>>
    %dma_start3A_12 = tpu.memref_squeeze %dma_start3A_11 : memref<1x1024xi32, #tpu.memory_space<hbm>> -> memref<1024xi32, #tpu.memory_space<hbm>>
    tpu.enqueue_dma source(%dma_start3A_12 : memref<1024xi32, #tpu.memory_space<hbm>>) target(%arg6 : memref<1024xi32, #tpu.memory_space<vmem>>) target_semaphore(%dma_start3A_9 : memref<!tpu.dma_semaphore, #tpu.memory_space<semaphore_mem>>)
    %add3A_13 = arith.constant 1 : i32
    %add3A_14 = arith.addi %mul3A_2, %add3A_13 : i32
    %dma_start3A_15 = arith.constant 1 : i32
    %dma_start3A_16 = arith.constant 0 : i32
    %dma_start3A_17 = tpu.memref_slice %arg2[%add3A_14, %dma_start3A_16] : memref<8192x1024xi32, #tpu.memory_space<hbm>> -> memref<1x1024xi32, #tpu.memory_space<hbm>>
    %dma_start3A_18 = tpu.memref_squeeze %dma_start3A_17 : memref<1x1024xi32, #tpu.memory_space<hbm>> -> memref<1024xi32, #tpu.memory_space<hbm>>
    %dma_start3A_19 = tpu.memref_slice %arg12[%dma_start3A_15] : memref<2x!tpu.dma_semaphore, #tpu.memory_space<semaphore_mem>> -> memref<1x!tpu.dma_semaphore, #tpu.memory_space<semaphore_mem>>
    %dma_start3A_20 = tpu.memref_squeeze %dma_start3A_19 : memref<1x!tpu.dma_semaphore, #tpu.memory_space<semaphore_mem>> -> memref<!tpu.dma_semaphore, #tpu.memory_space<semaphore_mem>>
    %dma_start3A_21 = arith.constant 0 : i32
    %dma_start3A_22 = tpu.memref_slice %arg2[%add3A_14, %dma_start3A_21] : memref<8192x1024xi32, #tpu.memory_space<hbm>> -> memref<1x1024xi32, #tpu.memory_space<hbm>>
    %dma_start3A_23 = tpu.memref_squeeze %dma_start3A_22 : memref<1x1024xi32, #tpu.memory_space<hbm>> -> memref<1024xi32, #tpu.memory_space<hbm>>
    tpu.enqueue_dma source(%dma_start3A_23 : memref<1024xi32, #tpu.memory_space<hbm>>) target(%arg7 : memref<1024xi32, #tpu.memory_space<vmem>>) target_semaphore(%dma_start3A_20 : memref<!tpu.dma_semaphore, #tpu.memory_space<semaphore_mem>>)
    %scan3A = arith.constant 0 : i32
    %scan3A_24 = arith.constant 128 : i32
    %scan3A_25 = arith.addi %scan3A, %scan3A_24 : i32
    %scan3A_26 = arith.constant 1 : i32
    scf.for %scan3A_71 = %scan3A to %scan3A_25 step %scan3A_26  : i32 {
      %mul3A_72 = arith.constant 2 : i32
      %mul3A_73 = arith.muli %scan3A_71, %mul3A_72 : i32
      %add3A_74 = arith.constant 0 : i32
      %add3A_75 = arith.addi %add3A_74, %mul3A_73 : i32
      %add3A_76 = arith.constant 0 : i32
      %add3A_77 = arith.addi %add3A_75, %add3A_76 : i32
      %add3A_78 = arith.addi %mul3A_2, %add3A_77 : i32
      %jit3A = arith.constant 1024 : i32
      %div3A = arith.divsi %add3A_78, %jit3A : i32
      %sign3A = arith.constant 0 : i32
      %sign3A_79 = arith.cmpi sgt, %add3A_78, %sign3A : i32
      %sign3A_80 = arith.extui %sign3A_79 : i1 to i32
      %sign3A_81 = arith.constant 0 : i32
      %sign3A_82 = arith.cmpi slt, %add3A_78, %sign3A_81 : i32
      %sign3A_83 = arith.extui %sign3A_82 : i1 to i32
      %sign3A_84 = arith.subi %sign3A_80, %sign3A_83 : i32
      %sign3A_85 = arith.constant 0 : i32
      %sign3A_86 = arith.cmpi sgt, %jit3A, %sign3A_85 : i32
      %sign3A_87 = arith.extui %sign3A_86 : i1 to i32
      %sign3A_88 = arith.constant 0 : i32
      %sign3A_89 = arith.cmpi slt, %jit3A, %sign3A_88 : i32
      %sign3A_90 = arith.extui %sign3A_89 : i1 to i32
      %sign3A_91 = arith.subi %sign3A_87, %sign3A_90 : i32
      %ne3A = arith.cmpi ne, %sign3A_84, %sign3A_91 : i32
      %rem3A = arith.remsi %add3A_78, %jit3A : i32
      %ne3A_92 = arith.constant 0 : i32
      %ne3A_93 = arith.cmpi ne, %rem3A, %ne3A_92 : i32
      %and3A = arith.andi %ne3A, %ne3A_93 : i1
      %sub3A = arith.constant 1 : i32
      %sub3A_94 = arith.subi %div3A, %sub3A : i32
      %select_n3A = arith.select %and3A, %sub3A_94, %div3A : i32
      %mul3A_95 = arith.constant 1024 : i32
      %mul3A_96 = arith.muli %select_n3A, %mul3A_95 : i32
      %add3A_97 = arith.addi %mul3A_2, %add3A_77 : i32
      %dma_wait3A_98 = arith.constant 0 : i32
      %dma_wait3A_99 = arith.constant 0 : i32
      %dma_wait3A_100 = tpu.memref_slice %arg2[%add3A_97, %dma_wait3A_99] : memref<8192x1024xi32, #tpu.memory_space<hbm>> -> memref<1x1024xi32, #tpu.memory_space<hbm>>
      %dma_wait3A_101 = tpu.memref_squeeze %dma_wait3A_100 : memref<1x1024xi32, #tpu.memory_space<hbm>> -> memref<1024xi32, #tpu.memory_space<hbm>>
      %dma_wait3A_102 = tpu.memref_slice %arg12[%dma_wait3A_98] : memref<2x!tpu.dma_semaphore, #tpu.memory_space<semaphore_mem>> -> memref<1x!tpu.dma_semaphore, #tpu.memory_space<semaphore_mem>>
      %dma_wait3A_103 = tpu.memref_squeeze %dma_wait3A_102 : memref<1x!tpu.dma_semaphore, #tpu.memory_space<semaphore_mem>> -> memref<!tpu.dma_semaphore, #tpu.memory_space<semaphore_mem>>
      %dma_wait3A_104 = arith.constant 0 : i32
      %dma_wait3A_105 = tpu.memref_slice %arg2[%add3A_97, %dma_wait3A_104] : memref<8192x1024xi32, #tpu.memory_space<hbm>> -> memref<1x1024xi32, #tpu.memory_space<hbm>>
      %dma_wait3A_106 = tpu.memref_squeeze %dma_wait3A_105 : memref<1x1024xi32, #tpu.memory_space<hbm>> -> memref<1024xi32, #tpu.memory_space<hbm>>
      tpu.wait_dma2 semaphore(%dma_wait3A_103 : memref<!tpu.dma_semaphore, #tpu.memory_space<semaphore_mem>>) src(%dma_wait3A_106 : memref<1024xi32, #tpu.memory_space<hbm>>) dst(%arg6 : memref<1024xi32, #tpu.memory_space<vmem>>)
      %scan3A_107 = arith.constant 0 : i32
      %scan3A_108 = arith.constant 0 : i32
      %scan3A_109 = arith.constant 64 : i32
      %scan3A_110 = arith.addi %scan3A_108, %scan3A_109 : i32
      %scan3A_111 = arith.constant 1 : i32
      %scan3A_112 = scf.for %scan3A_414 = %scan3A_108 to %scan3A_110 step %scan3A_111 iter_args(%scan3A_415 = %scan3A_107) -> (i32)  : i32 {
        %mul3A_416 = arith.constant 16 : i32
        %mul3A_417 = arith.muli %scan3A_414, %mul3A_416 : i32
        %get3A_418 = arith.index_cast %mul3A_417 : i32 to index
        %get3A_419 = tpu.vector_load %arg6[%get3A_418] {strides = array<i32>} : memref<1024xi32, #tpu.memory_space<vmem>>, vector<16xi32>,
        %gt3A = arith.constant 0 : i32
        %gt3A_420 = vector.broadcast %gt3A : i32 to vector<16xi32>
        %gt3A_421 = arith.cmpi sgt, %get3A_419, %gt3A_420 : vector<16xi32>
        %convert_element_type3A_422 = arith.extui %gt3A_421 : vector<16xi1> to vector<16xi32>
        %mul3A_423 = arith.constant 16 : i32
        %mul3A_424 = arith.muli %scan3A_414, %mul3A_423 : i32
        %add3A_425 = arith.addi %mul3A_96, %mul3A_424 : i32
        %add3A_426 = vector.broadcast %add3A_425 : i32 to vector<16xi32>
        %add3A_427 = arith.addi %iota3A, %add3A_426 : vector<16xi32>
        %broadcast_in_dim3A_428 = arith.constant true
        %broadcast_in_dim3A_429 = vector.broadcast %broadcast_in_dim3A_428 : i1 to vector<16xi1>
        %masked_cumsum3A = tpu.scan <sum>, %convert_element_type3A_422 masked %broadcast_in_dim3A_429 : vector<16xi32>, vector<16xi1> -> vector<16xi32>
        %add3A_430 = vector.broadcast %scan3A_415 : i32 to vector<16xi32>
        %add3A_431 = arith.addi %add3A_430, %masked_cumsum3A : vector<16xi32>
        %sub3A_432 = arith.subi %add3A_431, %convert_element_type3A_422 : vector<16xi32>
        tpu.vector_store_idx %arg8[%sub3A_432], %add3A_427 masked %gt3A_421 : memref<1040xi32, #tpu.memory_space<vmem>>[vector<16xi32>], vector<16xi32>, vector<16xi1>
        %reduce_sum3A = arith.constant true
        %reduce_sum3A_433 = vector.broadcast %reduce_sum3A : i1 to vector<16xi1>
        %reduce_sum3A_434 = tpu.scan <sum>, %convert_element_type3A_422 masked %reduce_sum3A_433 : vector<16xi32>, vector<16xi1> -> vector<16xi32>
        %reduce_sum3A_435 = vector.extract %reduce_sum3A_434[15] : i32 from vector<16xi32>
        %add3A_436 = arith.addi %scan3A_415, %reduce_sum3A_435 : i32
        scf.yield %add3A_436 : i32
      }
      %scan3A_113 = arith.constant 64 : i32
      %broadcast_in_dim3A = vector.broadcast %add3A_77 : i32 to vector<16xi32>
      %gather3A = tpu.vector_load_idx %arg10[%broadcast_in_dim3A] : memref<256xi32, #tpu.memory_space<vmem>>[vector<16xi32>], vector<16xi32>,
      %get3A = arith.constant 0 : index
      %get3A_114 = tpu.vector_load %arg8[%get3A] {strides = array<i32>} : memref<1040xi32, #tpu.memory_space<vmem>>, vector<16xi32>,
      %add3A_115 = arith.constant 0 : i32
      %add3A_116 = vector.broadcast %add3A_115 : i32 to vector<16xi32>
      %add3A_117 = arith.addi %iota3A, %add3A_116 : vector<16xi32>
      %lt3A = vector.broadcast %scan3A_112 : i32 to vector<16xi32>
      %lt3A_118 = arith.cmpi slt, %add3A_117, %lt3A : vector<16xi32>
      %select_n3A_119 = arith.select %lt3A_118, %get3A_114, %gather3A : vector<16xi1>, vector<16xi32>
      %swap3A = arith.constant 0 : index
      %swap3A_120 = tpu.vector_load %arg8[%swap3A] {strides = array<i32>} : memref<1040xi32, #tpu.memory_space<vmem>>, vector<16xi32>,
      tpu.vector_store %arg8[%swap3A], %select_n3A_119 {strides = array<i32>} : memref<1040xi32, #tpu.memory_space<vmem>>, vector<16xi32>,
      %get3A_121 = arith.constant 16 : index
      %get3A_122 = tpu.vector_load %arg8[%get3A_121] {strides = array<i32>} : memref<1040xi32, #tpu.memory_space<vmem>>, vector<16xi32>,
      %add3A_123 = arith.constant 16 : i32
      %add3A_124 = vector.broadcast %add3A_123 : i32 to vector<16xi32>
      %add3A_125 = arith.addi %iota3A, %add3A_124 : vector<16xi32>
      %lt3A_126 = vector.broadcast %scan3A_112 : i32 to vector<16xi32>
      %lt3A_127 = arith.cmpi slt, %add3A_125, %lt3A_126 : vector<16xi32>
      %select_n3A_128 = arith.select %lt3A_127, %get3A_122, %gather3A : vector<16xi1>, vector<16xi32>
      %swap3A_129 = arith.constant 16 : index
      %swap3A_130 = tpu.vector_load %arg8[%swap3A_129] {strides = array<i32>} : memref<1040xi32, #tpu.memory_space<vmem>>, vector<16xi32>,
      tpu.vector_store %arg8[%swap3A_129], %select_n3A_128 {strides = array<i32>} : memref<1040xi32, #tpu.memory_space<vmem>>, vector<16xi32>,
      %get3A_131 = arith.constant 32 : index
      %get3A_132 = tpu.vector_load %arg8[%get3A_131] {strides = array<i32>} : memref<1040xi32, #tpu.memory_space<vmem>>, vector<16xi32>,
      %add3A_133 = arith.constant 32 : i32
      %add3A_134 = vector.broadcast %add3A_133 : i32 to vector<16xi32>
      %add3A_135 = arith.addi %iota3A, %add3A_134 : vector<16xi32>
      %lt3A_136 = vector.broadcast %scan3A_112 : i32 to vector<16xi32>
      %lt3A_137 = arith.cmpi slt, %add3A_135, %lt3A_136 : vector<16xi32>
      %select_n3A_138 = arith.select %lt3A_137, %get3A_132, %gather3A : vector<16xi1>, vector<16xi32>
      %swap3A_139 = arith.constant 32 : index
      %swap3A_140 = tpu.vector_load %arg8[%swap3A_139] {strides = array<i32>} : memref<1040xi32, #tpu.memory_space<vmem>>, vector<16xi32>,
      tpu.vector_store %arg8[%swap3A_139], %select_n3A_138 {strides = array<i32>} : memref<1040xi32, #tpu.memory_space<vmem>>, vector<16xi32>,
      %get3A_141 = arith.constant 48 : index
      %get3A_142 = tpu.vector_load %arg8[%get3A_141] {strides = array<i32>} : memref<1040xi32, #tpu.memory_space<vmem>>, vector<16xi32>,
      %add3A_143 = arith.constant 48 : i32
      %add3A_144 = vector.broadcast %add3A_143 : i32 to vector<16xi32>
      %add3A_145 = arith.addi %iota3A, %add3A_144 : vector<16xi32>
      %lt3A_146 = vector.broadcast %scan3A_112 : i32 to vector<16xi32>
      %lt3A_147 = arith.cmpi slt, %add3A_145, %lt3A_146 : vector<16xi32>
      %select_n3A_148 = arith.select %lt3A_147, %get3A_142, %gather3A : vector<16xi1>, vector<16xi32>
      %swap3A_149 = arith.constant 48 : index
      %swap3A_150 = tpu.vector_load %arg8[%swap3A_149] {strides = array<i32>} : memref<1040xi32, #tpu.memory_space<vmem>>, vector<16xi32>,
      tpu.vector_store %arg8[%swap3A_149], %select_n3A_148 {strides = array<i32>} : memref<1040xi32, #tpu.memory_space<vmem>>, vector<16xi32>,
      %get3A_151 = arith.constant 64 : index
      %get3A_152 = tpu.vector_load %arg8[%get3A_151] {strides = array<i32>} : memref<1040xi32, #tpu.memory_space<vmem>>, vector<16xi32>,
      %add3A_153 = arith.constant 64 : i32
      %add3A_154 = vector.broadcast %add3A_153 : i32 to vector<16xi32>
      %add3A_155 = arith.addi %iota3A, %add3A_154 : vector<16xi32>
      %lt3A_156 = vector.broadcast %scan3A_112 : i32 to vector<16xi32>
      %lt3A_157 = arith.cmpi slt, %add3A_155, %lt3A_156 : vector<16xi32>
      %select_n3A_158 = arith.select %lt3A_157, %get3A_152, %gather3A : vector<16xi1>, vector<16xi32>
      %swap3A_159 = arith.constant 64 : index
      %swap3A_160 = tpu.vector_load %arg8[%swap3A_159] {strides = array<i32>} : memref<1040xi32, #tpu.memory_space<vmem>>, vector<16xi32>,
      tpu.vector_store %arg8[%swap3A_159], %select_n3A_158 {strides = array<i32>} : memref<1040xi32, #tpu.memory_space<vmem>>, vector<16xi32>,
      %get3A_161 = arith.constant 80 : index
      %get3A_162 = tpu.vector_load %arg8[%get3A_161] {strides = array<i32>} : memref<1040xi32, #tpu.memory_space<vmem>>, vector<16xi32>,
      %add3A_163 = arith.constant 80 : i32
      %add3A_164 = vector.broadcast %add3A_163 : i32 to vector<16xi32>
      %add3A_165 = arith.addi %iota3A, %add3A_164 : vector<16xi32>
      %lt3A_166 = vector.broadcast %scan3A_112 : i32 to vector<16xi32>
      %lt3A_167 = arith.cmpi slt, %add3A_165, %lt3A_166 : vector<16xi32>
      %select_n3A_168 = arith.select %lt3A_167, %get3A_162, %gather3A : vector<16xi1>, vector<16xi32>
      %swap3A_169 = arith.constant 80 : index
      %swap3A_170 = tpu.vector_load %arg8[%swap3A_169] {strides = array<i32>} : memref<1040xi32, #tpu.memory_space<vmem>>, vector<16xi32>,
      tpu.vector_store %arg8[%swap3A_169], %select_n3A_168 {strides = array<i32>} : memref<1040xi32, #tpu.memory_space<vmem>>, vector<16xi32>,
      %get3A_171 = arith.constant 96 : index
      %get3A_172 = tpu.vector_load %arg8[%get3A_171] {strides = array<i32>} : memref<1040xi32, #tpu.memory_space<vmem>>, vector<16xi32>,
      %add3A_173 = arith.constant 96 : i32
      %add3A_174 = vector.broadcast %add3A_173 : i32 to vector<16xi32>
      %add3A_175 = arith.addi %iota3A, %add3A_174 : vector<16xi32>
      %lt3A_176 = vector.broadcast %scan3A_112 : i32 to vector<16xi32>
      %lt3A_177 = arith.cmpi slt, %add3A_175, %lt3A_176 : vector<16xi32>
      %select_n3A_178 = arith.select %lt3A_177, %get3A_172, %gather3A : vector<16xi1>, vector<16xi32>
      %swap3A_179 = arith.constant 96 : index
      %swap3A_180 = tpu.vector_load %arg8[%swap3A_179] {strides = array<i32>} : memref<1040xi32, #tpu.memory_space<vmem>>, vector<16xi32>,
      tpu.vector_store %arg8[%swap3A_179], %select_n3A_178 {strides = array<i32>} : memref<1040xi32, #tpu.memory_space<vmem>>, vector<16xi32>,
      %ge3A = arith.constant 2 : i32
      %ge3A_181 = arith.cmpi sge, %add3A_77, %ge3A : i32
      %convert_element_type3A = arith.extui %ge3A_181 : i1 to i32
      %cond3A = arith.constant 0 : i32
      %cond3A_182 = arith.cmpi ne, %convert_element_type3A, %cond3A : i32
      scf.if %cond3A_182 {
        %sub3A_414 = arith.constant 2 : i32
        %sub3A_415 = arith.subi %add3A_77, %sub3A_414 : i32
        %add3A_416 = arith.addi %mul3A_2, %sub3A_415 : i32
        %dma_wait3A_417 = arith.constant 0 : i32
        %dma_wait3A_418 = arith.constant 0 : i32
        %dma_wait3A_419 = arith.constant 0 : i32
        %dma_wait3A_420 = arith.constant 0 : i32
        %dma_wait3A_421 = tpu.memref_slice %arg11[%dma_wait3A_417, %dma_wait3A_419, %dma_wait3A_420] : memref<2x104x128xf32, #tpu.memory_space<vmem>> -> memref<1x104x128xf32, #tpu.memory_space<vmem>>
        %dma_wait3A_422 = tpu.memref_squeeze %dma_wait3A_421 : memref<1x104x128xf32, #tpu.memory_space<vmem>> -> memref<104x128xf32, #tpu.memory_space<vmem>>
        %dma_wait3A_423 = arith.constant 0 : i32
        %dma_wait3A_424 = arith.constant 0 : i32
        %dma_wait3A_425 = tpu.memref_slice %arg5[%add3A_416, %dma_wait3A_423, %dma_wait3A_424] : memref<8192x104x128xf32, #tpu.memory_space<hbm>> -> memref<1x104x128xf32, #tpu.memory_space<hbm>>
        %dma_wait3A_426 = tpu.memref_squeeze %dma_wait3A_425 : memref<1x104x128xf32, #tpu.memory_space<hbm>> -> memref<104x128xf32, #tpu.memory_space<hbm>>
        %dma_wait3A_427 = tpu.memref_slice %arg14[%dma_wait3A_418] : memref<2x!tpu.dma_semaphore, #tpu.memory_space<semaphore_mem>> -> memref<1x!tpu.dma_semaphore, #tpu.memory_space<semaphore_mem>>
        %dma_wait3A_428 = tpu.memref_squeeze %dma_wait3A_427 : memref<1x!tpu.dma_semaphore, #tpu.memory_space<semaphore_mem>> -> memref<!tpu.dma_semaphore, #tpu.memory_space<semaphore_mem>>
        %dma_wait3A_429 = arith.constant 0 : i32
        %dma_wait3A_430 = arith.constant 0 : i32
        %dma_wait3A_431 = tpu.memref_slice %arg5[%add3A_416, %dma_wait3A_429, %dma_wait3A_430] : memref<8192x104x128xf32, #tpu.memory_space<hbm>> -> memref<1x104x128xf32, #tpu.memory_space<hbm>>
        %dma_wait3A_432 = tpu.memref_squeeze %dma_wait3A_431 : memref<1x104x128xf32, #tpu.memory_space<hbm>> -> memref<104x128xf32, #tpu.memory_space<hbm>>
        %dma_wait3A_433 = arith.constant 0 : i32
        %dma_wait3A_434 = arith.constant 0 : i32
        %dma_wait3A_435 = tpu.memref_slice %arg11[%dma_wait3A_417, %dma_wait3A_433, %dma_wait3A_434] : memref<2x104x128xf32, #tpu.memory_space<vmem>> -> memref<1x104x128xf32, #tpu.memory_space<vmem>>
        %dma_wait3A_436 = tpu.memref_squeeze %dma_wait3A_435 : memref<1x104x128xf32, #tpu.memory_space<vmem>> -> memref<104x128xf32, #tpu.memory_space<vmem>>
        tpu.wait_dma2 semaphore(%dma_wait3A_428 : memref<!tpu.dma_semaphore, #tpu.memory_space<semaphore_mem>>) src(%dma_wait3A_436 : memref<104x128xf32, #tpu.memory_space<vmem>>) dst(%dma_wait3A_432 : memref<104x128xf32, #tpu.memory_space<hbm>>)
      } else {
      }
      %dma_start3A_183 = arith.constant 0 : i32
      %dma_start3A_184 = arith.constant 0 : i32
      %dma_start3A_185 = arith.constant 0 : i32
      %dma_start3A_186 = arith.constant 0 : i32
      %dma_start3A_187 = tpu.memref_slice %arg11[%dma_start3A_183, %dma_start3A_185, %dma_start3A_186] : memref<2x104x128xf32, #tpu.memory_space<vmem>> -> memref<1x104x128xf32, #tpu.memory_space<vmem>>
      %dma_start3A_188 = tpu.memref_squeeze %dma_start3A_187 : memref<1x104x128xf32, #tpu.memory_space<vmem>> -> memref<104x128xf32, #tpu.memory_space<vmem>>
      %dma_start3A_189 = arith.constant 0 : i32
      %dma_start3A_190 = tpu.memref_slice %arg8[%dma_start3A_189] : memref<1040xi32, #tpu.memory_space<vmem>> -> memref<104xi32, #tpu.memory_space<vmem>>
      %dma_start3A_191 = arith.constant 0 : i32
      %dma_start3A_192 = arith.constant 0 : i32
      %dma_start3A_193 = tpu.memref_slice %arg4[%dma_start3A_191, %dma_start3A_192] : memref<8192x128xf32, #tpu.memory_space<hbm>> -> memref<8192x128xf32, #tpu.memory_space<hbm>>
      %dma_start3A_194 = tpu.memref_slice %arg13[%dma_start3A_184] : memref<2x!tpu.dma_semaphore, #tpu.memory_space<semaphore_mem>> -> memref<1x!tpu.dma_semaphore, #tpu.memory_space<semaphore_mem>>
      %dma_start3A_195 = tpu.memref_squeeze %dma_start3A_194 : memref<1x!tpu.dma_semaphore, #tpu.memory_space<semaphore_mem>> -> memref<!tpu.dma_semaphore, #tpu.memory_space<semaphore_mem>>
      tpu.enqueue_indirect_dma source(%dma_start3A_193 : memref<8192x128xf32, #tpu.memory_space<hbm>>) target(%dma_start3A_188 : memref<104x128xf32, #tpu.memory_space<vmem>>) offsets(%dma_start3A_190 : memref<104xi32, #tpu.memory_space<vmem>>) semaphore(%dma_start3A_195 : memref<!tpu.dma_semaphore, #tpu.memory_space<semaphore_mem>>)
      %add3A_196 = arith.constant 2 : i32
      %add3A_197 = arith.addi %add3A_77, %add3A_196 : i32
      %lt3A_198 = arith.constant 256 : i32
      %lt3A_199 = arith.cmpi slt, %add3A_197, %lt3A_198 : i32
      %convert_element_type3A_200 = arith.extui %lt3A_199 : i1 to i32
      %cond3A_201 = arith.constant 0 : i32
      %cond3A_202 = arith.cmpi ne, %convert_element_type3A_200, %cond3A_201 : i32
      scf.if %cond3A_202 {
        %add3A_414 = arith.constant 2 : i32
        %add3A_415 = arith.addi %add3A_77, %add3A_414 : i32
        %add3A_416 = arith.addi %mul3A_2, %add3A_415 : i32
        %dma_start3A_417 = arith.constant 0 : i32
        %dma_start3A_418 = arith.constant 0 : i32
        %dma_start3A_419 = tpu.memref_slice %arg2[%add3A_416, %dma_start3A_418] : memref<8192x1024xi32, #tpu.memory_space<hbm>> -> memref<1x1024xi32, #tpu.memory_space<hbm>>
        %dma_start3A_420 = tpu.memref_squeeze %dma_start3A_419 : memref<1x1024xi32, #tpu.memory_space<hbm>> -> memref<1024xi32, #tpu.memory_space<hbm>>
        %dma_start3A_421 = tpu.memref_slice %arg12[%dma_start3A_417] : memref<2x!tpu.dma_semaphore, #tpu.memory_space<semaphore_mem>> -> memref<1x!tpu.dma_semaphore, #tpu.memory_space<semaphore_mem>>
        %dma_start3A_422 = tpu.memref_squeeze %dma_start3A_421 : memref<1x!tpu.dma_semaphore, #tpu.memory_space<semaphore_mem>> -> memref<!tpu.dma_semaphore, #tpu.memory_space<semaphore_mem>>
        %dma_start3A_423 = arith.constant 0 : i32
        %dma_start3A_424 = tpu.memref_slice %arg2[%add3A_416, %dma_start3A_423] : memref<8192x1024xi32, #tpu.memory_space<hbm>> -> memref<1x1024xi32, #tpu.memory_space<hbm>>
        %dma_start3A_425 = tpu.memref_squeeze %dma_start3A_424 : memref<1x1024xi32, #tpu.memory_space<hbm>> -> memref<1024xi32, #tpu.memory_space<hbm>>
        tpu.enqueue_dma source(%dma_start3A_425 : memref<1024xi32, #tpu.memory_space<hbm>>) target(%arg6 : memref<1024xi32, #tpu.memory_space<vmem>>) target_semaphore(%dma_start3A_422 : memref<!tpu.dma_semaphore, #tpu.memory_space<semaphore_mem>>)
      } else {
      }
      %dma_wait3A_203 = arith.constant 0 : i32
      %dma_wait3A_204 = arith.constant 0 : i32
      %dma_wait3A_205 = arith.constant 0 : i32
      %dma_wait3A_206 = arith.constant 0 : i32
      %dma_wait3A_207 = tpu.memref_slice %arg11[%dma_wait3A_203, %dma_wait3A_205, %dma_wait3A_206] : memref<2x104x128xf32, #tpu.memory_space<vmem>> -> memref<1x104x128xf32, #tpu.memory_space<vmem>>
      %dma_wait3A_208 = tpu.memref_squeeze %dma_wait3A_207 : memref<1x104x128xf32, #tpu.memory_space<vmem>> -> memref<104x128xf32, #tpu.memory_space<vmem>>
      %dma_wait3A_209 = arith.constant 0 : i32
      %dma_wait3A_210 = tpu.memref_slice %arg8[%dma_wait3A_209] : memref<1040xi32, #tpu.memory_space<vmem>> -> memref<104xi32, #tpu.memory_space<vmem>>
      %dma_wait3A_211 = arith.constant 0 : i32
      %dma_wait3A_212 = arith.constant 0 : i32
      %dma_wait3A_213 = tpu.memref_slice %arg4[%dma_wait3A_211, %dma_wait3A_212] : memref<8192x128xf32, #tpu.memory_space<hbm>> -> memref<8192x128xf32, #tpu.memory_space<hbm>>
      %dma_wait3A_214 = tpu.memref_slice %arg13[%dma_wait3A_204] : memref<2x!tpu.dma_semaphore, #tpu.memory_space<semaphore_mem>> -> memref<1x!tpu.dma_semaphore, #tpu.memory_space<semaphore_mem>>
      %dma_wait3A_215 = tpu.memref_squeeze %dma_wait3A_214 : memref<1x!tpu.dma_semaphore, #tpu.memory_space<semaphore_mem>> -> memref<!tpu.dma_semaphore, #tpu.memory_space<semaphore_mem>>
      tpu.wait_indirect_dma semaphore(%dma_wait3A_215 : memref<!tpu.dma_semaphore, #tpu.memory_space<semaphore_mem>>) src(%dma_wait3A_213 : memref<8192x128xf32, #tpu.memory_space<hbm>>) dst(%dma_wait3A_208 : memref<104x128xf32, #tpu.memory_space<vmem>>)
      %add3A_216 = arith.addi %mul3A_2, %add3A_77 : i32
      %dma_start3A_217 = arith.constant 0 : i32
      %dma_start3A_218 = arith.constant 0 : i32
      %dma_start3A_219 = arith.constant 0 : i32
      %dma_start3A_220 = arith.constant 0 : i32
      %dma_start3A_221 = tpu.memref_slice %arg11[%dma_start3A_217, %dma_start3A_219, %dma_start3A_220] : memref<2x104x128xf32, #tpu.memory_space<vmem>> -> memref<1x104x128xf32, #tpu.memory_space<vmem>>
      %dma_start3A_222 = tpu.memref_squeeze %dma_start3A_221 : memref<1x104x128xf32, #tpu.memory_space<vmem>> -> memref<104x128xf32, #tpu.memory_space<vmem>>
      %dma_start3A_223 = arith.constant 0 : i32
      %dma_start3A_224 = arith.constant 0 : i32
      %dma_start3A_225 = tpu.memref_slice %arg5[%add3A_216, %dma_start3A_223, %dma_start3A_224] : memref<8192x104x128xf32, #tpu.memory_space<hbm>> -> memref<1x104x128xf32, #tpu.memory_space<hbm>>
      %dma_start3A_226 = tpu.memref_squeeze %dma_start3A_225 : memref<1x104x128xf32, #tpu.memory_space<hbm>> -> memref<104x128xf32, #tpu.memory_space<hbm>>
      %dma_start3A_227 = tpu.memref_slice %arg14[%dma_start3A_218] : memref<2x!tpu.dma_semaphore, #tpu.memory_space<semaphore_mem>> -> memref<1x!tpu.dma_semaphore, #tpu.memory_space<semaphore_mem>>
      %dma_start3A_228 = tpu.memref_squeeze %dma_start3A_227 : memref<1x!tpu.dma_semaphore, #tpu.memory_space<semaphore_mem>> -> memref<!tpu.dma_semaphore, #tpu.memory_space<semaphore_mem>>
      %dma_start3A_229 = arith.constant 0 : i32
      %dma_start3A_230 = arith.constant 0 : i32
      %dma_start3A_231 = tpu.memref_slice %arg5[%add3A_216, %dma_start3A_229, %dma_start3A_230] : memref<8192x104x128xf32, #tpu.memory_space<hbm>> -> memref<1x104x128xf32, #tpu.memory_space<hbm>>
      %dma_start3A_232 = tpu.memref_squeeze %dma_start3A_231 : memref<1x104x128xf32, #tpu.memory_space<hbm>> -> memref<104x128xf32, #tpu.memory_space<hbm>>
      %dma_start3A_233 = arith.constant 0 : i32
      %dma_start3A_234 = arith.constant 0 : i32
      %dma_start3A_235 = tpu.memref_slice %arg11[%dma_start3A_217, %dma_start3A_233, %dma_start3A_234] : memref<2x104x128xf32, #tpu.memory_space<vmem>> -> memref<1x104x128xf32, #tpu.memory_space<vmem>>
      %dma_start3A_236 = tpu.memref_squeeze %dma_start3A_235 : memref<1x104x128xf32, #tpu.memory_space<vmem>> -> memref<104x128xf32, #tpu.memory_space<vmem>>
      tpu.enqueue_dma source(%dma_start3A_236 : memref<104x128xf32, #tpu.memory_space<vmem>>) target(%dma_start3A_232 : memref<104x128xf32, #tpu.memory_space<hbm>>) target_semaphore(%dma_start3A_228 : memref<!tpu.dma_semaphore, #tpu.memory_space<semaphore_mem>>)
      %add3A_237 = arith.constant 1 : i32
      %add3A_238 = arith.addi %add3A_75, %add3A_237 : i32
      %add3A_239 = arith.addi %mul3A_2, %add3A_238 : i32
      %jit3A_240 = arith.constant 1024 : i32
      %div3A_241 = arith.divsi %add3A_239, %jit3A_240 : i32
      %sign3A_242 = arith.constant 0 : i32
      %sign3A_243 = arith.cmpi sgt, %add3A_239, %sign3A_242 : i32
      %sign3A_244 = arith.extui %sign3A_243 : i1 to i32
      %sign3A_245 = arith.constant 0 : i32
      %sign3A_246 = arith.cmpi slt, %add3A_239, %sign3A_245 : i32
      %sign3A_247 = arith.extui %sign3A_246 : i1 to i32
      %sign3A_248 = arith.subi %sign3A_244, %sign3A_247 : i32
      %sign3A_249 = arith.constant 0 : i32
      %sign3A_250 = arith.cmpi sgt, %jit3A_240, %sign3A_249 : i32
      %sign3A_251 = arith.extui %sign3A_250 : i1 to i32
      %sign3A_252 = arith.constant 0 : i32
      %sign3A_253 = arith.cmpi slt, %jit3A_240, %sign3A_252 : i32
      %sign3A_254 = arith.extui %sign3A_253 : i1 to i32
      %sign3A_255 = arith.subi %sign3A_251, %sign3A_254 : i32
      %ne3A_256 = arith.cmpi ne, %sign3A_248, %sign3A_255 : i32
      %rem3A_257 = arith.remsi %add3A_239, %jit3A_240 : i32
      %ne3A_258 = arith.constant 0 : i32
      %ne3A_259 = arith.cmpi ne, %rem3A_257, %ne3A_258 : i32
      %and3A_260 = arith.andi %ne3A_256, %ne3A_259 : i1
      %sub3A_261 = arith.constant 1 : i32
      %sub3A_262 = arith.subi %div3A_241, %sub3A_261 : i32
      %select_n3A_263 = arith.select %and3A_260, %sub3A_262, %div3A_241 : i32
      %mul3A_264 = arith.constant 1024 : i32
      %mul3A_265 = arith.muli %select_n3A_263, %mul3A_264 : i32
      %add3A_266 = arith.addi %mul3A_2, %add3A_238 : i32
      %dma_wait3A_267 = arith.constant 1 : i32
      %dma_wait3A_268 = arith.constant 0 : i32
      %dma_wait3A_269 = tpu.memref_slice %arg2[%add3A_266, %dma_wait3A_268] : memref<8192x1024xi32, #tpu.memory_space<hbm>> -> memref<1x1024xi32, #tpu.memory_space<hbm>>
      %dma_wait3A_270 = tpu.memref_squeeze %dma_wait3A_269 : memref<1x1024xi32, #tpu.memory_space<hbm>> -> memref<1024xi32, #tpu.memory_space<hbm>>
      %dma_wait3A_271 = tpu.memref_slice %arg12[%dma_wait3A_267] : memref<2x!tpu.dma_semaphore, #tpu.memory_space<semaphore_mem>> -> memref<1x!tpu.dma_semaphore, #tpu.memory_space<semaphore_mem>>
      %dma_wait3A_272 = tpu.memref_squeeze %dma_wait3A_271 : memref<1x!tpu.dma_semaphore, #tpu.memory_space<semaphore_mem>> -> memref<!tpu.dma_semaphore, #tpu.memory_space<semaphore_mem>>
      %dma_wait3A_273 = arith.constant 0 : i32
      %dma_wait3A_274 = tpu.memref_slice %arg2[%add3A_266, %dma_wait3A_273] : memref<8192x1024xi32, #tpu.memory_space<hbm>> -> memref<1x1024xi32, #tpu.memory_space<hbm>>
      %dma_wait3A_275 = tpu.memref_squeeze %dma_wait3A_274 : memref<1x1024xi32, #tpu.memory_space<hbm>> -> memref<1024xi32, #tpu.memory_space<hbm>>
      tpu.wait_dma2 semaphore(%dma_wait3A_272 : memref<!tpu.dma_semaphore, #tpu.memory_space<semaphore_mem>>) src(%dma_wait3A_275 : memref<1024xi32, #tpu.memory_space<hbm>>) dst(%arg7 : memref<1024xi32, #tpu.memory_space<vmem>>)
      %scan3A_276 = arith.constant 0 : i32
      %scan3A_277 = arith.constant 0 : i32
      %scan3A_278 = arith.constant 64 : i32
      %scan3A_279 = arith.addi %scan3A_277, %scan3A_278 : i32
      %scan3A_280 = arith.constant 1 : i32
      %scan3A_281 = scf.for %scan3A_414 = %scan3A_277 to %scan3A_279 step %scan3A_280 iter_args(%scan3A_415 = %scan3A_276) -> (i32)  : i32 {
        %mul3A_416 = arith.constant 16 : i32
        %mul3A_417 = arith.muli %scan3A_414, %mul3A_416 : i32
        %get3A_418 = arith.index_cast %mul3A_417 : i32 to index
        %get3A_419 = tpu.vector_load %arg7[%get3A_418] {strides = array<i32>} : memref<1024xi32, #tpu.memory_space<vmem>>, vector<16xi32>,
        %gt3A = arith.constant 0 : i32
        %gt3A_420 = vector.broadcast %gt3A : i32 to vector<16xi32>
        %gt3A_421 = arith.cmpi sgt, %get3A_419, %gt3A_420 : vector<16xi32>
        %convert_element_type3A_422 = arith.extui %gt3A_421 : vector<16xi1> to vector<16xi32>
        %mul3A_423 = arith.constant 16 : i32
        %mul3A_424 = arith.muli %scan3A_414, %mul3A_423 : i32
        %add3A_425 = arith.addi %mul3A_265, %mul3A_424 : i32
        %add3A_426 = vector.broadcast %add3A_425 : i32 to vector<16xi32>
        %add3A_427 = arith.addi %iota3A, %add3A_426 : vector<16xi32>
        %broadcast_in_dim3A_428 = arith.constant true
        %broadcast_in_dim3A_429 = vector.broadcast %broadcast_in_dim3A_428 : i1 to vector<16xi1>
        %masked_cumsum3A = tpu.scan <sum>, %convert_element_type3A_422 masked %broadcast_in_dim3A_429 : vector<16xi32>, vector<16xi1> -> vector<16xi32>
        %add3A_430 = vector.broadcast %scan3A_415 : i32 to vector<16xi32>
        %add3A_431 = arith.addi %add3A_430, %masked_cumsum3A : vector<16xi32>
        %sub3A_432 = arith.subi %add3A_431, %convert_element_type3A_422 : vector<16xi32>
        tpu.vector_store_idx %arg9[%sub3A_432], %add3A_427 masked %gt3A_421 : memref<1040xi32, #tpu.memory_space<vmem>>[vector<16xi32>], vector<16xi32>, vector<16xi1>
        %reduce_sum3A = arith.constant true
        %reduce_sum3A_433 = vector.broadcast %reduce_sum3A : i1 to vector<16xi1>
        %reduce_sum3A_434 = tpu.scan <sum>, %convert_element_type3A_422 masked %reduce_sum3A_433 : vector<16xi32>, vector<16xi1> -> vector<16xi32>
        %reduce_sum3A_435 = vector.extract %reduce_sum3A_434[15] : i32 from vector<16xi32>
        %add3A_436 = arith.addi %scan3A_415, %reduce_sum3A_435 : i32
        scf.yield %add3A_436 : i32
      }
      %scan3A_282 = arith.constant 64 : i32
      %broadcast_in_dim3A_283 = vector.broadcast %add3A_238 : i32 to vector<16xi32>
      %gather3A_284 = tpu.vector_load_idx %arg10[%broadcast_in_dim3A_283] : memref<256xi32, #tpu.memory_space<vmem>>[vector<16xi32>], vector<16xi32>,
      %get3A_285 = arith.constant 0 : index
      %get3A_286 = tpu.vector_load %arg9[%get3A_285] {strides = array<i32>} : memref<1040xi32, #tpu.memory_space<vmem>>, vector<16xi32>,
      %add3A_287 = arith.constant 0 : i32
      %add3A_288 = vector.broadcast %add3A_287 : i32 to vector<16xi32>
      %add3A_289 = arith.addi %iota3A, %add3A_288 : vector<16xi32>
      %lt3A_290 = vector.broadcast %scan3A_281 : i32 to vector<16xi32>
      %lt3A_291 = arith.cmpi slt, %add3A_289, %lt3A_290 : vector<16xi32>
      %select_n3A_292 = arith.select %lt3A_291, %get3A_286, %gather3A_284 : vector<16xi1>, vector<16xi32>
      %swap3A_293 = arith.constant 0 : index
      %swap3A_294 = tpu.vector_load %arg9[%swap3A_293] {strides = array<i32>} : memref<1040xi32, #tpu.memory_space<vmem>>, vector<16xi32>,
      tpu.vector_store %arg9[%swap3A_293], %select_n3A_292 {strides = array<i32>} : memref<1040xi32, #tpu.memory_space<vmem>>, vector<16xi32>,
      %get3A_295 = arith.constant 16 : index
      %get3A_296 = tpu.vector_load %arg9[%get3A_295] {strides = array<i32>} : memref<1040xi32, #tpu.memory_space<vmem>>, vector<16xi32>,
      %add3A_297 = arith.constant 16 : i32
      %add3A_298 = vector.broadcast %add3A_297 : i32 to vector<16xi32>
      %add3A_299 = arith.addi %iota3A, %add3A_298 : vector<16xi32>
      %lt3A_300 = vector.broadcast %scan3A_281 : i32 to vector<16xi32>
      %lt3A_301 = arith.cmpi slt, %add3A_299, %lt3A_300 : vector<16xi32>
      %select_n3A_302 = arith.select %lt3A_301, %get3A_296, %gather3A_284 : vector<16xi1>, vector<16xi32>
      %swap3A_303 = arith.constant 16 : index
      %swap3A_304 = tpu.vector_load %arg9[%swap3A_303] {strides = array<i32>} : memref<1040xi32, #tpu.memory_space<vmem>>, vector<16xi32>,
      tpu.vector_store %arg9[%swap3A_303], %select_n3A_302 {strides = array<i32>} : memref<1040xi32, #tpu.memory_space<vmem>>, vector<16xi32>,
      %get3A_305 = arith.constant 32 : index
      %get3A_306 = tpu.vector_load %arg9[%get3A_305] {strides = array<i32>} : memref<1040xi32, #tpu.memory_space<vmem>>, vector<16xi32>,
      %add3A_307 = arith.constant 32 : i32
      %add3A_308 = vector.broadcast %add3A_307 : i32 to vector<16xi32>
      %add3A_309 = arith.addi %iota3A, %add3A_308 : vector<16xi32>
      %lt3A_310 = vector.broadcast %scan3A_281 : i32 to vector<16xi32>
      %lt3A_311 = arith.cmpi slt, %add3A_309, %lt3A_310 : vector<16xi32>
      %select_n3A_312 = arith.select %lt3A_311, %get3A_306, %gather3A_284 : vector<16xi1>, vector<16xi32>
      %swap3A_313 = arith.constant 32 : index
      %swap3A_314 = tpu.vector_load %arg9[%swap3A_313] {strides = array<i32>} : memref<1040xi32, #tpu.memory_space<vmem>>, vector<16xi32>,
      tpu.vector_store %arg9[%swap3A_313], %select_n3A_312 {strides = array<i32>} : memref<1040xi32, #tpu.memory_space<vmem>>, vector<16xi32>,
      %get3A_315 = arith.constant 48 : index
      %get3A_316 = tpu.vector_load %arg9[%get3A_315] {strides = array<i32>} : memref<1040xi32, #tpu.memory_space<vmem>>, vector<16xi32>,
      %add3A_317 = arith.constant 48 : i32
      %add3A_318 = vector.broadcast %add3A_317 : i32 to vector<16xi32>
      %add3A_319 = arith.addi %iota3A, %add3A_318 : vector<16xi32>
      %lt3A_320 = vector.broadcast %scan3A_281 : i32 to vector<16xi32>
      %lt3A_321 = arith.cmpi slt, %add3A_319, %lt3A_320 : vector<16xi32>
      %select_n3A_322 = arith.select %lt3A_321, %get3A_316, %gather3A_284 : vector<16xi1>, vector<16xi32>
      %swap3A_323 = arith.constant 48 : index
      %swap3A_324 = tpu.vector_load %arg9[%swap3A_323] {strides = array<i32>} : memref<1040xi32, #tpu.memory_space<vmem>>, vector<16xi32>,
      tpu.vector_store %arg9[%swap3A_323], %select_n3A_322 {strides = array<i32>} : memref<1040xi32, #tpu.memory_space<vmem>>, vector<16xi32>,
      %get3A_325 = arith.constant 64 : index
      %get3A_326 = tpu.vector_load %arg9[%get3A_325] {strides = array<i32>} : memref<1040xi32, #tpu.memory_space<vmem>>, vector<16xi32>,
      %add3A_327 = arith.constant 64 : i32
      %add3A_328 = vector.broadcast %add3A_327 : i32 to vector<16xi32>
      %add3A_329 = arith.addi %iota3A, %add3A_328 : vector<16xi32>
      %lt3A_330 = vector.broadcast %scan3A_281 : i32 to vector<16xi32>
      %lt3A_331 = arith.cmpi slt, %add3A_329, %lt3A_330 : vector<16xi32>
      %select_n3A_332 = arith.select %lt3A_331, %get3A_326, %gather3A_284 : vector<16xi1>, vector<16xi32>
      %swap3A_333 = arith.constant 64 : index
      %swap3A_334 = tpu.vector_load %arg9[%swap3A_333] {strides = array<i32>} : memref<1040xi32, #tpu.memory_space<vmem>>, vector<16xi32>,
      tpu.vector_store %arg9[%swap3A_333], %select_n3A_332 {strides = array<i32>} : memref<1040xi32, #tpu.memory_space<vmem>>, vector<16xi32>,
      %get3A_335 = arith.constant 80 : index
      %get3A_336 = tpu.vector_load %arg9[%get3A_335] {strides = array<i32>} : memref<1040xi32, #tpu.memory_space<vmem>>, vector<16xi32>,
      %add3A_337 = arith.constant 80 : i32
      %add3A_338 = vector.broadcast %add3A_337 : i32 to vector<16xi32>
      %add3A_339 = arith.addi %iota3A, %add3A_338 : vector<16xi32>
      %lt3A_340 = vector.broadcast %scan3A_281 : i32 to vector<16xi32>
      %lt3A_341 = arith.cmpi slt, %add3A_339, %lt3A_340 : vector<16xi32>
      %select_n3A_342 = arith.select %lt3A_341, %get3A_336, %gather3A_284 : vector<16xi1>, vector<16xi32>
      %swap3A_343 = arith.constant 80 : index
      %swap3A_344 = tpu.vector_load %arg9[%swap3A_343] {strides = array<i32>} : memref<1040xi32, #tpu.memory_space<vmem>>, vector<16xi32>,
      tpu.vector_store %arg9[%swap3A_343], %select_n3A_342 {strides = array<i32>} : memref<1040xi32, #tpu.memory_space<vmem>>, vector<16xi32>,
      %get3A_345 = arith.constant 96 : index
      %get3A_346 = tpu.vector_load %arg9[%get3A_345] {strides = array<i32>} : memref<1040xi32, #tpu.memory_space<vmem>>, vector<16xi32>,
      %add3A_347 = arith.constant 96 : i32
      %add3A_348 = vector.broadcast %add3A_347 : i32 to vector<16xi32>
      %add3A_349 = arith.addi %iota3A, %add3A_348 : vector<16xi32>
      %lt3A_350 = vector.broadcast %scan3A_281 : i32 to vector<16xi32>
      %lt3A_351 = arith.cmpi slt, %add3A_349, %lt3A_350 : vector<16xi32>
      %select_n3A_352 = arith.select %lt3A_351, %get3A_346, %gather3A_284 : vector<16xi1>, vector<16xi32>
      %swap3A_353 = arith.constant 96 : index
      %swap3A_354 = tpu.vector_load %arg9[%swap3A_353] {strides = array<i32>} : memref<1040xi32, #tpu.memory_space<vmem>>, vector<16xi32>,
      tpu.vector_store %arg9[%swap3A_353], %select_n3A_352 {strides = array<i32>} : memref<1040xi32, #tpu.memory_space<vmem>>, vector<16xi32>,
      %ge3A_355 = arith.constant 2 : i32
      %ge3A_356 = arith.cmpi sge, %add3A_238, %ge3A_355 : i32
      %convert_element_type3A_357 = arith.extui %ge3A_356 : i1 to i32
      %cond3A_358 = arith.constant 0 : i32
      %cond3A_359 = arith.cmpi ne, %convert_element_type3A_357, %cond3A_358 : i32
      scf.if %cond3A_359 {
        %sub3A_414 = arith.constant 2 : i32
        %sub3A_415 = arith.subi %add3A_238, %sub3A_414 : i32
        %add3A_416 = arith.addi %mul3A_2, %sub3A_415 : i32
        %dma_wait3A_417 = arith.constant 1 : i32
        %dma_wait3A_418 = arith.constant 1 : i32
        %dma_wait3A_419 = arith.constant 0 : i32
        %dma_wait3A_420 = arith.constant 0 : i32
        %dma_wait3A_421 = tpu.memref_slice %arg11[%dma_wait3A_417, %dma_wait3A_419, %dma_wait3A_420] : memref<2x104x128xf32, #tpu.memory_space<vmem>> -> memref<1x104x128xf32, #tpu.memory_space<vmem>>
        %dma_wait3A_422 = tpu.memref_squeeze %dma_wait3A_421 : memref<1x104x128xf32, #tpu.memory_space<vmem>> -> memref<104x128xf32, #tpu.memory_space<vmem>>
        %dma_wait3A_423 = arith.constant 0 : i32
        %dma_wait3A_424 = arith.constant 0 : i32
        %dma_wait3A_425 = tpu.memref_slice %arg5[%add3A_416, %dma_wait3A_423, %dma_wait3A_424] : memref<8192x104x128xf32, #tpu.memory_space<hbm>> -> memref<1x104x128xf32, #tpu.memory_space<hbm>>
        %dma_wait3A_426 = tpu.memref_squeeze %dma_wait3A_425 : memref<1x104x128xf32, #tpu.memory_space<hbm>> -> memref<104x128xf32, #tpu.memory_space<hbm>>
        %dma_wait3A_427 = tpu.memref_slice %arg14[%dma_wait3A_418] : memref<2x!tpu.dma_semaphore, #tpu.memory_space<semaphore_mem>> -> memref<1x!tpu.dma_semaphore, #tpu.memory_space<semaphore_mem>>
        %dma_wait3A_428 = tpu.memref_squeeze %dma_wait3A_427 : memref<1x!tpu.dma_semaphore, #tpu.memory_space<semaphore_mem>> -> memref<!tpu.dma_semaphore, #tpu.memory_space<semaphore_mem>>
        %dma_wait3A_429 = arith.constant 0 : i32
        %dma_wait3A_430 = arith.constant 0 : i32
        %dma_wait3A_431 = tpu.memref_slice %arg5[%add3A_416, %dma_wait3A_429, %dma_wait3A_430] : memref<8192x104x128xf32, #tpu.memory_space<hbm>> -> memref<1x104x128xf32, #tpu.memory_space<hbm>>
        %dma_wait3A_432 = tpu.memref_squeeze %dma_wait3A_431 : memref<1x104x128xf32, #tpu.memory_space<hbm>> -> memref<104x128xf32, #tpu.memory_space<hbm>>
        %dma_wait3A_433 = arith.constant 0 : i32
        %dma_wait3A_434 = arith.constant 0 : i32
        %dma_wait3A_435 = tpu.memref_slice %arg11[%dma_wait3A_417, %dma_wait3A_433, %dma_wait3A_434] : memref<2x104x128xf32, #tpu.memory_space<vmem>> -> memref<1x104x128xf32, #tpu.memory_space<vmem>>
        %dma_wait3A_436 = tpu.memref_squeeze %dma_wait3A_435 : memref<1x104x128xf32, #tpu.memory_space<vmem>> -> memref<104x128xf32, #tpu.memory_space<vmem>>
        tpu.wait_dma2 semaphore(%dma_wait3A_428 : memref<!tpu.dma_semaphore, #tpu.memory_space<semaphore_mem>>) src(%dma_wait3A_436 : memref<104x128xf32, #tpu.memory_space<vmem>>) dst(%dma_wait3A_432 : memref<104x128xf32, #tpu.memory_space<hbm>>)
      } else {
      }
      %dma_start3A_360 = arith.constant 1 : i32
      %dma_start3A_361 = arith.constant 1 : i32
      %dma_start3A_362 = arith.constant 0 : i32
      %dma_start3A_363 = arith.constant 0 : i32
      %dma_start3A_364 = tpu.memref_slice %arg11[%dma_start3A_360, %dma_start3A_362, %dma_start3A_363] : memref<2x104x128xf32, #tpu.memory_space<vmem>> -> memref<1x104x128xf32, #tpu.memory_space<vmem>>
      %dma_start3A_365 = tpu.memref_squeeze %dma_start3A_364 : memref<1x104x128xf32, #tpu.memory_space<vmem>> -> memref<104x128xf32, #tpu.memory_space<vmem>>
      %dma_start3A_366 = arith.constant 0 : i32
      %dma_start3A_367 = tpu.memref_slice %arg9[%dma_start3A_366] : memref<1040xi32, #tpu.memory_space<vmem>> -> memref<104xi32, #tpu.memory_space<vmem>>
      %dma_start3A_368 = arith.constant 0 : i32
      %dma_start3A_369 = arith.constant 0 : i32
      %dma_start3A_370 = tpu.memref_slice %arg4[%dma_start3A_368, %dma_start3A_369] : memref<8192x128xf32, #tpu.memory_space<hbm>> -> memref<8192x128xf32, #tpu.memory_space<hbm>>
      %dma_start3A_371 = tpu.memref_slice %arg13[%dma_start3A_361] : memref<2x!tpu.dma_semaphore, #tpu.memory_space<semaphore_mem>> -> memref<1x!tpu.dma_semaphore, #tpu.memory_space<semaphore_mem>>
      %dma_start3A_372 = tpu.memref_squeeze %dma_start3A_371 : memref<1x!tpu.dma_semaphore, #tpu.memory_space<semaphore_mem>> -> memref<!tpu.dma_semaphore, #tpu.memory_space<semaphore_mem>>
      tpu.enqueue_indirect_dma source(%dma_start3A_370 : memref<8192x128xf32, #tpu.memory_space<hbm>>) target(%dma_start3A_365 : memref<104x128xf32, #tpu.memory_space<vmem>>) offsets(%dma_start3A_367 : memref<104xi32, #tpu.memory_space<vmem>>) semaphore(%dma_start3A_372 : memref<!tpu.dma_semaphore, #tpu.memory_space<semaphore_mem>>)
      %add3A_373 = arith.constant 2 : i32
      %add3A_374 = arith.addi %add3A_238, %add3A_373 : i32
      %lt3A_375 = arith.constant 256 : i32
      %lt3A_376 = arith.cmpi slt, %add3A_374, %lt3A_375 : i32
      %convert_element_type3A_377 = arith.extui %lt3A_376 : i1 to i32
      %cond3A_378 = arith.constant 0 : i32
      %cond3A_379 = arith.cmpi ne, %convert_element_type3A_377, %cond3A_378 : i32
      scf.if %cond3A_379 {
        %add3A_414 = arith.constant 2 : i32
        %add3A_415 = arith.addi %add3A_238, %add3A_414 : i32
        %add3A_416 = arith.addi %mul3A_2, %add3A_415 : i32
        %dma_start3A_417 = arith.constant 1 : i32
        %dma_start3A_418 = arith.constant 0 : i32
        %dma_start3A_419 = tpu.memref_slice %arg2[%add3A_416, %dma_start3A_418] : memref<8192x1024xi32, #tpu.memory_space<hbm>> -> memref<1x1024xi32, #tpu.memory_space<hbm>>
        %dma_start3A_420 = tpu.memref_squeeze %dma_start3A_419 : memref<1x1024xi32, #tpu.memory_space<hbm>> -> memref<1024xi32, #tpu.memory_space<hbm>>
        %dma_start3A_421 = tpu.memref_slice %arg12[%dma_start3A_417] : memref<2x!tpu.dma_semaphore, #tpu.memory_space<semaphore_mem>> -> memref<1x!tpu.dma_semaphore, #tpu.memory_space<semaphore_mem>>
        %dma_start3A_422 = tpu.memref_squeeze %dma_start3A_421 : memref<1x!tpu.dma_semaphore, #tpu.memory_space<semaphore_mem>> -> memref<!tpu.dma_semaphore, #tpu.memory_space<semaphore_mem>>
        %dma_start3A_423 = arith.constant 0 : i32
        %dma_start3A_424 = tpu.memref_slice %arg2[%add3A_416, %dma_start3A_423] : memref<8192x1024xi32, #tpu.memory_space<hbm>> -> memref<1x1024xi32, #tpu.memory_space<hbm>>
        %dma_start3A_425 = tpu.memref_squeeze %dma_start3A_424 : memref<1x1024xi32, #tpu.memory_space<hbm>> -> memref<1024xi32, #tpu.memory_space<hbm>>
        tpu.enqueue_dma source(%dma_start3A_425 : memref<1024xi32, #tpu.memory_space<hbm>>) target(%arg7 : memref<1024xi32, #tpu.memory_space<vmem>>) target_semaphore(%dma_start3A_422 : memref<!tpu.dma_semaphore, #tpu.memory_space<semaphore_mem>>)
      } else {
      }
      %dma_wait3A_380 = arith.constant 1 : i32
      %dma_wait3A_381 = arith.constant 1 : i32
      %dma_wait3A_382 = arith.constant 0 : i32
      %dma_wait3A_383 = arith.constant 0 : i32
      %dma_wait3A_384 = tpu.memref_slice %arg11[%dma_wait3A_380, %dma_wait3A_382, %dma_wait3A_383] : memref<2x104x128xf32, #tpu.memory_space<vmem>> -> memref<1x104x128xf32, #tpu.memory_space<vmem>>
      %dma_wait3A_385 = tpu.memref_squeeze %dma_wait3A_384 : memref<1x104x128xf32, #tpu.memory_space<vmem>> -> memref<104x128xf32, #tpu.memory_space<vmem>>
      %dma_wait3A_386 = arith.constant 0 : i32
      %dma_wait3A_387 = tpu.memref_slice %arg9[%dma_wait3A_386] : memref<1040xi32, #tpu.memory_space<vmem>> -> memref<104xi32, #tpu.memory_space<vmem>>
      %dma_wait3A_388 = arith.constant 0 : i32
      %dma_wait3A_389 = arith.constant 0 : i32
      %dma_wait3A_390 = tpu.memref_slice %arg4[%dma_wait3A_388, %dma_wait3A_389] : memref<8192x128xf32, #tpu.memory_space<hbm>> -> memref<8192x128xf32, #tpu.memory_space<hbm>>
      %dma_wait3A_391 = tpu.memref_slice %arg13[%dma_wait3A_381] : memref<2x!tpu.dma_semaphore, #tpu.memory_space<semaphore_mem>> -> memref<1x!tpu.dma_semaphore, #tpu.memory_space<semaphore_mem>>
      %dma_wait3A_392 = tpu.memref_squeeze %dma_wait3A_391 : memref<1x!tpu.dma_semaphore, #tpu.memory_space<semaphore_mem>> -> memref<!tpu.dma_semaphore, #tpu.memory_space<semaphore_mem>>
      tpu.wait_indirect_dma semaphore(%dma_wait3A_392 : memref<!tpu.dma_semaphore, #tpu.memory_space<semaphore_mem>>) src(%dma_wait3A_390 : memref<8192x128xf32, #tpu.memory_space<hbm>>) dst(%dma_wait3A_385 : memref<104x128xf32, #tpu.memory_space<vmem>>)
      %add3A_393 = arith.addi %mul3A_2, %add3A_238 : i32
      %dma_start3A_394 = arith.constant 1 : i32
      %dma_start3A_395 = arith.constant 1 : i32
      %dma_start3A_396 = arith.constant 0 : i32
      %dma_start3A_397 = arith.constant 0 : i32
      %dma_start3A_398 = tpu.memref_slice %arg11[%dma_start3A_394, %dma_start3A_396, %dma_start3A_397] : memref<2x104x128xf32, #tpu.memory_space<vmem>> -> memref<1x104x128xf32, #tpu.memory_space<vmem>>
      %dma_start3A_399 = tpu.memref_squeeze %dma_start3A_398 : memref<1x104x128xf32, #tpu.memory_space<vmem>> -> memref<104x128xf32, #tpu.memory_space<vmem>>
      %dma_start3A_400 = arith.constant 0 : i32
      %dma_start3A_401 = arith.constant 0 : i32
      %dma_start3A_402 = tpu.memref_slice %arg5[%add3A_393, %dma_start3A_400, %dma_start3A_401] : memref<8192x104x128xf32, #tpu.memory_space<hbm>> -> memref<1x104x128xf32, #tpu.memory_space<hbm>>
      %dma_start3A_403 = tpu.memref_squeeze %dma_start3A_402 : memref<1x104x128xf32, #tpu.memory_space<hbm>> -> memref<104x128xf32, #tpu.memory_space<hbm>>
      %dma_start3A_404 = tpu.memref_slice %arg14[%dma_start3A_395] : memref<2x!tpu.dma_semaphore, #tpu.memory_space<semaphore_mem>> -> memref<1x!tpu.dma_semaphore, #tpu.memory_space<semaphore_mem>>
      %dma_start3A_405 = tpu.memref_squeeze %dma_start3A_404 : memref<1x!tpu.dma_semaphore, #tpu.memory_space<semaphore_mem>> -> memref<!tpu.dma_semaphore, #tpu.memory_space<semaphore_mem>>
      %dma_start3A_406 = arith.constant 0 : i32
      %dma_start3A_407 = arith.constant 0 : i32
      %dma_start3A_408 = tpu.memref_slice %arg5[%add3A_393, %dma_start3A_406, %dma_start3A_407] : memref<8192x104x128xf32, #tpu.memory_space<hbm>> -> memref<1x104x128xf32, #tpu.memory_space<hbm>>
      %dma_start3A_409 = tpu.memref_squeeze %dma_start3A_408 : memref<1x104x128xf32, #tpu.memory_space<hbm>> -> memref<104x128xf32, #tpu.memory_space<hbm>>
      %dma_start3A_410 = arith.constant 0 : i32
      %dma_start3A_411 = arith.constant 0 : i32
      %dma_start3A_412 = tpu.memref_slice %arg11[%dma_start3A_394, %dma_start3A_410, %dma_start3A_411] : memref<2x104x128xf32, #tpu.memory_space<vmem>> -> memref<1x104x128xf32, #tpu.memory_space<vmem>>
      %dma_start3A_413 = tpu.memref_squeeze %dma_start3A_412 : memref<1x104x128xf32, #tpu.memory_space<vmem>> -> memref<104x128xf32, #tpu.memory_space<vmem>>
      tpu.enqueue_dma source(%dma_start3A_413 : memref<104x128xf32, #tpu.memory_space<vmem>>) target(%dma_start3A_409 : memref<104x128xf32, #tpu.memory_space<hbm>>) target_semaphore(%dma_start3A_405 : memref<!tpu.dma_semaphore, #tpu.memory_space<semaphore_mem>>)
    }
    %scan3A_27 = arith.constant 128 : i32
    %add3A_28 = arith.constant 254 : i32
    %add3A_29 = arith.addi %mul3A_2, %add3A_28 : i32
    %dma_wait3A = arith.constant 0 : i32
    %dma_wait3A_30 = arith.constant 0 : i32
    %dma_wait3A_31 = arith.constant 0 : i32
    %dma_wait3A_32 = arith.constant 0 : i32
    %dma_wait3A_33 = tpu.memref_slice %arg11[%dma_wait3A, %dma_wait3A_31, %dma_wait3A_32] : memref<2x104x128xf32, #tpu.memory_space<vmem>> -> memref<1x104x128xf32, #tpu.memory_space<vmem>>
    %dma_wait3A_34 = tpu.memref_squeeze %dma_wait3A_33 : memref<1x104x128xf32, #tpu.memory_space<vmem>> -> memref<104x128xf32, #tpu.memory_space<vmem>>
    %dma_wait3A_35 = arith.constant 0 : i32
    %dma_wait3A_36 = arith.constant 0 : i32
    %dma_wait3A_37 = tpu.memref_slice %arg5[%add3A_29, %dma_wait3A_35, %dma_wait3A_36] : memref<8192x104x128xf32, #tpu.memory_space<hbm>> -> memref<1x104x128xf32, #tpu.memory_space<hbm>>
    %dma_wait3A_38 = tpu.memref_squeeze %dma_wait3A_37 : memref<1x104x128xf32, #tpu.memory_space<hbm>> -> memref<104x128xf32, #tpu.memory_space<hbm>>
    %dma_wait3A_39 = tpu.memref_slice %arg14[%dma_wait3A_30] : memref<2x!tpu.dma_semaphore, #tpu.memory_space<semaphore_mem>> -> memref<1x!tpu.dma_semaphore, #tpu.memory_space<semaphore_mem>>
    %dma_wait3A_40 = tpu.memref_squeeze %dma_wait3A_39 : memref<1x!tpu.dma_semaphore, #tpu.memory_space<semaphore_mem>> -> memref<!tpu.dma_semaphore, #tpu.memory_space<semaphore_mem>>
    %dma_wait3A_41 = arith.constant 0 : i32
    %dma_wait3A_42 = arith.constant 0 : i32
    %dma_wait3A_43 = tpu.memref_slice %arg5[%add3A_29, %dma_wait3A_41, %dma_wait3A_42] : memref<8192x104x128xf32, #tpu.memory_space<hbm>> -> memref<1x104x128xf32, #tpu.memory_space<hbm>>
    %dma_wait3A_44 = tpu.memref_squeeze %dma_wait3A_43 : memref<1x104x128xf32, #tpu.memory_space<hbm>> -> memref<104x128xf32, #tpu.memory_space<hbm>>
    %dma_wait3A_45 = arith.constant 0 : i32
    %dma_wait3A_46 = arith.constant 0 : i32
    %dma_wait3A_47 = tpu.memref_slice %arg11[%dma_wait3A, %dma_wait3A_45, %dma_wait3A_46] : memref<2x104x128xf32, #tpu.memory_space<vmem>> -> memref<1x104x128xf32, #tpu.memory_space<vmem>>
    %dma_wait3A_48 = tpu.memref_squeeze %dma_wait3A_47 : memref<1x104x128xf32, #tpu.memory_space<vmem>> -> memref<104x128xf32, #tpu.memory_space<vmem>>
    tpu.wait_dma2 semaphore(%dma_wait3A_40 : memref<!tpu.dma_semaphore, #tpu.memory_space<semaphore_mem>>) src(%dma_wait3A_48 : memref<104x128xf32, #tpu.memory_space<vmem>>) dst(%dma_wait3A_44 : memref<104x128xf32, #tpu.memory_space<hbm>>)
    %add3A_49 = arith.constant 255 : i32
    %add3A_50 = arith.addi %mul3A_2, %add3A_49 : i32
    %dma_wait3A_51 = arith.constant 1 : i32
    %dma_wait3A_52 = arith.constant 1 : i32
    %dma_wait3A_53 = arith.constant 0 : i32
    %dma_wait3A_54 = arith.constant 0 : i32
    %dma_wait3A_55 = tpu.memref_slice %arg11[%dma_wait3A_51, %dma_wait3A_53, %dma_wait3A_54] : memref<2x104x128xf32, #tpu.memory_space<vmem>> -> memref<1x104x128xf32, #tpu.memory_space<vmem>>
    %dma_wait3A_56 = tpu.memref_squeeze %dma_wait3A_55 : memref<1x104x128xf32, #tpu.memory_space<vmem>> -> memref<104x128xf32, #tpu.memory_space<vmem>>
    %dma_wait3A_57 = arith.constant 0 : i32
    %dma_wait3A_58 = arith.constant 0 : i32
    %dma_wait3A_59 = tpu.memref_slice %arg5[%add3A_50, %dma_wait3A_57, %dma_wait3A_58] : memref<8192x104x128xf32, #tpu.memory_space<hbm>> -> memref<1x104x128xf32, #tpu.memory_space<hbm>>
    %dma_wait3A_60 = tpu.memref_squeeze %dma_wait3A_59 : memref<1x104x128xf32, #tpu.memory_space<hbm>> -> memref<104x128xf32, #tpu.memory_space<hbm>>
    %dma_wait3A_61 = tpu.memref_slice %arg14[%dma_wait3A_52] : memref<2x!tpu.dma_semaphore, #tpu.memory_space<semaphore_mem>> -> memref<1x!tpu.dma_semaphore, #tpu.memory_space<semaphore_mem>>
    %dma_wait3A_62 = tpu.memref_squeeze %dma_wait3A_61 : memref<1x!tpu.dma_semaphore, #tpu.memory_space<semaphore_mem>> -> memref<!tpu.dma_semaphore, #tpu.memory_space<semaphore_mem>>
    %dma_wait3A_63 = arith.constant 0 : i32
    %dma_wait3A_64 = arith.constant 0 : i32
    %dma_wait3A_65 = tpu.memref_slice %arg5[%add3A_50, %dma_wait3A_63, %dma_wait3A_64] : memref<8192x104x128xf32, #tpu.memory_space<hbm>> -> memref<1x104x128xf32, #tpu.memory_space<hbm>>
    %dma_wait3A_66 = tpu.memref_squeeze %dma_wait3A_65 : memref<1x104x128xf32, #tpu.memory_space<hbm>> -> memref<104x128xf32, #tpu.memory_space<hbm>>
    %dma_wait3A_67 = arith.constant 0 : i32
    %dma_wait3A_68 = arith.constant 0 : i32
    %dma_wait3A_69 = tpu.memref_slice %arg11[%dma_wait3A_51, %dma_wait3A_67, %dma_wait3A_68] : memref<2x104x128xf32, #tpu.memory_space<vmem>> -> memref<1x104x128xf32, #tpu.memory_space<vmem>>
    %dma_wait3A_70 = tpu.memref_squeeze %dma_wait3A_69 : memref<1x104x128xf32, #tpu.memory_space<vmem>> -> memref<104x128xf32, #tpu.memory_space<vmem>>
    tpu.wait_dma2 semaphore(%dma_wait3A_62 : memref<!tpu.dma_semaphore, #tpu.memory_space<semaphore_mem>>) src(%dma_wait3A_70 : memref<104x128xf32, #tpu.memory_space<vmem>>) dst(%dma_wait3A_66 : memref<104x128xf32, #tpu.memory_space<hbm>>)
    return
  }
}

module attributes {stable_mosaic.version = 14 : i64} {
  func.func @_matmul_kernel(%arg0: i32, %arg1: memref<256x1024xf32, #tpu.memory_space<vmem>>, %arg2: memref<1024x2560xf32, #tpu.memory_space<vmem>>, %arg3: memref<256x2560xf32, #tpu.memory_space<vmem>>) attributes {dimension_semantics = [#tpu.dimension_semantics<arbitrary>], iteration_bounds = array<i64: 4>, scalar_prefetch = 0 : i64, scratch_operands = 0 : i64, tpu.core_type = #tpu.core_type<tc>, window_params = [{transform_indices = @transform_0, window_bounds = array<i64: 256, 1024>}, {pipeline_mode = #tpu.pipeline_mode<synchronous>, transform_indices = @transform_1, window_bounds = array<i64: 1024, 2560>}, {transform_indices = @transform_2, window_bounds = array<i64: 256, 2560>}]} {
    %get3A = arith.constant 0 : index
    %get3A_0 = arith.constant 0 : index
    %get3A_1 = vector.load %arg1[%get3A, %get3A_0] : memref<256x1024xf32, #tpu.memory_space<vmem>>, vector<256x1024xf32>
    %convert_element_type3A = arith.truncf %get3A_1 : vector<256x1024xf32> to vector<256x1024xbf16>
    %get3A_2 = arith.constant 0 : index
    %get3A_3 = arith.constant 0 : index
    %get3A_4 = vector.load %arg2[%get3A_2, %get3A_3] : memref<1024x2560xf32, #tpu.memory_space<vmem>>, vector<1024x2560xf32>
    %convert_element_type3A_5 = arith.truncf %get3A_4 : vector<1024x2560xf32> to vector<1024x2560xbf16>
    %dot_general3A = arith.constant dense<0.000000e+00> : vector<256x2560xf32>
    %dot_general3A_6 = tpu.matmul %convert_element_type3A, %convert_element_type3A_5, %dot_general3A {dimension_numbers = #tpu.dot_dimension_numbers<[1], [0], [0], [1], [0, 0, 1, 1], [], []>, transpose_lhs_hint = false} : vector<256x1024xbf16>, vector<1024x2560xbf16>, vector<256x2560xf32> -> vector<256x2560xf32>
    %swap3A = arith.constant 0 : index
    %swap3A_7 = arith.constant 0 : index
    %swap3A_8 = vector.load %arg3[%swap3A, %swap3A_7] : memref<256x2560xf32, #tpu.memory_space<vmem>>, vector<256x2560xf32>
    tpu.vector_store %arg3[%swap3A, %swap3A_7], %dot_general3A_6 {strides = array<i32>} : memref<256x2560xf32, #tpu.memory_space<vmem>>, vector<256x2560xf32>,
    return
  }
  func.func @transform_0(%arg0: i32) -> (i32, i32) {
    %c0_i32 = arith.constant 0 : i32
    %c0_i32_0 = arith.constant 0 : i32
    return %arg0, %c0_i32 : i32, i32
  }
  func.func @transform_1(%arg0: i32) -> (i32, i32) {
    %c0_i32 = arith.constant 0 : i32
    %c0_i32_0 = arith.constant 0 : i32
    %c0_i32_1 = arith.constant 0 : i32
    return %c0_i32, %c0_i32_0 : i32, i32
  }
  func.func @transform_2(%arg0: i32) -> (i32, i32) {
    %c0_i32 = arith.constant 0 : i32
    %c0_i32_0 = arith.constant 0 : i32
    return %arg0, %c0_i32 : i32, i32
  }
}

module attributes {stable_mosaic.version = 14 : i64} {
  func.func @_select_kernel(%arg0: i32, %arg1: memref<1x1024x64xf32, #tpu.memory_space<vmem>>, %arg2: memref<1x64x1024xbf16, #tpu.memory_space<vmem>>, %arg3: memref<1x1024x1024xi32, #tpu.memory_space<vmem>>, %arg4: memref<1x1x1024xi32, #tpu.memory_space<vmem>>) attributes {dimension_semantics = [#tpu.dimension_semantics<arbitrary>], iteration_bounds = array<i64: 8>, scalar_prefetch = 0 : i64, scratch_operands = 0 : i64, tpu.core_type = #tpu.core_type<tc>, window_params = [{transform_indices = @transform_0, window_bounds = array<i64: 1, 1024, 64>}, {transform_indices = @transform_1, window_bounds = array<i64: 1, 64, 1024>}, {transform_indices = @transform_2, window_bounds = array<i64: 1, 1024, 1024>}, {transform_indices = @transform_3, window_bounds = array<i64: 1, 1, 1024>}]} {
    %get3A = arith.constant 0 : index
    %get3A_0 = arith.constant 0 : index
    %get3A_1 = arith.constant 0 : index
    %get3A_2 = vector.load %arg1[%get3A, %get3A_0, %get3A_1] : memref<1x1024x64xf32, #tpu.memory_space<vmem>>, vector<1x1024x64xf32>
    %get3A_3 = vector.shape_cast %get3A_2 : vector<1x1024x64xf32> to vector<1024x64xf32>
    %convert_element_type3A = arith.truncf %get3A_3 : vector<1024x64xf32> to vector<1024x64xbf16>
    %get3A_4 = arith.constant 0 : index
    %get3A_5 = arith.constant 0 : index
    %get3A_6 = arith.constant 0 : index
    %get3A_7 = vector.load %arg2[%get3A_4, %get3A_5, %get3A_6] : memref<1x64x1024xbf16, #tpu.memory_space<vmem>>, vector<1x64x1024xbf16>
    %get3A_8 = vector.shape_cast %get3A_7 : vector<1x64x1024xbf16> to vector<64x1024xbf16>
    %dot_general3A = arith.constant dense<0.000000e+00> : vector<1024x1024xf32>
    %dot_general3A_9 = tpu.matmul %convert_element_type3A, %get3A_8, %dot_general3A {dimension_numbers = #tpu.dot_dimension_numbers<[1], [0], [0], [1], [0, 0, 1, 1], [], []>, transpose_lhs_hint = false} : vector<1024x64xbf16>, vector<64x1024xbf16>, vector<1024x1024xf32> -> vector<1024x1024xf32>
    %bitcast_convert_type3A = tpu.bitcast %dot_general3A_9 : vector<1024x1024xf32> -> vector<1024x1024xi32>
    %lt3A = arith.constant 0 : i32
    %lt3A_10 = vector.broadcast %lt3A : i32 to vector<1024x1024xi32>
    %lt3A_11 = arith.cmpi slt, %bitcast_convert_type3A, %lt3A_10 : vector<1024x1024xi32>
    %not3A = arith.constant dense<-1> : vector<1024x1024xi32>
    %not3A_12 = arith.xori %bitcast_convert_type3A, %not3A : vector<1024x1024xi32>
    %xor3A = arith.constant -2147483648 : i32
    %xor3A_13 = vector.broadcast %xor3A : i32 to vector<1024x1024xi32>
    %xor3A_14 = arith.xori %bitcast_convert_type3A, %xor3A_13 : vector<1024x1024xi32>
    %select_n3A = arith.select %lt3A_11, %not3A_12, %xor3A_14 : vector<1024x1024xi1>, vector<1024x1024xi32>
    %bitcast_convert_type3A_15 = tpu.bitcast %select_n3A : vector<1024x1024xi32> -> vector<1024x1024xi32>
    %iota3A = tpu.iota {dimensions = array<i32: 0>} : vector<1024x1024xi32>
    %iota3A_16 = tpu.iota {dimensions = array<i32: 1>} : vector<1024x1024xi32>
    %gt3A = arith.cmpi sgt, %iota3A_16, %iota3A : vector<1024x1024xi32>
    %jit3A = arith.constant 0 : i32
    %broadcast_in_dim3A = vector.broadcast %jit3A : i32 to vector<1024x1024xi32>
    %select_n3A_17 = arith.select %gt3A, %broadcast_in_dim3A, %bitcast_convert_type3A_15 : vector<1024x1024xi1>, vector<1024x1024xi32>
    %broadcast_in_dim3A_18 = arith.constant 0 : i32
    %broadcast_in_dim3A_19 = vector.broadcast %broadcast_in_dim3A_18 : i32 to vector<1024x1xi32>
    %or3A = arith.constant -2147483648 : i32
    %or3A_20 = vector.broadcast %or3A : i32 to vector<1024x1xi32>
    %or3A_21 = arith.ori %broadcast_in_dim3A_19, %or3A_20 : vector<1024x1xi32>
    %ge3A = vector.broadcast %or3A_21 : vector<1024x1xi32> to vector<1024x1024xi32>
    %ge3A_22 = arith.cmpi uge, %select_n3A_17, %ge3A : vector<1024x1024xi32>
    %convert_element_type3A_23 = arith.extui %ge3A_22 : vector<1024x1024xi1> to vector<1024x1024xi32>
    %reduce_sum3A = arith.constant dense<0> : vector<1024xi32>
    %reduce_sum3A_24 = vector.multi_reduction <add>, %convert_element_type3A_23, %reduce_sum3A [1] : vector<1024x1024xi32> to vector<1024xi32>
    %broadcast_in_dim3A_25 = vector.shape_cast %reduce_sum3A_24 : vector<1024xi32> to vector<1024x1xi32>
    %ge3A_26 = arith.constant 102 : i32
    %ge3A_27 = vector.broadcast %ge3A_26 : i32 to vector<1024x1xi32>
    %ge3A_28 = arith.cmpi sge, %broadcast_in_dim3A_25, %ge3A_27 : vector<1024x1xi32>
    %select_n3A_29 = arith.select %ge3A_28, %or3A_21, %broadcast_in_dim3A_19 : vector<1024x1xi1>, vector<1024x1xi32>
    %or3A_30 = arith.constant 1073741824 : i32
    %or3A_31 = vector.broadcast %or3A_30 : i32 to vector<1024x1xi32>
    %or3A_32 = arith.ori %select_n3A_29, %or3A_31 : vector<1024x1xi32>
    %ge3A_33 = vector.broadcast %or3A_32 : vector<1024x1xi32> to vector<1024x1024xi32>
    %ge3A_34 = arith.cmpi uge, %select_n3A_17, %ge3A_33 : vector<1024x1024xi32>
    %convert_element_type3A_35 = arith.extui %ge3A_34 : vector<1024x1024xi1> to vector<1024x1024xi32>
    %reduce_sum3A_36 = arith.constant dense<0> : vector<1024xi32>
    %reduce_sum3A_37 = vector.multi_reduction <add>, %convert_element_type3A_35, %reduce_sum3A_36 [1] : vector<1024x1024xi32> to vector<1024xi32>
    %broadcast_in_dim3A_38 = vector.shape_cast %reduce_sum3A_37 : vector<1024xi32> to vector<1024x1xi32>
    %ge3A_39 = arith.constant 102 : i32
    %ge3A_40 = vector.broadcast %ge3A_39 : i32 to vector<1024x1xi32>
    %ge3A_41 = arith.cmpi sge, %broadcast_in_dim3A_38, %ge3A_40 : vector<1024x1xi32>
    %select_n3A_42 = arith.select %ge3A_41, %or3A_32, %select_n3A_29 : vector<1024x1xi1>, vector<1024x1xi32>
    %or3A_43 = arith.constant 536870912 : i32
    %or3A_44 = vector.broadcast %or3A_43 : i32 to vector<1024x1xi32>
    %or3A_45 = arith.ori %select_n3A_42, %or3A_44 : vector<1024x1xi32>
    %ge3A_46 = vector.broadcast %or3A_45 : vector<1024x1xi32> to vector<1024x1024xi32>
    %ge3A_47 = arith.cmpi uge, %select_n3A_17, %ge3A_46 : vector<1024x1024xi32>
    %convert_element_type3A_48 = arith.extui %ge3A_47 : vector<1024x1024xi1> to vector<1024x1024xi32>
    %reduce_sum3A_49 = arith.constant dense<0> : vector<1024xi32>
    %reduce_sum3A_50 = vector.multi_reduction <add>, %convert_element_type3A_48, %reduce_sum3A_49 [1] : vector<1024x1024xi32> to vector<1024xi32>
    %broadcast_in_dim3A_51 = vector.shape_cast %reduce_sum3A_50 : vector<1024xi32> to vector<1024x1xi32>
    %ge3A_52 = arith.constant 102 : i32
    %ge3A_53 = vector.broadcast %ge3A_52 : i32 to vector<1024x1xi32>
    %ge3A_54 = arith.cmpi sge, %broadcast_in_dim3A_51, %ge3A_53 : vector<1024x1xi32>
    %select_n3A_55 = arith.select %ge3A_54, %or3A_45, %select_n3A_42 : vector<1024x1xi1>, vector<1024x1xi32>
    %or3A_56 = arith.constant 268435456 : i32
    %or3A_57 = vector.broadcast %or3A_56 : i32 to vector<1024x1xi32>
    %or3A_58 = arith.ori %select_n3A_55, %or3A_57 : vector<1024x1xi32>
    %ge3A_59 = vector.broadcast %or3A_58 : vector<1024x1xi32> to vector<1024x1024xi32>
    %ge3A_60 = arith.cmpi uge, %select_n3A_17, %ge3A_59 : vector<1024x1024xi32>
    %convert_element_type3A_61 = arith.extui %ge3A_60 : vector<1024x1024xi1> to vector<1024x1024xi32>
    %reduce_sum3A_62 = arith.constant dense<0> : vector<1024xi32>
    %reduce_sum3A_63 = vector.multi_reduction <add>, %convert_element_type3A_61, %reduce_sum3A_62 [1] : vector<1024x1024xi32> to vector<1024xi32>
    %broadcast_in_dim3A_64 = vector.shape_cast %reduce_sum3A_63 : vector<1024xi32> to vector<1024x1xi32>
    %ge3A_65 = arith.constant 102 : i32
    %ge3A_66 = vector.broadcast %ge3A_65 : i32 to vector<1024x1xi32>
    %ge3A_67 = arith.cmpi sge, %broadcast_in_dim3A_64, %ge3A_66 : vector<1024x1xi32>
    %select_n3A_68 = arith.select %ge3A_67, %or3A_58, %select_n3A_55 : vector<1024x1xi1>, vector<1024x1xi32>
    %or3A_69 = arith.constant 134217728 : i32
    %or3A_70 = vector.broadcast %or3A_69 : i32 to vector<1024x1xi32>
    %or3A_71 = arith.ori %select_n3A_68, %or3A_70 : vector<1024x1xi32>
    %ge3A_72 = vector.broadcast %or3A_71 : vector<1024x1xi32> to vector<1024x1024xi32>
    %ge3A_73 = arith.cmpi uge, %select_n3A_17, %ge3A_72 : vector<1024x1024xi32>
    %convert_element_type3A_74 = arith.extui %ge3A_73 : vector<1024x1024xi1> to vector<1024x1024xi32>
    %reduce_sum3A_75 = arith.constant dense<0> : vector<1024xi32>
    %reduce_sum3A_76 = vector.multi_reduction <add>, %convert_element_type3A_74, %reduce_sum3A_75 [1] : vector<1024x1024xi32> to vector<1024xi32>
    %broadcast_in_dim3A_77 = vector.shape_cast %reduce_sum3A_76 : vector<1024xi32> to vector<1024x1xi32>
    %ge3A_78 = arith.constant 102 : i32
    %ge3A_79 = vector.broadcast %ge3A_78 : i32 to vector<1024x1xi32>
    %ge3A_80 = arith.cmpi sge, %broadcast_in_dim3A_77, %ge3A_79 : vector<1024x1xi32>
    %select_n3A_81 = arith.select %ge3A_80, %or3A_71, %select_n3A_68 : vector<1024x1xi1>, vector<1024x1xi32>
    %or3A_82 = arith.constant 67108864 : i32
    %or3A_83 = vector.broadcast %or3A_82 : i32 to vector<1024x1xi32>
    %or3A_84 = arith.ori %select_n3A_81, %or3A_83 : vector<1024x1xi32>
    %ge3A_85 = vector.broadcast %or3A_84 : vector<1024x1xi32> to vector<1024x1024xi32>
    %ge3A_86 = arith.cmpi uge, %select_n3A_17, %ge3A_85 : vector<1024x1024xi32>
    %convert_element_type3A_87 = arith.extui %ge3A_86 : vector<1024x1024xi1> to vector<1024x1024xi32>
    %reduce_sum3A_88 = arith.constant dense<0> : vector<1024xi32>
    %reduce_sum3A_89 = vector.multi_reduction <add>, %convert_element_type3A_87, %reduce_sum3A_88 [1] : vector<1024x1024xi32> to vector<1024xi32>
    %broadcast_in_dim3A_90 = vector.shape_cast %reduce_sum3A_89 : vector<1024xi32> to vector<1024x1xi32>
    %ge3A_91 = arith.constant 102 : i32
    %ge3A_92 = vector.broadcast %ge3A_91 : i32 to vector<1024x1xi32>
    %ge3A_93 = arith.cmpi sge, %broadcast_in_dim3A_90, %ge3A_92 : vector<1024x1xi32>
    %select_n3A_94 = arith.select %ge3A_93, %or3A_84, %select_n3A_81 : vector<1024x1xi1>, vector<1024x1xi32>
    %or3A_95 = arith.constant 33554432 : i32
    %or3A_96 = vector.broadcast %or3A_95 : i32 to vector<1024x1xi32>
    %or3A_97 = arith.ori %select_n3A_94, %or3A_96 : vector<1024x1xi32>
    %ge3A_98 = vector.broadcast %or3A_97 : vector<1024x1xi32> to vector<1024x1024xi32>
    %ge3A_99 = arith.cmpi uge, %select_n3A_17, %ge3A_98 : vector<1024x1024xi32>
    %convert_element_type3A_100 = arith.extui %ge3A_99 : vector<1024x1024xi1> to vector<1024x1024xi32>
    %reduce_sum3A_101 = arith.constant dense<0> : vector<1024xi32>
    %reduce_sum3A_102 = vector.multi_reduction <add>, %convert_element_type3A_100, %reduce_sum3A_101 [1] : vector<1024x1024xi32> to vector<1024xi32>
    %broadcast_in_dim3A_103 = vector.shape_cast %reduce_sum3A_102 : vector<1024xi32> to vector<1024x1xi32>
    %ge3A_104 = arith.constant 102 : i32
    %ge3A_105 = vector.broadcast %ge3A_104 : i32 to vector<1024x1xi32>
    %ge3A_106 = arith.cmpi sge, %broadcast_in_dim3A_103, %ge3A_105 : vector<1024x1xi32>
    %select_n3A_107 = arith.select %ge3A_106, %or3A_97, %select_n3A_94 : vector<1024x1xi1>, vector<1024x1xi32>
    %or3A_108 = arith.constant 16777216 : i32
    %or3A_109 = vector.broadcast %or3A_108 : i32 to vector<1024x1xi32>
    %or3A_110 = arith.ori %select_n3A_107, %or3A_109 : vector<1024x1xi32>
    %ge3A_111 = vector.broadcast %or3A_110 : vector<1024x1xi32> to vector<1024x1024xi32>
    %ge3A_112 = arith.cmpi uge, %select_n3A_17, %ge3A_111 : vector<1024x1024xi32>
    %convert_element_type3A_113 = arith.extui %ge3A_112 : vector<1024x1024xi1> to vector<1024x1024xi32>
    %reduce_sum3A_114 = arith.constant dense<0> : vector<1024xi32>
    %reduce_sum3A_115 = vector.multi_reduction <add>, %convert_element_type3A_113, %reduce_sum3A_114 [1] : vector<1024x1024xi32> to vector<1024xi32>
    %broadcast_in_dim3A_116 = vector.shape_cast %reduce_sum3A_115 : vector<1024xi32> to vector<1024x1xi32>
    %ge3A_117 = arith.constant 102 : i32
    %ge3A_118 = vector.broadcast %ge3A_117 : i32 to vector<1024x1xi32>
    %ge3A_119 = arith.cmpi sge, %broadcast_in_dim3A_116, %ge3A_118 : vector<1024x1xi32>
    %select_n3A_120 = arith.select %ge3A_119, %or3A_110, %select_n3A_107 : vector<1024x1xi1>, vector<1024x1xi32>
    %or3A_121 = arith.constant 8388608 : i32
    %or3A_122 = vector.broadcast %or3A_121 : i32 to vector<1024x1xi32>
    %or3A_123 = arith.ori %select_n3A_120, %or3A_122 : vector<1024x1xi32>
    %ge3A_124 = vector.broadcast %or3A_123 : vector<1024x1xi32> to vector<1024x1024xi32>
    %ge3A_125 = arith.cmpi uge, %select_n3A_17, %ge3A_124 : vector<1024x1024xi32>
    %convert_element_type3A_126 = arith.extui %ge3A_125 : vector<1024x1024xi1> to vector<1024x1024xi32>
    %reduce_sum3A_127 = arith.constant dense<0> : vector<1024xi32>
    %reduce_sum3A_128 = vector.multi_reduction <add>, %convert_element_type3A_126, %reduce_sum3A_127 [1] : vector<1024x1024xi32> to vector<1024xi32>
    %broadcast_in_dim3A_129 = vector.shape_cast %reduce_sum3A_128 : vector<1024xi32> to vector<1024x1xi32>
    %ge3A_130 = arith.constant 102 : i32
    %ge3A_131 = vector.broadcast %ge3A_130 : i32 to vector<1024x1xi32>
    %ge3A_132 = arith.cmpi sge, %broadcast_in_dim3A_129, %ge3A_131 : vector<1024x1xi32>
    %select_n3A_133 = arith.select %ge3A_132, %or3A_123, %select_n3A_120 : vector<1024x1xi1>, vector<1024x1xi32>
    %or3A_134 = arith.constant 4194304 : i32
    %or3A_135 = vector.broadcast %or3A_134 : i32 to vector<1024x1xi32>
    %or3A_136 = arith.ori %select_n3A_133, %or3A_135 : vector<1024x1xi32>
    %ge3A_137 = vector.broadcast %or3A_136 : vector<1024x1xi32> to vector<1024x1024xi32>
    %ge3A_138 = arith.cmpi uge, %select_n3A_17, %ge3A_137 : vector<1024x1024xi32>
    %convert_element_type3A_139 = arith.extui %ge3A_138 : vector<1024x1024xi1> to vector<1024x1024xi32>
    %reduce_sum3A_140 = arith.constant dense<0> : vector<1024xi32>
    %reduce_sum3A_141 = vector.multi_reduction <add>, %convert_element_type3A_139, %reduce_sum3A_140 [1] : vector<1024x1024xi32> to vector<1024xi32>
    %broadcast_in_dim3A_142 = vector.shape_cast %reduce_sum3A_141 : vector<1024xi32> to vector<1024x1xi32>
    %ge3A_143 = arith.constant 102 : i32
    %ge3A_144 = vector.broadcast %ge3A_143 : i32 to vector<1024x1xi32>
    %ge3A_145 = arith.cmpi sge, %broadcast_in_dim3A_142, %ge3A_144 : vector<1024x1xi32>
    %select_n3A_146 = arith.select %ge3A_145, %or3A_136, %select_n3A_133 : vector<1024x1xi1>, vector<1024x1xi32>
    %or3A_147 = arith.constant 2097152 : i32
    %or3A_148 = vector.broadcast %or3A_147 : i32 to vector<1024x1xi32>
    %or3A_149 = arith.ori %select_n3A_146, %or3A_148 : vector<1024x1xi32>
    %ge3A_150 = vector.broadcast %or3A_149 : vector<1024x1xi32> to vector<1024x1024xi32>
    %ge3A_151 = arith.cmpi uge, %select_n3A_17, %ge3A_150 : vector<1024x1024xi32>
    %convert_element_type3A_152 = arith.extui %ge3A_151 : vector<1024x1024xi1> to vector<1024x1024xi32>
    %reduce_sum3A_153 = arith.constant dense<0> : vector<1024xi32>
    %reduce_sum3A_154 = vector.multi_reduction <add>, %convert_element_type3A_152, %reduce_sum3A_153 [1] : vector<1024x1024xi32> to vector<1024xi32>
    %broadcast_in_dim3A_155 = vector.shape_cast %reduce_sum3A_154 : vector<1024xi32> to vector<1024x1xi32>
    %ge3A_156 = arith.constant 102 : i32
    %ge3A_157 = vector.broadcast %ge3A_156 : i32 to vector<1024x1xi32>
    %ge3A_158 = arith.cmpi sge, %broadcast_in_dim3A_155, %ge3A_157 : vector<1024x1xi32>
    %select_n3A_159 = arith.select %ge3A_158, %or3A_149, %select_n3A_146 : vector<1024x1xi1>, vector<1024x1xi32>
    %or3A_160 = arith.constant 1048576 : i32
    %or3A_161 = vector.broadcast %or3A_160 : i32 to vector<1024x1xi32>
    %or3A_162 = arith.ori %select_n3A_159, %or3A_161 : vector<1024x1xi32>
    %ge3A_163 = vector.broadcast %or3A_162 : vector<1024x1xi32> to vector<1024x1024xi32>
    %ge3A_164 = arith.cmpi uge, %select_n3A_17, %ge3A_163 : vector<1024x1024xi32>
    %convert_element_type3A_165 = arith.extui %ge3A_164 : vector<1024x1024xi1> to vector<1024x1024xi32>
    %reduce_sum3A_166 = arith.constant dense<0> : vector<1024xi32>
    %reduce_sum3A_167 = vector.multi_reduction <add>, %convert_element_type3A_165, %reduce_sum3A_166 [1] : vector<1024x1024xi32> to vector<1024xi32>
    %broadcast_in_dim3A_168 = vector.shape_cast %reduce_sum3A_167 : vector<1024xi32> to vector<1024x1xi32>
    %ge3A_169 = arith.constant 102 : i32
    %ge3A_170 = vector.broadcast %ge3A_169 : i32 to vector<1024x1xi32>
    %ge3A_171 = arith.cmpi sge, %broadcast_in_dim3A_168, %ge3A_170 : vector<1024x1xi32>
    %select_n3A_172 = arith.select %ge3A_171, %or3A_162, %select_n3A_159 : vector<1024x1xi1>, vector<1024x1xi32>
    %or3A_173 = arith.constant 524288 : i32
    %or3A_174 = vector.broadcast %or3A_173 : i32 to vector<1024x1xi32>
    %or3A_175 = arith.ori %select_n3A_172, %or3A_174 : vector<1024x1xi32>
    %ge3A_176 = vector.broadcast %or3A_175 : vector<1024x1xi32> to vector<1024x1024xi32>
    %ge3A_177 = arith.cmpi uge, %select_n3A_17, %ge3A_176 : vector<1024x1024xi32>
    %convert_element_type3A_178 = arith.extui %ge3A_177 : vector<1024x1024xi1> to vector<1024x1024xi32>
    %reduce_sum3A_179 = arith.constant dense<0> : vector<1024xi32>
    %reduce_sum3A_180 = vector.multi_reduction <add>, %convert_element_type3A_178, %reduce_sum3A_179 [1] : vector<1024x1024xi32> to vector<1024xi32>
    %broadcast_in_dim3A_181 = vector.shape_cast %reduce_sum3A_180 : vector<1024xi32> to vector<1024x1xi32>
    %ge3A_182 = arith.constant 102 : i32
    %ge3A_183 = vector.broadcast %ge3A_182 : i32 to vector<1024x1xi32>
    %ge3A_184 = arith.cmpi sge, %broadcast_in_dim3A_181, %ge3A_183 : vector<1024x1xi32>
    %select_n3A_185 = arith.select %ge3A_184, %or3A_175, %select_n3A_172 : vector<1024x1xi1>, vector<1024x1xi32>
    %or3A_186 = arith.constant 262144 : i32
    %or3A_187 = vector.broadcast %or3A_186 : i32 to vector<1024x1xi32>
    %or3A_188 = arith.ori %select_n3A_185, %or3A_187 : vector<1024x1xi32>
    %ge3A_189 = vector.broadcast %or3A_188 : vector<1024x1xi32> to vector<1024x1024xi32>
    %ge3A_190 = arith.cmpi uge, %select_n3A_17, %ge3A_189 : vector<1024x1024xi32>
    %convert_element_type3A_191 = arith.extui %ge3A_190 : vector<1024x1024xi1> to vector<1024x1024xi32>
    %reduce_sum3A_192 = arith.constant dense<0> : vector<1024xi32>
    %reduce_sum3A_193 = vector.multi_reduction <add>, %convert_element_type3A_191, %reduce_sum3A_192 [1] : vector<1024x1024xi32> to vector<1024xi32>
    %broadcast_in_dim3A_194 = vector.shape_cast %reduce_sum3A_193 : vector<1024xi32> to vector<1024x1xi32>
    %ge3A_195 = arith.constant 102 : i32
    %ge3A_196 = vector.broadcast %ge3A_195 : i32 to vector<1024x1xi32>
    %ge3A_197 = arith.cmpi sge, %broadcast_in_dim3A_194, %ge3A_196 : vector<1024x1xi32>
    %select_n3A_198 = arith.select %ge3A_197, %or3A_188, %select_n3A_185 : vector<1024x1xi1>, vector<1024x1xi32>
    %or3A_199 = arith.constant 131072 : i32
    %or3A_200 = vector.broadcast %or3A_199 : i32 to vector<1024x1xi32>
    %or3A_201 = arith.ori %select_n3A_198, %or3A_200 : vector<1024x1xi32>
    %ge3A_202 = vector.broadcast %or3A_201 : vector<1024x1xi32> to vector<1024x1024xi32>
    %ge3A_203 = arith.cmpi uge, %select_n3A_17, %ge3A_202 : vector<1024x1024xi32>
    %convert_element_type3A_204 = arith.extui %ge3A_203 : vector<1024x1024xi1> to vector<1024x1024xi32>
    %reduce_sum3A_205 = arith.constant dense<0> : vector<1024xi32>
    %reduce_sum3A_206 = vector.multi_reduction <add>, %convert_element_type3A_204, %reduce_sum3A_205 [1] : vector<1024x1024xi32> to vector<1024xi32>
    %broadcast_in_dim3A_207 = vector.shape_cast %reduce_sum3A_206 : vector<1024xi32> to vector<1024x1xi32>
    %ge3A_208 = arith.constant 102 : i32
    %ge3A_209 = vector.broadcast %ge3A_208 : i32 to vector<1024x1xi32>
    %ge3A_210 = arith.cmpi sge, %broadcast_in_dim3A_207, %ge3A_209 : vector<1024x1xi32>
    %select_n3A_211 = arith.select %ge3A_210, %or3A_201, %select_n3A_198 : vector<1024x1xi1>, vector<1024x1xi32>
    %or3A_212 = arith.constant 65536 : i32
    %or3A_213 = vector.broadcast %or3A_212 : i32 to vector<1024x1xi32>
    %or3A_214 = arith.ori %select_n3A_211, %or3A_213 : vector<1024x1xi32>
    %ge3A_215 = vector.broadcast %or3A_214 : vector<1024x1xi32> to vector<1024x1024xi32>
    %ge3A_216 = arith.cmpi uge, %select_n3A_17, %ge3A_215 : vector<1024x1024xi32>
    %convert_element_type3A_217 = arith.extui %ge3A_216 : vector<1024x1024xi1> to vector<1024x1024xi32>
    %reduce_sum3A_218 = arith.constant dense<0> : vector<1024xi32>
    %reduce_sum3A_219 = vector.multi_reduction <add>, %convert_element_type3A_217, %reduce_sum3A_218 [1] : vector<1024x1024xi32> to vector<1024xi32>
    %broadcast_in_dim3A_220 = vector.shape_cast %reduce_sum3A_219 : vector<1024xi32> to vector<1024x1xi32>
    %ge3A_221 = arith.constant 102 : i32
    %ge3A_222 = vector.broadcast %ge3A_221 : i32 to vector<1024x1xi32>
    %ge3A_223 = arith.cmpi sge, %broadcast_in_dim3A_220, %ge3A_222 : vector<1024x1xi32>
    %select_n3A_224 = arith.select %ge3A_223, %or3A_214, %select_n3A_211 : vector<1024x1xi1>, vector<1024x1xi32>
    %or3A_225 = arith.constant 32768 : i32
    %or3A_226 = vector.broadcast %or3A_225 : i32 to vector<1024x1xi32>
    %or3A_227 = arith.ori %select_n3A_224, %or3A_226 : vector<1024x1xi32>
    %ge3A_228 = vector.broadcast %or3A_227 : vector<1024x1xi32> to vector<1024x1024xi32>
    %ge3A_229 = arith.cmpi uge, %select_n3A_17, %ge3A_228 : vector<1024x1024xi32>
    %convert_element_type3A_230 = arith.extui %ge3A_229 : vector<1024x1024xi1> to vector<1024x1024xi32>
    %reduce_sum3A_231 = arith.constant dense<0> : vector<1024xi32>
    %reduce_sum3A_232 = vector.multi_reduction <add>, %convert_element_type3A_230, %reduce_sum3A_231 [1] : vector<1024x1024xi32> to vector<1024xi32>
    %broadcast_in_dim3A_233 = vector.shape_cast %reduce_sum3A_232 : vector<1024xi32> to vector<1024x1xi32>
    %ge3A_234 = arith.constant 102 : i32
    %ge3A_235 = vector.broadcast %ge3A_234 : i32 to vector<1024x1xi32>
    %ge3A_236 = arith.cmpi sge, %broadcast_in_dim3A_233, %ge3A_235 : vector<1024x1xi32>
    %select_n3A_237 = arith.select %ge3A_236, %or3A_227, %select_n3A_224 : vector<1024x1xi1>, vector<1024x1xi32>
    %or3A_238 = arith.constant 16384 : i32
    %or3A_239 = vector.broadcast %or3A_238 : i32 to vector<1024x1xi32>
    %or3A_240 = arith.ori %select_n3A_237, %or3A_239 : vector<1024x1xi32>
    %ge3A_241 = vector.broadcast %or3A_240 : vector<1024x1xi32> to vector<1024x1024xi32>
    %ge3A_242 = arith.cmpi uge, %select_n3A_17, %ge3A_241 : vector<1024x1024xi32>
    %convert_element_type3A_243 = arith.extui %ge3A_242 : vector<1024x1024xi1> to vector<1024x1024xi32>
    %reduce_sum3A_244 = arith.constant dense<0> : vector<1024xi32>
    %reduce_sum3A_245 = vector.multi_reduction <add>, %convert_element_type3A_243, %reduce_sum3A_244 [1] : vector<1024x1024xi32> to vector<1024xi32>
    %broadcast_in_dim3A_246 = vector.shape_cast %reduce_sum3A_245 : vector<1024xi32> to vector<1024x1xi32>
    %ge3A_247 = arith.constant 102 : i32
    %ge3A_248 = vector.broadcast %ge3A_247 : i32 to vector<1024x1xi32>
    %ge3A_249 = arith.cmpi sge, %broadcast_in_dim3A_246, %ge3A_248 : vector<1024x1xi32>
    %select_n3A_250 = arith.select %ge3A_249, %or3A_240, %select_n3A_237 : vector<1024x1xi1>, vector<1024x1xi32>
    %or3A_251 = arith.constant 8192 : i32
    %or3A_252 = vector.broadcast %or3A_251 : i32 to vector<1024x1xi32>
    %or3A_253 = arith.ori %select_n3A_250, %or3A_252 : vector<1024x1xi32>
    %ge3A_254 = vector.broadcast %or3A_253 : vector<1024x1xi32> to vector<1024x1024xi32>
    %ge3A_255 = arith.cmpi uge, %select_n3A_17, %ge3A_254 : vector<1024x1024xi32>
    %convert_element_type3A_256 = arith.extui %ge3A_255 : vector<1024x1024xi1> to vector<1024x1024xi32>
    %reduce_sum3A_257 = arith.constant dense<0> : vector<1024xi32>
    %reduce_sum3A_258 = vector.multi_reduction <add>, %convert_element_type3A_256, %reduce_sum3A_257 [1] : vector<1024x1024xi32> to vector<1024xi32>
    %broadcast_in_dim3A_259 = vector.shape_cast %reduce_sum3A_258 : vector<1024xi32> to vector<1024x1xi32>
    %ge3A_260 = arith.constant 102 : i32
    %ge3A_261 = vector.broadcast %ge3A_260 : i32 to vector<1024x1xi32>
    %ge3A_262 = arith.cmpi sge, %broadcast_in_dim3A_259, %ge3A_261 : vector<1024x1xi32>
    %select_n3A_263 = arith.select %ge3A_262, %or3A_253, %select_n3A_250 : vector<1024x1xi1>, vector<1024x1xi32>
    %or3A_264 = arith.constant 4096 : i32
    %or3A_265 = vector.broadcast %or3A_264 : i32 to vector<1024x1xi32>
    %or3A_266 = arith.ori %select_n3A_263, %or3A_265 : vector<1024x1xi32>
    %ge3A_267 = vector.broadcast %or3A_266 : vector<1024x1xi32> to vector<1024x1024xi32>
    %ge3A_268 = arith.cmpi uge, %select_n3A_17, %ge3A_267 : vector<1024x1024xi32>
    %convert_element_type3A_269 = arith.extui %ge3A_268 : vector<1024x1024xi1> to vector<1024x1024xi32>
    %reduce_sum3A_270 = arith.constant dense<0> : vector<1024xi32>
    %reduce_sum3A_271 = vector.multi_reduction <add>, %convert_element_type3A_269, %reduce_sum3A_270 [1] : vector<1024x1024xi32> to vector<1024xi32>
    %broadcast_in_dim3A_272 = vector.shape_cast %reduce_sum3A_271 : vector<1024xi32> to vector<1024x1xi32>
    %ge3A_273 = arith.constant 102 : i32
    %ge3A_274 = vector.broadcast %ge3A_273 : i32 to vector<1024x1xi32>
    %ge3A_275 = arith.cmpi sge, %broadcast_in_dim3A_272, %ge3A_274 : vector<1024x1xi32>
    %select_n3A_276 = arith.select %ge3A_275, %or3A_266, %select_n3A_263 : vector<1024x1xi1>, vector<1024x1xi32>
    %or3A_277 = arith.constant 2048 : i32
    %or3A_278 = vector.broadcast %or3A_277 : i32 to vector<1024x1xi32>
    %or3A_279 = arith.ori %select_n3A_276, %or3A_278 : vector<1024x1xi32>
    %ge3A_280 = vector.broadcast %or3A_279 : vector<1024x1xi32> to vector<1024x1024xi32>
    %ge3A_281 = arith.cmpi uge, %select_n3A_17, %ge3A_280 : vector<1024x1024xi32>
    %convert_element_type3A_282 = arith.extui %ge3A_281 : vector<1024x1024xi1> to vector<1024x1024xi32>
    %reduce_sum3A_283 = arith.constant dense<0> : vector<1024xi32>
    %reduce_sum3A_284 = vector.multi_reduction <add>, %convert_element_type3A_282, %reduce_sum3A_283 [1] : vector<1024x1024xi32> to vector<1024xi32>
    %broadcast_in_dim3A_285 = vector.shape_cast %reduce_sum3A_284 : vector<1024xi32> to vector<1024x1xi32>
    %ge3A_286 = arith.constant 102 : i32
    %ge3A_287 = vector.broadcast %ge3A_286 : i32 to vector<1024x1xi32>
    %ge3A_288 = arith.cmpi sge, %broadcast_in_dim3A_285, %ge3A_287 : vector<1024x1xi32>
    %select_n3A_289 = arith.select %ge3A_288, %or3A_279, %select_n3A_276 : vector<1024x1xi1>, vector<1024x1xi32>
    %or3A_290 = arith.constant 1024 : i32
    %or3A_291 = vector.broadcast %or3A_290 : i32 to vector<1024x1xi32>
    %or3A_292 = arith.ori %select_n3A_289, %or3A_291 : vector<1024x1xi32>
    %ge3A_293 = vector.broadcast %or3A_292 : vector<1024x1xi32> to vector<1024x1024xi32>
    %ge3A_294 = arith.cmpi uge, %select_n3A_17, %ge3A_293 : vector<1024x1024xi32>
    %convert_element_type3A_295 = arith.extui %ge3A_294 : vector<1024x1024xi1> to vector<1024x1024xi32>
    %reduce_sum3A_296 = arith.constant dense<0> : vector<1024xi32>
    %reduce_sum3A_297 = vector.multi_reduction <add>, %convert_element_type3A_295, %reduce_sum3A_296 [1] : vector<1024x1024xi32> to vector<1024xi32>
    %broadcast_in_dim3A_298 = vector.shape_cast %reduce_sum3A_297 : vector<1024xi32> to vector<1024x1xi32>
    %ge3A_299 = arith.constant 102 : i32
    %ge3A_300 = vector.broadcast %ge3A_299 : i32 to vector<1024x1xi32>
    %ge3A_301 = arith.cmpi sge, %broadcast_in_dim3A_298, %ge3A_300 : vector<1024x1xi32>
    %select_n3A_302 = arith.select %ge3A_301, %or3A_292, %select_n3A_289 : vector<1024x1xi1>, vector<1024x1xi32>
    %or3A_303 = arith.constant 512 : i32
    %or3A_304 = vector.broadcast %or3A_303 : i32 to vector<1024x1xi32>
    %or3A_305 = arith.ori %select_n3A_302, %or3A_304 : vector<1024x1xi32>
    %ge3A_306 = vector.broadcast %or3A_305 : vector<1024x1xi32> to vector<1024x1024xi32>
    %ge3A_307 = arith.cmpi uge, %select_n3A_17, %ge3A_306 : vector<1024x1024xi32>
    %convert_element_type3A_308 = arith.extui %ge3A_307 : vector<1024x1024xi1> to vector<1024x1024xi32>
    %reduce_sum3A_309 = arith.constant dense<0> : vector<1024xi32>
    %reduce_sum3A_310 = vector.multi_reduction <add>, %convert_element_type3A_308, %reduce_sum3A_309 [1] : vector<1024x1024xi32> to vector<1024xi32>
    %broadcast_in_dim3A_311 = vector.shape_cast %reduce_sum3A_310 : vector<1024xi32> to vector<1024x1xi32>
    %ge3A_312 = arith.constant 102 : i32
    %ge3A_313 = vector.broadcast %ge3A_312 : i32 to vector<1024x1xi32>
    %ge3A_314 = arith.cmpi sge, %broadcast_in_dim3A_311, %ge3A_313 : vector<1024x1xi32>
    %select_n3A_315 = arith.select %ge3A_314, %or3A_305, %select_n3A_302 : vector<1024x1xi1>, vector<1024x1xi32>
    %or3A_316 = arith.constant 256 : i32
    %or3A_317 = vector.broadcast %or3A_316 : i32 to vector<1024x1xi32>
    %or3A_318 = arith.ori %select_n3A_315, %or3A_317 : vector<1024x1xi32>
    %ge3A_319 = vector.broadcast %or3A_318 : vector<1024x1xi32> to vector<1024x1024xi32>
    %ge3A_320 = arith.cmpi uge, %select_n3A_17, %ge3A_319 : vector<1024x1024xi32>
    %convert_element_type3A_321 = arith.extui %ge3A_320 : vector<1024x1024xi1> to vector<1024x1024xi32>
    %reduce_sum3A_322 = arith.constant dense<0> : vector<1024xi32>
    %reduce_sum3A_323 = vector.multi_reduction <add>, %convert_element_type3A_321, %reduce_sum3A_322 [1] : vector<1024x1024xi32> to vector<1024xi32>
    %broadcast_in_dim3A_324 = vector.shape_cast %reduce_sum3A_323 : vector<1024xi32> to vector<1024x1xi32>
    %ge3A_325 = arith.constant 102 : i32
    %ge3A_326 = vector.broadcast %ge3A_325 : i32 to vector<1024x1xi32>
    %ge3A_327 = arith.cmpi sge, %broadcast_in_dim3A_324, %ge3A_326 : vector<1024x1xi32>
    %select_n3A_328 = arith.select %ge3A_327, %or3A_318, %select_n3A_315 : vector<1024x1xi1>, vector<1024x1xi32>
    %or3A_329 = arith.constant 128 : i32
    %or3A_330 = vector.broadcast %or3A_329 : i32 to vector<1024x1xi32>
    %or3A_331 = arith.ori %select_n3A_328, %or3A_330 : vector<1024x1xi32>
    %ge3A_332 = vector.broadcast %or3A_331 : vector<1024x1xi32> to vector<1024x1024xi32>
    %ge3A_333 = arith.cmpi uge, %select_n3A_17, %ge3A_332 : vector<1024x1024xi32>
    %convert_element_type3A_334 = arith.extui %ge3A_333 : vector<1024x1024xi1> to vector<1024x1024xi32>
    %reduce_sum3A_335 = arith.constant dense<0> : vector<1024xi32>
    %reduce_sum3A_336 = vector.multi_reduction <add>, %convert_element_type3A_334, %reduce_sum3A_335 [1] : vector<1024x1024xi32> to vector<1024xi32>
    %broadcast_in_dim3A_337 = vector.shape_cast %reduce_sum3A_336 : vector<1024xi32> to vector<1024x1xi32>
    %ge3A_338 = arith.constant 102 : i32
    %ge3A_339 = vector.broadcast %ge3A_338 : i32 to vector<1024x1xi32>
    %ge3A_340 = arith.cmpi sge, %broadcast_in_dim3A_337, %ge3A_339 : vector<1024x1xi32>
    %select_n3A_341 = arith.select %ge3A_340, %or3A_331, %select_n3A_328 : vector<1024x1xi1>, vector<1024x1xi32>
    %or3A_342 = arith.constant 64 : i32
    %or3A_343 = vector.broadcast %or3A_342 : i32 to vector<1024x1xi32>
    %or3A_344 = arith.ori %select_n3A_341, %or3A_343 : vector<1024x1xi32>
    %ge3A_345 = vector.broadcast %or3A_344 : vector<1024x1xi32> to vector<1024x1024xi32>
    %ge3A_346 = arith.cmpi uge, %select_n3A_17, %ge3A_345 : vector<1024x1024xi32>
    %convert_element_type3A_347 = arith.extui %ge3A_346 : vector<1024x1024xi1> to vector<1024x1024xi32>
    %reduce_sum3A_348 = arith.constant dense<0> : vector<1024xi32>
    %reduce_sum3A_349 = vector.multi_reduction <add>, %convert_element_type3A_347, %reduce_sum3A_348 [1] : vector<1024x1024xi32> to vector<1024xi32>
    %broadcast_in_dim3A_350 = vector.shape_cast %reduce_sum3A_349 : vector<1024xi32> to vector<1024x1xi32>
    %ge3A_351 = arith.constant 102 : i32
    %ge3A_352 = vector.broadcast %ge3A_351 : i32 to vector<1024x1xi32>
    %ge3A_353 = arith.cmpi sge, %broadcast_in_dim3A_350, %ge3A_352 : vector<1024x1xi32>
    %select_n3A_354 = arith.select %ge3A_353, %or3A_344, %select_n3A_341 : vector<1024x1xi1>, vector<1024x1xi32>
    %or3A_355 = arith.constant 32 : i32
    %or3A_356 = vector.broadcast %or3A_355 : i32 to vector<1024x1xi32>
    %or3A_357 = arith.ori %select_n3A_354, %or3A_356 : vector<1024x1xi32>
    %ge3A_358 = vector.broadcast %or3A_357 : vector<1024x1xi32> to vector<1024x1024xi32>
    %ge3A_359 = arith.cmpi uge, %select_n3A_17, %ge3A_358 : vector<1024x1024xi32>
    %convert_element_type3A_360 = arith.extui %ge3A_359 : vector<1024x1024xi1> to vector<1024x1024xi32>
    %reduce_sum3A_361 = arith.constant dense<0> : vector<1024xi32>
    %reduce_sum3A_362 = vector.multi_reduction <add>, %convert_element_type3A_360, %reduce_sum3A_361 [1] : vector<1024x1024xi32> to vector<1024xi32>
    %broadcast_in_dim3A_363 = vector.shape_cast %reduce_sum3A_362 : vector<1024xi32> to vector<1024x1xi32>
    %ge3A_364 = arith.constant 102 : i32
    %ge3A_365 = vector.broadcast %ge3A_364 : i32 to vector<1024x1xi32>
    %ge3A_366 = arith.cmpi sge, %broadcast_in_dim3A_363, %ge3A_365 : vector<1024x1xi32>
    %select_n3A_367 = arith.select %ge3A_366, %or3A_357, %select_n3A_354 : vector<1024x1xi1>, vector<1024x1xi32>
    %or3A_368 = arith.constant 16 : i32
    %or3A_369 = vector.broadcast %or3A_368 : i32 to vector<1024x1xi32>
    %or3A_370 = arith.ori %select_n3A_367, %or3A_369 : vector<1024x1xi32>
    %ge3A_371 = vector.broadcast %or3A_370 : vector<1024x1xi32> to vector<1024x1024xi32>
    %ge3A_372 = arith.cmpi uge, %select_n3A_17, %ge3A_371 : vector<1024x1024xi32>
    %convert_element_type3A_373 = arith.extui %ge3A_372 : vector<1024x1024xi1> to vector<1024x1024xi32>
    %reduce_sum3A_374 = arith.constant dense<0> : vector<1024xi32>
    %reduce_sum3A_375 = vector.multi_reduction <add>, %convert_element_type3A_373, %reduce_sum3A_374 [1] : vector<1024x1024xi32> to vector<1024xi32>
    %broadcast_in_dim3A_376 = vector.shape_cast %reduce_sum3A_375 : vector<1024xi32> to vector<1024x1xi32>
    %ge3A_377 = arith.constant 102 : i32
    %ge3A_378 = vector.broadcast %ge3A_377 : i32 to vector<1024x1xi32>
    %ge3A_379 = arith.cmpi sge, %broadcast_in_dim3A_376, %ge3A_378 : vector<1024x1xi32>
    %select_n3A_380 = arith.select %ge3A_379, %or3A_370, %select_n3A_367 : vector<1024x1xi1>, vector<1024x1xi32>
    %or3A_381 = arith.constant 8 : i32
    %or3A_382 = vector.broadcast %or3A_381 : i32 to vector<1024x1xi32>
    %or3A_383 = arith.ori %select_n3A_380, %or3A_382 : vector<1024x1xi32>
    %ge3A_384 = vector.broadcast %or3A_383 : vector<1024x1xi32> to vector<1024x1024xi32>
    %ge3A_385 = arith.cmpi uge, %select_n3A_17, %ge3A_384 : vector<1024x1024xi32>
    %convert_element_type3A_386 = arith.extui %ge3A_385 : vector<1024x1024xi1> to vector<1024x1024xi32>
    %reduce_sum3A_387 = arith.constant dense<0> : vector<1024xi32>
    %reduce_sum3A_388 = vector.multi_reduction <add>, %convert_element_type3A_386, %reduce_sum3A_387 [1] : vector<1024x1024xi32> to vector<1024xi32>
    %broadcast_in_dim3A_389 = vector.shape_cast %reduce_sum3A_388 : vector<1024xi32> to vector<1024x1xi32>
    %ge3A_390 = arith.constant 102 : i32
    %ge3A_391 = vector.broadcast %ge3A_390 : i32 to vector<1024x1xi32>
    %ge3A_392 = arith.cmpi sge, %broadcast_in_dim3A_389, %ge3A_391 : vector<1024x1xi32>
    %select_n3A_393 = arith.select %ge3A_392, %or3A_383, %select_n3A_380 : vector<1024x1xi1>, vector<1024x1xi32>
    %or3A_394 = arith.constant 4 : i32
    %or3A_395 = vector.broadcast %or3A_394 : i32 to vector<1024x1xi32>
    %or3A_396 = arith.ori %select_n3A_393, %or3A_395 : vector<1024x1xi32>
    %ge3A_397 = vector.broadcast %or3A_396 : vector<1024x1xi32> to vector<1024x1024xi32>
    %ge3A_398 = arith.cmpi uge, %select_n3A_17, %ge3A_397 : vector<1024x1024xi32>
    %convert_element_type3A_399 = arith.extui %ge3A_398 : vector<1024x1024xi1> to vector<1024x1024xi32>
    %reduce_sum3A_400 = arith.constant dense<0> : vector<1024xi32>
    %reduce_sum3A_401 = vector.multi_reduction <add>, %convert_element_type3A_399, %reduce_sum3A_400 [1] : vector<1024x1024xi32> to vector<1024xi32>
    %broadcast_in_dim3A_402 = vector.shape_cast %reduce_sum3A_401 : vector<1024xi32> to vector<1024x1xi32>
    %ge3A_403 = arith.constant 102 : i32
    %ge3A_404 = vector.broadcast %ge3A_403 : i32 to vector<1024x1xi32>
    %ge3A_405 = arith.cmpi sge, %broadcast_in_dim3A_402, %ge3A_404 : vector<1024x1xi32>
    %select_n3A_406 = arith.select %ge3A_405, %or3A_396, %select_n3A_393 : vector<1024x1xi1>, vector<1024x1xi32>
    %or3A_407 = arith.constant 2 : i32
    %or3A_408 = vector.broadcast %or3A_407 : i32 to vector<1024x1xi32>
    %or3A_409 = arith.ori %select_n3A_406, %or3A_408 : vector<1024x1xi32>
    %ge3A_410 = vector.broadcast %or3A_409 : vector<1024x1xi32> to vector<1024x1024xi32>
    %ge3A_411 = arith.cmpi uge, %select_n3A_17, %ge3A_410 : vector<1024x1024xi32>
    %convert_element_type3A_412 = arith.extui %ge3A_411 : vector<1024x1024xi1> to vector<1024x1024xi32>
    %reduce_sum3A_413 = arith.constant dense<0> : vector<1024xi32>
    %reduce_sum3A_414 = vector.multi_reduction <add>, %convert_element_type3A_412, %reduce_sum3A_413 [1] : vector<1024x1024xi32> to vector<1024xi32>
    %broadcast_in_dim3A_415 = vector.shape_cast %reduce_sum3A_414 : vector<1024xi32> to vector<1024x1xi32>
    %ge3A_416 = arith.constant 102 : i32
    %ge3A_417 = vector.broadcast %ge3A_416 : i32 to vector<1024x1xi32>
    %ge3A_418 = arith.cmpi sge, %broadcast_in_dim3A_415, %ge3A_417 : vector<1024x1xi32>
    %select_n3A_419 = arith.select %ge3A_418, %or3A_409, %select_n3A_406 : vector<1024x1xi1>, vector<1024x1xi32>
    %or3A_420 = arith.constant 1 : i32
    %or3A_421 = vector.broadcast %or3A_420 : i32 to vector<1024x1xi32>
    %or3A_422 = arith.ori %select_n3A_419, %or3A_421 : vector<1024x1xi32>
    %ge3A_423 = vector.broadcast %or3A_422 : vector<1024x1xi32> to vector<1024x1024xi32>
    %ge3A_424 = arith.cmpi uge, %select_n3A_17, %ge3A_423 : vector<1024x1024xi32>
    %convert_element_type3A_425 = arith.extui %ge3A_424 : vector<1024x1024xi1> to vector<1024x1024xi32>
    %reduce_sum3A_426 = arith.constant dense<0> : vector<1024xi32>
    %reduce_sum3A_427 = vector.multi_reduction <add>, %convert_element_type3A_425, %reduce_sum3A_426 [1] : vector<1024x1024xi32> to vector<1024xi32>
    %broadcast_in_dim3A_428 = vector.shape_cast %reduce_sum3A_427 : vector<1024xi32> to vector<1024x1xi32>
    %ge3A_429 = arith.constant 102 : i32
    %ge3A_430 = vector.broadcast %ge3A_429 : i32 to vector<1024x1xi32>
    %ge3A_431 = arith.cmpi sge, %broadcast_in_dim3A_428, %ge3A_430 : vector<1024x1xi32>
    %select_n3A_432 = arith.select %ge3A_431, %or3A_422, %select_n3A_419 : vector<1024x1xi1>, vector<1024x1xi32>
    %gt3A_433 = vector.broadcast %select_n3A_432 : vector<1024x1xi32> to vector<1024x1024xi32>
    %gt3A_434 = arith.cmpi ugt, %select_n3A_17, %gt3A_433 : vector<1024x1024xi32>
    %eq3A = vector.broadcast %select_n3A_432 : vector<1024x1xi32> to vector<1024x1024xi32>
    %eq3A_435 = arith.cmpi eq, %select_n3A_17, %eq3A : vector<1024x1024xi32>
    %gt3A_436 = arith.constant 0 : i32
    %gt3A_437 = vector.broadcast %gt3A_436 : i32 to vector<1024x1xi32>
    %gt3A_438 = arith.cmpi ugt, %select_n3A_432, %gt3A_437 : vector<1024x1xi32>
    %and3A = vector.broadcast %gt3A_438 : vector<1024x1xi1> to vector<1024x1024xi1>
    %and3A_439 = arith.andi %eq3A_435, %and3A : vector<1024x1024xi1>
    %convert_element_type3A_440 = arith.extui %gt3A_434 : vector<1024x1024xi1> to vector<1024x1024xi32>
    %reduce_sum3A_441 = arith.constant dense<0> : vector<1024xi32>
    %reduce_sum3A_442 = vector.multi_reduction <add>, %convert_element_type3A_440, %reduce_sum3A_441 [1] : vector<1024x1024xi32> to vector<1024xi32>
    %broadcast_in_dim3A_443 = vector.shape_cast %reduce_sum3A_442 : vector<1024xi32> to vector<1024x1xi32>
    %le3A = arith.cmpi sle, %iota3A, %iota3A_16 : vector<1024x1024xi32>
    %convert_element_type3A_444 = arith.extui %le3A : vector<1024x1024xi1> to vector<1024x1024xi32>
    %convert_element_type3A_445 = arith.sitofp %convert_element_type3A_444 : vector<1024x1024xi32> to vector<1024x1024xf32>
    %convert_element_type3A_446 = arith.truncf %convert_element_type3A_445 : vector<1024x1024xf32> to vector<1024x1024xbf16>
    %convert_element_type3A_447 = arith.extui %and3A_439 : vector<1024x1024xi1> to vector<1024x1024xi32>
    %convert_element_type3A_448 = arith.sitofp %convert_element_type3A_447 : vector<1024x1024xi32> to vector<1024x1024xf32>
    %convert_element_type3A_449 = arith.truncf %convert_element_type3A_448 : vector<1024x1024xf32> to vector<1024x1024xbf16>
    %dot_general3A_450 = arith.constant dense<0.000000e+00> : vector<1024x1024xf32>
    %dot_general3A_451 = tpu.matmul %convert_element_type3A_449, %convert_element_type3A_446, %dot_general3A_450 {dimension_numbers = #tpu.dot_dimension_numbers<[1], [0], [0], [1], [0, 0, 1, 1], [], []>, transpose_lhs_hint = false} : vector<1024x1024xbf16>, vector<1024x1024xbf16>, vector<1024x1024xf32> -> vector<1024x1024xf32>
    %sub3A = arith.constant 102 : i32
    %sub3A_452 = vector.broadcast %sub3A : i32 to vector<1024x1xi32>
    %sub3A_453 = arith.subi %sub3A_452, %broadcast_in_dim3A_443 : vector<1024x1xi32>
    %convert_element_type3A_454 = arith.sitofp %sub3A_453 : vector<1024x1xi32> to vector<1024x1xf32>
    %le3A_455 = vector.broadcast %convert_element_type3A_454 : vector<1024x1xf32> to vector<1024x1024xf32>
    %le3A_456 = arith.cmpf ole, %dot_general3A_451, %le3A_455 : vector<1024x1024xf32>
    %and3A_457 = arith.andi %and3A_439, %le3A_456 : vector<1024x1024xi1>
    %or3A_458 = arith.ori %gt3A_434, %and3A_457 : vector<1024x1024xi1>
    %convert_element_type3A_459 = arith.extui %or3A_458 : vector<1024x1024xi1> to vector<1024x1024xi32>
    %swap3A = arith.constant 0 : index
    %swap3A_460 = arith.constant 0 : index
    %swap3A_461 = arith.constant 0 : index
    %swap3A_462 = vector.load %arg3[%swap3A, %swap3A_460, %swap3A_461] : memref<1x1024x1024xi32, #tpu.memory_space<vmem>>, vector<1x1024x1024xi32>
    %swap3A_463 = vector.shape_cast %swap3A_462 : vector<1x1024x1024xi32> to vector<1024x1024xi32>
    %swap3A_464 = vector.shape_cast %convert_element_type3A_459 : vector<1024x1024xi32> to vector<1x1024x1024xi32>
    tpu.vector_store %arg3[%swap3A, %swap3A_460, %swap3A_461], %swap3A_464 {strides = array<i32>} : memref<1x1024x1024xi32, #tpu.memory_space<vmem>>, vector<1x1024x1024xi32>,
    %gt3A_465 = arith.constant 0 : i32
    %gt3A_466 = vector.broadcast %gt3A_465 : i32 to vector<1024x1024xi32>
    %gt3A_467 = arith.cmpi ugt, %select_n3A_17, %gt3A_466 : vector<1024x1024xi32>
    %bitcast_convert_type3A_468 = tpu.bitcast %select_n3A_17 : vector<1024x1024xi32> -> vector<1024x1024xi32>
    %xor3A_469 = arith.constant -2147483648 : i32
    %xor3A_470 = vector.broadcast %xor3A_469 : i32 to vector<1024x1024xi32>
    %xor3A_471 = arith.xori %bitcast_convert_type3A_468, %xor3A_470 : vector<1024x1024xi32>
    %jit3A_472 = arith.constant 2147483647 : i32
    %broadcast_in_dim3A_473 = vector.broadcast %jit3A_472 : i32 to vector<1024x1024xi32>
    %select_n3A_474 = arith.select %gt3A_467, %xor3A_471, %broadcast_in_dim3A_473 : vector<1024x1024xi1>, vector<1024x1024xi32>
    %reduce_min3A = arith.constant dense<2147483647> : vector<1024xi32>
    %reduce_min3A_475 = vector.multi_reduction <minsi>, %select_n3A_474, %reduce_min3A [1] : vector<1024x1024xi32> to vector<1024xi32>
    %broadcast_in_dim3A_476 = vector.shape_cast %reduce_min3A_475 : vector<1024xi32> to vector<1024x1xi32>
    %eq3A_477 = vector.broadcast %broadcast_in_dim3A_476 : vector<1024x1xi32> to vector<1024x1024xi32>
    %eq3A_478 = arith.cmpi eq, %select_n3A_474, %eq3A_477 : vector<1024x1024xi32>
    %jit3A_479 = arith.constant 1073741824 : i32
    %broadcast_in_dim3A_480 = vector.broadcast %jit3A_479 : i32 to vector<1024x1024xi32>
    %select_n3A_481 = arith.select %eq3A_478, %iota3A_16, %broadcast_in_dim3A_480 : vector<1024x1024xi1>, vector<1024x1024xi32>
    %reduce_min3A_482 = arith.constant dense<2147483647> : vector<1024xi32>
    %reduce_min3A_483 = vector.multi_reduction <minsi>, %select_n3A_481, %reduce_min3A_482 [1] : vector<1024x1024xi32> to vector<1024xi32>
    %reshape3A = vector.shape_cast %reduce_min3A_483 : vector<1024xi32> to vector<1x1024xi32>
    %swap3A_484 = arith.constant 0 : index
    %swap3A_485 = arith.constant 0 : index
    %swap3A_486 = arith.constant 0 : index
    %swap3A_487 = vector.load %arg4[%swap3A_484, %swap3A_485, %swap3A_486] : memref<1x1x1024xi32, #tpu.memory_space<vmem>>, vector<1x1x1024xi32>
    %swap3A_488 = vector.shape_cast %swap3A_487 : vector<1x1x1024xi32> to vector<1x1024xi32>
    %swap3A_489 = vector.shape_cast %reshape3A : vector<1x1024xi32> to vector<1x1x1024xi32>
    tpu.vector_store %arg4[%swap3A_484, %swap3A_485, %swap3A_486], %swap3A_489 {strides = array<i32>} : memref<1x1x1024xi32, #tpu.memory_space<vmem>>, vector<1x1x1024xi32>,
    return
  }
  func.func @transform_0(%arg0: i32) -> (i32, i32, i32) {
    %c0_i32 = arith.constant 0 : i32
    %c0_i32_0 = arith.constant 0 : i32
    %c0_i32_1 = arith.constant 0 : i32
    return %arg0, %c0_i32, %c0_i32_0 : i32, i32, i32
  }
  func.func @transform_1(%arg0: i32) -> (i32, i32, i32) {
    %c0_i32 = arith.constant 0 : i32
    %c0_i32_0 = arith.constant 0 : i32
    %c0_i32_1 = arith.constant 0 : i32
    return %arg0, %c0_i32, %c0_i32_0 : i32, i32, i32
  }
  func.func @transform_2(%arg0: i32) -> (i32, i32, i32) {
    %c0_i32 = arith.constant 0 : i32
    %c0_i32_0 = arith.constant 0 : i32
    %c0_i32_1 = arith.constant 0 : i32
    return %arg0, %c0_i32, %c0_i32_0 : i32, i32, i32
  }
  func.func @transform_3(%arg0: i32) -> (i32, i32, i32) {
    %c0_i32 = arith.constant 0 : i32
    %c0_i32_0 = arith.constant 0 : i32
    %c0_i32_1 = arith.constant 0 : i32
    return %arg0, %c0_i32, %c0_i32_0 : i32, i32, i32
  }
}

module attributes {stable_mosaic.version = 14 : i64} {
  func.func @_core_kernel(%arg0: i32, %arg1: memref<16x64xf32, #tpu.memory_space<vmem>>, %arg2: memref<16x104x128xf32, #tpu.memory_space<vmem>>, %arg3: memref<16x104x128xf32, #tpu.memory_space<vmem>>, %arg4: memref<16x64xf32, #tpu.memory_space<vmem>>) attributes {dimension_semantics = [#tpu.dimension_semantics<arbitrary>], iteration_bounds = array<i64: 512>, scalar_prefetch = 0 : i64, scratch_operands = 0 : i64, tpu.core_type = #tpu.core_type<tc>, window_params = [{transform_indices = @transform_0, window_bounds = array<i64: 16, 64>}, {transform_indices = @transform_1, window_bounds = array<i64: 16, 104, 128>}, {transform_indices = @transform_2, window_bounds = array<i64: 16, 104, 128>}, {transform_indices = @transform_3, window_bounds = array<i64: 16, 64>}]} {
    %get3A = arith.constant 0 : index
    %get3A_0 = arith.constant 0 : index
    %get3A_1 = vector.load %arg1[%get3A, %get3A_0] : memref<16x64xf32, #tpu.memory_space<vmem>>, vector<16x64xf32>
    %get3A_2 = arith.constant 0 : index
    %get3A_3 = arith.constant 0 : index
    %get3A_4 = arith.constant 0 : index
    %get3A_5 = vector.load %arg2[%get3A_2, %get3A_3, %get3A_4] : memref<16x104x128xf32, #tpu.memory_space<vmem>>, vector<1x104x128xf32>
    %get3A_6 = vector.shape_cast %get3A_5 : vector<1x104x128xf32> to vector<104x128xf32>
    %slice3A = vector.extract_strided_slice %get3A_6 {offsets = [0, 0], sizes = [102, 64], strides = [1, 1]} : vector<104x128xf32> to vector<102x64xf32>
    %slice3A_7 = vector.extract_strided_slice %get3A_6 {offsets = [0, 64], sizes = [102, 64], strides = [1, 1]} : vector<104x128xf32> to vector<102x64xf32>
    %get3A_8 = arith.constant 0 : index
    %get3A_9 = arith.constant 0 : index
    %get3A_10 = arith.constant 0 : index
    %get3A_11 = vector.load %arg3[%get3A_8, %get3A_9, %get3A_10] : memref<16x104x128xf32, #tpu.memory_space<vmem>>, vector<1x104x128xf32>
    %get3A_12 = vector.shape_cast %get3A_11 : vector<1x104x128xf32> to vector<104x128xf32>
    %slice3A_13 = vector.extract_strided_slice %get3A_12 {offsets = [0, 0], sizes = [102, 64], strides = [1, 1]} : vector<104x128xf32> to vector<102x64xf32>
    %convert_element_type3A = arith.truncf %slice3A_13 : vector<102x64xf32> to vector<102x64xbf16>
    %slice3A_14 = vector.extract_strided_slice %get3A_12 {offsets = [0, 64], sizes = [102, 64], strides = [1, 1]} : vector<104x128xf32> to vector<102x64xf32>
    %convert_element_type3A_15 = arith.truncf %slice3A_14 : vector<102x64xf32> to vector<102x64xbf16>
    %slice3A_16 = vector.extract_strided_slice %get3A_1 {offsets = [0, 0], sizes = [1, 64], strides = [1, 1]} : vector<16x64xf32> to vector<1x64xf32>
    %squeeze3A = vector.shape_cast %slice3A_16 : vector<1x64xf32> to vector<64xf32>
    %broadcast_in_dim3A = vector.shape_cast %squeeze3A : vector<64xf32> to vector<1x64xf32>
    %mul3A = vector.broadcast %broadcast_in_dim3A : vector<1x64xf32> to vector<102x64xf32>
    %mul3A_17 = arith.mulf %slice3A, %mul3A : vector<102x64xf32>
    %convert_element_type3A_18 = arith.truncf %mul3A_17 : vector<102x64xf32> to vector<102x64xbf16>
    %dot_general3A = arith.constant dense<0.000000e+00> : vector<102x102xf32>
    %dot_general3A_19 = tpu.matmul %convert_element_type3A_18, %convert_element_type3A, %dot_general3A {dimension_numbers = #tpu.dot_dimension_numbers<[1], [1], [0], [0], [0, 0, 1, 0], [], []>, transpose_lhs_hint = false} : vector<102x64xbf16>, vector<102x64xbf16>, vector<102x102xf32> -> vector<102x102xf32>
    %mul3A_20 = arith.constant 1.250000e-01 : f32
    %mul3A_21 = vector.broadcast %mul3A_20 : f32 to vector<102x102xf32>
    %mul3A_22 = arith.mulf %dot_general3A_19, %mul3A_21 : vector<102x102xf32>
    %reduce_max3A = arith.constant dense<0xFF800000> : vector<102xf32>
    %reduce_max3A_23 = vector.multi_reduction <maximumf>, %mul3A_22, %reduce_max3A [1] : vector<102x102xf32> to vector<102xf32>
    %broadcast_in_dim3A_24 = vector.shape_cast %reduce_max3A_23 : vector<102xf32> to vector<102x1xf32>
    %sub3A = vector.broadcast %broadcast_in_dim3A_24 : vector<102x1xf32> to vector<102x102xf32>
    %sub3A_25 = arith.subf %mul3A_22, %sub3A : vector<102x102xf32>
    %exp3A = math.exp %sub3A_25 : vector<102x102xf32>
    %reduce_sum3A = arith.constant dense<0.000000e+00> : vector<102xf32>
    %reduce_sum3A_26 = vector.multi_reduction <add>, %exp3A, %reduce_sum3A [1] : vector<102x102xf32> to vector<102xf32>
    %broadcast_in_dim3A_27 = vector.shape_cast %reduce_sum3A_26 : vector<102xf32> to vector<102x1xf32>
    %div3A = vector.broadcast %broadcast_in_dim3A_27 : vector<102x1xf32> to vector<102x102xf32>
    %div3A_28 = arith.divf %exp3A, %div3A : vector<102x102xf32>
    %convert_element_type3A_29 = arith.truncf %div3A_28 : vector<102x102xf32> to vector<102x102xbf16>
    %dot_general3A_30 = arith.constant dense<0.000000e+00> : vector<102x64xf32>
    %dot_general3A_31 = tpu.matmul %convert_element_type3A_29, %convert_element_type3A_15, %dot_general3A_30 {dimension_numbers = #tpu.dot_dimension_numbers<[1], [0], [0], [1], [0, 0, 1, 1], [], []>, transpose_lhs_hint = false} : vector<102x102xbf16>, vector<102x64xbf16>, vector<102x64xf32> -> vector<102x64xf32>
    %mul3A_32 = arith.mulf %slice3A_7, %dot_general3A_31 : vector<102x64xf32>
    %reduce_sum3A_33 = arith.constant dense<0.000000e+00> : vector<64xf32>
    %reduce_sum3A_34 = vector.multi_reduction <add>, %mul3A_32, %reduce_sum3A_33 [0] : vector<102x64xf32> to vector<64xf32>
    %swap3A = arith.constant 0 : index
    %swap3A_35 = arith.constant 0 : index
    %swap3A_36 = vector.load %arg4[%swap3A, %swap3A_35] : memref<16x64xf32, #tpu.memory_space<vmem>>, vector<1x64xf32>
    %swap3A_37 = vector.shape_cast %swap3A_36 : vector<1x64xf32> to vector<64xf32>
    %swap3A_38 = vector.shape_cast %reduce_sum3A_34 : vector<64xf32> to vector<1x64xf32>
    tpu.vector_store %arg4[%swap3A, %swap3A_35], %swap3A_38 {strides = array<i32>} : memref<16x64xf32, #tpu.memory_space<vmem>>, vector<1x64xf32>,
    %get3A_39 = arith.constant 1 : index
    %get3A_40 = arith.constant 0 : index
    %get3A_41 = arith.constant 0 : index
    %get3A_42 = vector.load %arg2[%get3A_39, %get3A_40, %get3A_41] : memref<16x104x128xf32, #tpu.memory_space<vmem>>, vector<1x104x128xf32>
    %get3A_43 = vector.shape_cast %get3A_42 : vector<1x104x128xf32> to vector<104x128xf32>
    %slice3A_44 = vector.extract_strided_slice %get3A_43 {offsets = [0, 0], sizes = [102, 64], strides = [1, 1]} : vector<104x128xf32> to vector<102x64xf32>
    %slice3A_45 = vector.extract_strided_slice %get3A_43 {offsets = [0, 64], sizes = [102, 64], strides = [1, 1]} : vector<104x128xf32> to vector<102x64xf32>
    %get3A_46 = arith.constant 1 : index
    %get3A_47 = arith.constant 0 : index
    %get3A_48 = arith.constant 0 : index
    %get3A_49 = vector.load %arg3[%get3A_46, %get3A_47, %get3A_48] : memref<16x104x128xf32, #tpu.memory_space<vmem>>, vector<1x104x128xf32>
    %get3A_50 = vector.shape_cast %get3A_49 : vector<1x104x128xf32> to vector<104x128xf32>
    %slice3A_51 = vector.extract_strided_slice %get3A_50 {offsets = [0, 0], sizes = [102, 64], strides = [1, 1]} : vector<104x128xf32> to vector<102x64xf32>
    %convert_element_type3A_52 = arith.truncf %slice3A_51 : vector<102x64xf32> to vector<102x64xbf16>
    %slice3A_53 = vector.extract_strided_slice %get3A_50 {offsets = [0, 64], sizes = [102, 64], strides = [1, 1]} : vector<104x128xf32> to vector<102x64xf32>
    %convert_element_type3A_54 = arith.truncf %slice3A_53 : vector<102x64xf32> to vector<102x64xbf16>
    %slice3A_55 = vector.extract_strided_slice %get3A_1 {offsets = [1, 0], sizes = [1, 64], strides = [1, 1]} : vector<16x64xf32> to vector<1x64xf32>
    %squeeze3A_56 = vector.shape_cast %slice3A_55 : vector<1x64xf32> to vector<64xf32>
    %broadcast_in_dim3A_57 = vector.shape_cast %squeeze3A_56 : vector<64xf32> to vector<1x64xf32>
    %mul3A_58 = vector.broadcast %broadcast_in_dim3A_57 : vector<1x64xf32> to vector<102x64xf32>
    %mul3A_59 = arith.mulf %slice3A_44, %mul3A_58 : vector<102x64xf32>
    %convert_element_type3A_60 = arith.truncf %mul3A_59 : vector<102x64xf32> to vector<102x64xbf16>
    %dot_general3A_61 = arith.constant dense<0.000000e+00> : vector<102x102xf32>
    %dot_general3A_62 = tpu.matmul %convert_element_type3A_60, %convert_element_type3A_52, %dot_general3A_61 {dimension_numbers = #tpu.dot_dimension_numbers<[1], [1], [0], [0], [0, 0, 1, 0], [], []>, transpose_lhs_hint = false} : vector<102x64xbf16>, vector<102x64xbf16>, vector<102x102xf32> -> vector<102x102xf32>
    %mul3A_63 = arith.constant 1.250000e-01 : f32
    %mul3A_64 = vector.broadcast %mul3A_63 : f32 to vector<102x102xf32>
    %mul3A_65 = arith.mulf %dot_general3A_62, %mul3A_64 : vector<102x102xf32>
    %reduce_max3A_66 = arith.constant dense<0xFF800000> : vector<102xf32>
    %reduce_max3A_67 = vector.multi_reduction <maximumf>, %mul3A_65, %reduce_max3A_66 [1] : vector<102x102xf32> to vector<102xf32>
    %broadcast_in_dim3A_68 = vector.shape_cast %reduce_max3A_67 : vector<102xf32> to vector<102x1xf32>
    %sub3A_69 = vector.broadcast %broadcast_in_dim3A_68 : vector<102x1xf32> to vector<102x102xf32>
    %sub3A_70 = arith.subf %mul3A_65, %sub3A_69 : vector<102x102xf32>
    %exp3A_71 = math.exp %sub3A_70 : vector<102x102xf32>
    %reduce_sum3A_72 = arith.constant dense<0.000000e+00> : vector<102xf32>
    %reduce_sum3A_73 = vector.multi_reduction <add>, %exp3A_71, %reduce_sum3A_72 [1] : vector<102x102xf32> to vector<102xf32>
    %broadcast_in_dim3A_74 = vector.shape_cast %reduce_sum3A_73 : vector<102xf32> to vector<102x1xf32>
    %div3A_75 = vector.broadcast %broadcast_in_dim3A_74 : vector<102x1xf32> to vector<102x102xf32>
    %div3A_76 = arith.divf %exp3A_71, %div3A_75 : vector<102x102xf32>
    %convert_element_type3A_77 = arith.truncf %div3A_76 : vector<102x102xf32> to vector<102x102xbf16>
    %dot_general3A_78 = arith.constant dense<0.000000e+00> : vector<102x64xf32>
    %dot_general3A_79 = tpu.matmul %convert_element_type3A_77, %convert_element_type3A_54, %dot_general3A_78 {dimension_numbers = #tpu.dot_dimension_numbers<[1], [0], [0], [1], [0, 0, 1, 1], [], []>, transpose_lhs_hint = false} : vector<102x102xbf16>, vector<102x64xbf16>, vector<102x64xf32> -> vector<102x64xf32>
    %mul3A_80 = arith.mulf %slice3A_45, %dot_general3A_79 : vector<102x64xf32>
    %reduce_sum3A_81 = arith.constant dense<0.000000e+00> : vector<64xf32>
    %reduce_sum3A_82 = vector.multi_reduction <add>, %mul3A_80, %reduce_sum3A_81 [0] : vector<102x64xf32> to vector<64xf32>
    %swap3A_83 = arith.constant 1 : index
    %swap3A_84 = arith.constant 0 : index
    %swap3A_85 = vector.load %arg4[%swap3A_83, %swap3A_84] : memref<16x64xf32, #tpu.memory_space<vmem>>, vector<1x64xf32>
    %swap3A_86 = vector.shape_cast %swap3A_85 : vector<1x64xf32> to vector<64xf32>
    %swap3A_87 = vector.shape_cast %reduce_sum3A_82 : vector<64xf32> to vector<1x64xf32>
    tpu.vector_store %arg4[%swap3A_83, %swap3A_84], %swap3A_87 {strides = array<i32>} : memref<16x64xf32, #tpu.memory_space<vmem>>, vector<1x64xf32>,
    %get3A_88 = arith.constant 2 : index
    %get3A_89 = arith.constant 0 : index
    %get3A_90 = arith.constant 0 : index
    %get3A_91 = vector.load %arg2[%get3A_88, %get3A_89, %get3A_90] : memref<16x104x128xf32, #tpu.memory_space<vmem>>, vector<1x104x128xf32>
    %get3A_92 = vector.shape_cast %get3A_91 : vector<1x104x128xf32> to vector<104x128xf32>
    %slice3A_93 = vector.extract_strided_slice %get3A_92 {offsets = [0, 0], sizes = [102, 64], strides = [1, 1]} : vector<104x128xf32> to vector<102x64xf32>
    %slice3A_94 = vector.extract_strided_slice %get3A_92 {offsets = [0, 64], sizes = [102, 64], strides = [1, 1]} : vector<104x128xf32> to vector<102x64xf32>
    %get3A_95 = arith.constant 2 : index
    %get3A_96 = arith.constant 0 : index
    %get3A_97 = arith.constant 0 : index
    %get3A_98 = vector.load %arg3[%get3A_95, %get3A_96, %get3A_97] : memref<16x104x128xf32, #tpu.memory_space<vmem>>, vector<1x104x128xf32>
    %get3A_99 = vector.shape_cast %get3A_98 : vector<1x104x128xf32> to vector<104x128xf32>
    %slice3A_100 = vector.extract_strided_slice %get3A_99 {offsets = [0, 0], sizes = [102, 64], strides = [1, 1]} : vector<104x128xf32> to vector<102x64xf32>
    %convert_element_type3A_101 = arith.truncf %slice3A_100 : vector<102x64xf32> to vector<102x64xbf16>
    %slice3A_102 = vector.extract_strided_slice %get3A_99 {offsets = [0, 64], sizes = [102, 64], strides = [1, 1]} : vector<104x128xf32> to vector<102x64xf32>
    %convert_element_type3A_103 = arith.truncf %slice3A_102 : vector<102x64xf32> to vector<102x64xbf16>
    %slice3A_104 = vector.extract_strided_slice %get3A_1 {offsets = [2, 0], sizes = [1, 64], strides = [1, 1]} : vector<16x64xf32> to vector<1x64xf32>
    %squeeze3A_105 = vector.shape_cast %slice3A_104 : vector<1x64xf32> to vector<64xf32>
    %broadcast_in_dim3A_106 = vector.shape_cast %squeeze3A_105 : vector<64xf32> to vector<1x64xf32>
    %mul3A_107 = vector.broadcast %broadcast_in_dim3A_106 : vector<1x64xf32> to vector<102x64xf32>
    %mul3A_108 = arith.mulf %slice3A_93, %mul3A_107 : vector<102x64xf32>
    %convert_element_type3A_109 = arith.truncf %mul3A_108 : vector<102x64xf32> to vector<102x64xbf16>
    %dot_general3A_110 = arith.constant dense<0.000000e+00> : vector<102x102xf32>
    %dot_general3A_111 = tpu.matmul %convert_element_type3A_109, %convert_element_type3A_101, %dot_general3A_110 {dimension_numbers = #tpu.dot_dimension_numbers<[1], [1], [0], [0], [0, 0, 1, 0], [], []>, transpose_lhs_hint = false} : vector<102x64xbf16>, vector<102x64xbf16>, vector<102x102xf32> -> vector<102x102xf32>
    %mul3A_112 = arith.constant 1.250000e-01 : f32
    %mul3A_113 = vector.broadcast %mul3A_112 : f32 to vector<102x102xf32>
    %mul3A_114 = arith.mulf %dot_general3A_111, %mul3A_113 : vector<102x102xf32>
    %reduce_max3A_115 = arith.constant dense<0xFF800000> : vector<102xf32>
    %reduce_max3A_116 = vector.multi_reduction <maximumf>, %mul3A_114, %reduce_max3A_115 [1] : vector<102x102xf32> to vector<102xf32>
    %broadcast_in_dim3A_117 = vector.shape_cast %reduce_max3A_116 : vector<102xf32> to vector<102x1xf32>
    %sub3A_118 = vector.broadcast %broadcast_in_dim3A_117 : vector<102x1xf32> to vector<102x102xf32>
    %sub3A_119 = arith.subf %mul3A_114, %sub3A_118 : vector<102x102xf32>
    %exp3A_120 = math.exp %sub3A_119 : vector<102x102xf32>
    %reduce_sum3A_121 = arith.constant dense<0.000000e+00> : vector<102xf32>
    %reduce_sum3A_122 = vector.multi_reduction <add>, %exp3A_120, %reduce_sum3A_121 [1] : vector<102x102xf32> to vector<102xf32>
    %broadcast_in_dim3A_123 = vector.shape_cast %reduce_sum3A_122 : vector<102xf32> to vector<102x1xf32>
    %div3A_124 = vector.broadcast %broadcast_in_dim3A_123 : vector<102x1xf32> to vector<102x102xf32>
    %div3A_125 = arith.divf %exp3A_120, %div3A_124 : vector<102x102xf32>
    %convert_element_type3A_126 = arith.truncf %div3A_125 : vector<102x102xf32> to vector<102x102xbf16>
    %dot_general3A_127 = arith.constant dense<0.000000e+00> : vector<102x64xf32>
    %dot_general3A_128 = tpu.matmul %convert_element_type3A_126, %convert_element_type3A_103, %dot_general3A_127 {dimension_numbers = #tpu.dot_dimension_numbers<[1], [0], [0], [1], [0, 0, 1, 1], [], []>, transpose_lhs_hint = false} : vector<102x102xbf16>, vector<102x64xbf16>, vector<102x64xf32> -> vector<102x64xf32>
    %mul3A_129 = arith.mulf %slice3A_94, %dot_general3A_128 : vector<102x64xf32>
    %reduce_sum3A_130 = arith.constant dense<0.000000e+00> : vector<64xf32>
    %reduce_sum3A_131 = vector.multi_reduction <add>, %mul3A_129, %reduce_sum3A_130 [0] : vector<102x64xf32> to vector<64xf32>
    %swap3A_132 = arith.constant 2 : index
    %swap3A_133 = arith.constant 0 : index
    %swap3A_134 = vector.load %arg4[%swap3A_132, %swap3A_133] : memref<16x64xf32, #tpu.memory_space<vmem>>, vector<1x64xf32>
    %swap3A_135 = vector.shape_cast %swap3A_134 : vector<1x64xf32> to vector<64xf32>
    %swap3A_136 = vector.shape_cast %reduce_sum3A_131 : vector<64xf32> to vector<1x64xf32>
    tpu.vector_store %arg4[%swap3A_132, %swap3A_133], %swap3A_136 {strides = array<i32>} : memref<16x64xf32, #tpu.memory_space<vmem>>, vector<1x64xf32>,
    %get3A_137 = arith.constant 3 : index
    %get3A_138 = arith.constant 0 : index
    %get3A_139 = arith.constant 0 : index
    %get3A_140 = vector.load %arg2[%get3A_137, %get3A_138, %get3A_139] : memref<16x104x128xf32, #tpu.memory_space<vmem>>, vector<1x104x128xf32>
    %get3A_141 = vector.shape_cast %get3A_140 : vector<1x104x128xf32> to vector<104x128xf32>
    %slice3A_142 = vector.extract_strided_slice %get3A_141 {offsets = [0, 0], sizes = [102, 64], strides = [1, 1]} : vector<104x128xf32> to vector<102x64xf32>
    %slice3A_143 = vector.extract_strided_slice %get3A_141 {offsets = [0, 64], sizes = [102, 64], strides = [1, 1]} : vector<104x128xf32> to vector<102x64xf32>
    %get3A_144 = arith.constant 3 : index
    %get3A_145 = arith.constant 0 : index
    %get3A_146 = arith.constant 0 : index
    %get3A_147 = vector.load %arg3[%get3A_144, %get3A_145, %get3A_146] : memref<16x104x128xf32, #tpu.memory_space<vmem>>, vector<1x104x128xf32>
    %get3A_148 = vector.shape_cast %get3A_147 : vector<1x104x128xf32> to vector<104x128xf32>
    %slice3A_149 = vector.extract_strided_slice %get3A_148 {offsets = [0, 0], sizes = [102, 64], strides = [1, 1]} : vector<104x128xf32> to vector<102x64xf32>
    %convert_element_type3A_150 = arith.truncf %slice3A_149 : vector<102x64xf32> to vector<102x64xbf16>
    %slice3A_151 = vector.extract_strided_slice %get3A_148 {offsets = [0, 64], sizes = [102, 64], strides = [1, 1]} : vector<104x128xf32> to vector<102x64xf32>
    %convert_element_type3A_152 = arith.truncf %slice3A_151 : vector<102x64xf32> to vector<102x64xbf16>
    %slice3A_153 = vector.extract_strided_slice %get3A_1 {offsets = [3, 0], sizes = [1, 64], strides = [1, 1]} : vector<16x64xf32> to vector<1x64xf32>
    %squeeze3A_154 = vector.shape_cast %slice3A_153 : vector<1x64xf32> to vector<64xf32>
    %broadcast_in_dim3A_155 = vector.shape_cast %squeeze3A_154 : vector<64xf32> to vector<1x64xf32>
    %mul3A_156 = vector.broadcast %broadcast_in_dim3A_155 : vector<1x64xf32> to vector<102x64xf32>
    %mul3A_157 = arith.mulf %slice3A_142, %mul3A_156 : vector<102x64xf32>
    %convert_element_type3A_158 = arith.truncf %mul3A_157 : vector<102x64xf32> to vector<102x64xbf16>
    %dot_general3A_159 = arith.constant dense<0.000000e+00> : vector<102x102xf32>
    %dot_general3A_160 = tpu.matmul %convert_element_type3A_158, %convert_element_type3A_150, %dot_general3A_159 {dimension_numbers = #tpu.dot_dimension_numbers<[1], [1], [0], [0], [0, 0, 1, 0], [], []>, transpose_lhs_hint = false} : vector<102x64xbf16>, vector<102x64xbf16>, vector<102x102xf32> -> vector<102x102xf32>
    %mul3A_161 = arith.constant 1.250000e-01 : f32
    %mul3A_162 = vector.broadcast %mul3A_161 : f32 to vector<102x102xf32>
    %mul3A_163 = arith.mulf %dot_general3A_160, %mul3A_162 : vector<102x102xf32>
    %reduce_max3A_164 = arith.constant dense<0xFF800000> : vector<102xf32>
    %reduce_max3A_165 = vector.multi_reduction <maximumf>, %mul3A_163, %reduce_max3A_164 [1] : vector<102x102xf32> to vector<102xf32>
    %broadcast_in_dim3A_166 = vector.shape_cast %reduce_max3A_165 : vector<102xf32> to vector<102x1xf32>
    %sub3A_167 = vector.broadcast %broadcast_in_dim3A_166 : vector<102x1xf32> to vector<102x102xf32>
    %sub3A_168 = arith.subf %mul3A_163, %sub3A_167 : vector<102x102xf32>
    %exp3A_169 = math.exp %sub3A_168 : vector<102x102xf32>
    %reduce_sum3A_170 = arith.constant dense<0.000000e+00> : vector<102xf32>
    %reduce_sum3A_171 = vector.multi_reduction <add>, %exp3A_169, %reduce_sum3A_170 [1] : vector<102x102xf32> to vector<102xf32>
    %broadcast_in_dim3A_172 = vector.shape_cast %reduce_sum3A_171 : vector<102xf32> to vector<102x1xf32>
    %div3A_173 = vector.broadcast %broadcast_in_dim3A_172 : vector<102x1xf32> to vector<102x102xf32>
    %div3A_174 = arith.divf %exp3A_169, %div3A_173 : vector<102x102xf32>
    %convert_element_type3A_175 = arith.truncf %div3A_174 : vector<102x102xf32> to vector<102x102xbf16>
    %dot_general3A_176 = arith.constant dense<0.000000e+00> : vector<102x64xf32>
    %dot_general3A_177 = tpu.matmul %convert_element_type3A_175, %convert_element_type3A_152, %dot_general3A_176 {dimension_numbers = #tpu.dot_dimension_numbers<[1], [0], [0], [1], [0, 0, 1, 1], [], []>, transpose_lhs_hint = false} : vector<102x102xbf16>, vector<102x64xbf16>, vector<102x64xf32> -> vector<102x64xf32>
    %mul3A_178 = arith.mulf %slice3A_143, %dot_general3A_177 : vector<102x64xf32>
    %reduce_sum3A_179 = arith.constant dense<0.000000e+00> : vector<64xf32>
    %reduce_sum3A_180 = vector.multi_reduction <add>, %mul3A_178, %reduce_sum3A_179 [0] : vector<102x64xf32> to vector<64xf32>
    %swap3A_181 = arith.constant 3 : index
    %swap3A_182 = arith.constant 0 : index
    %swap3A_183 = vector.load %arg4[%swap3A_181, %swap3A_182] : memref<16x64xf32, #tpu.memory_space<vmem>>, vector<1x64xf32>
    %swap3A_184 = vector.shape_cast %swap3A_183 : vector<1x64xf32> to vector<64xf32>
    %swap3A_185 = vector.shape_cast %reduce_sum3A_180 : vector<64xf32> to vector<1x64xf32>
    tpu.vector_store %arg4[%swap3A_181, %swap3A_182], %swap3A_185 {strides = array<i32>} : memref<16x64xf32, #tpu.memory_space<vmem>>, vector<1x64xf32>,
    %get3A_186 = arith.constant 4 : index
    %get3A_187 = arith.constant 0 : index
    %get3A_188 = arith.constant 0 : index
    %get3A_189 = vector.load %arg2[%get3A_186, %get3A_187, %get3A_188] : memref<16x104x128xf32, #tpu.memory_space<vmem>>, vector<1x104x128xf32>
    %get3A_190 = vector.shape_cast %get3A_189 : vector<1x104x128xf32> to vector<104x128xf32>
    %slice3A_191 = vector.extract_strided_slice %get3A_190 {offsets = [0, 0], sizes = [102, 64], strides = [1, 1]} : vector<104x128xf32> to vector<102x64xf32>
    %slice3A_192 = vector.extract_strided_slice %get3A_190 {offsets = [0, 64], sizes = [102, 64], strides = [1, 1]} : vector<104x128xf32> to vector<102x64xf32>
    %get3A_193 = arith.constant 4 : index
    %get3A_194 = arith.constant 0 : index
    %get3A_195 = arith.constant 0 : index
    %get3A_196 = vector.load %arg3[%get3A_193, %get3A_194, %get3A_195] : memref<16x104x128xf32, #tpu.memory_space<vmem>>, vector<1x104x128xf32>
    %get3A_197 = vector.shape_cast %get3A_196 : vector<1x104x128xf32> to vector<104x128xf32>
    %slice3A_198 = vector.extract_strided_slice %get3A_197 {offsets = [0, 0], sizes = [102, 64], strides = [1, 1]} : vector<104x128xf32> to vector<102x64xf32>
    %convert_element_type3A_199 = arith.truncf %slice3A_198 : vector<102x64xf32> to vector<102x64xbf16>
    %slice3A_200 = vector.extract_strided_slice %get3A_197 {offsets = [0, 64], sizes = [102, 64], strides = [1, 1]} : vector<104x128xf32> to vector<102x64xf32>
    %convert_element_type3A_201 = arith.truncf %slice3A_200 : vector<102x64xf32> to vector<102x64xbf16>
    %slice3A_202 = vector.extract_strided_slice %get3A_1 {offsets = [4, 0], sizes = [1, 64], strides = [1, 1]} : vector<16x64xf32> to vector<1x64xf32>
    %squeeze3A_203 = vector.shape_cast %slice3A_202 : vector<1x64xf32> to vector<64xf32>
    %broadcast_in_dim3A_204 = vector.shape_cast %squeeze3A_203 : vector<64xf32> to vector<1x64xf32>
    %mul3A_205 = vector.broadcast %broadcast_in_dim3A_204 : vector<1x64xf32> to vector<102x64xf32>
    %mul3A_206 = arith.mulf %slice3A_191, %mul3A_205 : vector<102x64xf32>
    %convert_element_type3A_207 = arith.truncf %mul3A_206 : vector<102x64xf32> to vector<102x64xbf16>
    %dot_general3A_208 = arith.constant dense<0.000000e+00> : vector<102x102xf32>
    %dot_general3A_209 = tpu.matmul %convert_element_type3A_207, %convert_element_type3A_199, %dot_general3A_208 {dimension_numbers = #tpu.dot_dimension_numbers<[1], [1], [0], [0], [0, 0, 1, 0], [], []>, transpose_lhs_hint = false} : vector<102x64xbf16>, vector<102x64xbf16>, vector<102x102xf32> -> vector<102x102xf32>
    %mul3A_210 = arith.constant 1.250000e-01 : f32
    %mul3A_211 = vector.broadcast %mul3A_210 : f32 to vector<102x102xf32>
    %mul3A_212 = arith.mulf %dot_general3A_209, %mul3A_211 : vector<102x102xf32>
    %reduce_max3A_213 = arith.constant dense<0xFF800000> : vector<102xf32>
    %reduce_max3A_214 = vector.multi_reduction <maximumf>, %mul3A_212, %reduce_max3A_213 [1] : vector<102x102xf32> to vector<102xf32>
    %broadcast_in_dim3A_215 = vector.shape_cast %reduce_max3A_214 : vector<102xf32> to vector<102x1xf32>
    %sub3A_216 = vector.broadcast %broadcast_in_dim3A_215 : vector<102x1xf32> to vector<102x102xf32>
    %sub3A_217 = arith.subf %mul3A_212, %sub3A_216 : vector<102x102xf32>
    %exp3A_218 = math.exp %sub3A_217 : vector<102x102xf32>
    %reduce_sum3A_219 = arith.constant dense<0.000000e+00> : vector<102xf32>
    %reduce_sum3A_220 = vector.multi_reduction <add>, %exp3A_218, %reduce_sum3A_219 [1] : vector<102x102xf32> to vector<102xf32>
    %broadcast_in_dim3A_221 = vector.shape_cast %reduce_sum3A_220 : vector<102xf32> to vector<102x1xf32>
    %div3A_222 = vector.broadcast %broadcast_in_dim3A_221 : vector<102x1xf32> to vector<102x102xf32>
    %div3A_223 = arith.divf %exp3A_218, %div3A_222 : vector<102x102xf32>
    %convert_element_type3A_224 = arith.truncf %div3A_223 : vector<102x102xf32> to vector<102x102xbf16>
    %dot_general3A_225 = arith.constant dense<0.000000e+00> : vector<102x64xf32>
    %dot_general3A_226 = tpu.matmul %convert_element_type3A_224, %convert_element_type3A_201, %dot_general3A_225 {dimension_numbers = #tpu.dot_dimension_numbers<[1], [0], [0], [1], [0, 0, 1, 1], [], []>, transpose_lhs_hint = false} : vector<102x102xbf16>, vector<102x64xbf16>, vector<102x64xf32> -> vector<102x64xf32>
    %mul3A_227 = arith.mulf %slice3A_192, %dot_general3A_226 : vector<102x64xf32>
    %reduce_sum3A_228 = arith.constant dense<0.000000e+00> : vector<64xf32>
    %reduce_sum3A_229 = vector.multi_reduction <add>, %mul3A_227, %reduce_sum3A_228 [0] : vector<102x64xf32> to vector<64xf32>
    %swap3A_230 = arith.constant 4 : index
    %swap3A_231 = arith.constant 0 : index
    %swap3A_232 = vector.load %arg4[%swap3A_230, %swap3A_231] : memref<16x64xf32, #tpu.memory_space<vmem>>, vector<1x64xf32>
    %swap3A_233 = vector.shape_cast %swap3A_232 : vector<1x64xf32> to vector<64xf32>
    %swap3A_234 = vector.shape_cast %reduce_sum3A_229 : vector<64xf32> to vector<1x64xf32>
    tpu.vector_store %arg4[%swap3A_230, %swap3A_231], %swap3A_234 {strides = array<i32>} : memref<16x64xf32, #tpu.memory_space<vmem>>, vector<1x64xf32>,
    %get3A_235 = arith.constant 5 : index
    %get3A_236 = arith.constant 0 : index
    %get3A_237 = arith.constant 0 : index
    %get3A_238 = vector.load %arg2[%get3A_235, %get3A_236, %get3A_237] : memref<16x104x128xf32, #tpu.memory_space<vmem>>, vector<1x104x128xf32>
    %get3A_239 = vector.shape_cast %get3A_238 : vector<1x104x128xf32> to vector<104x128xf32>
    %slice3A_240 = vector.extract_strided_slice %get3A_239 {offsets = [0, 0], sizes = [102, 64], strides = [1, 1]} : vector<104x128xf32> to vector<102x64xf32>
    %slice3A_241 = vector.extract_strided_slice %get3A_239 {offsets = [0, 64], sizes = [102, 64], strides = [1, 1]} : vector<104x128xf32> to vector<102x64xf32>
    %get3A_242 = arith.constant 5 : index
    %get3A_243 = arith.constant 0 : index
    %get3A_244 = arith.constant 0 : index
    %get3A_245 = vector.load %arg3[%get3A_242, %get3A_243, %get3A_244] : memref<16x104x128xf32, #tpu.memory_space<vmem>>, vector<1x104x128xf32>
    %get3A_246 = vector.shape_cast %get3A_245 : vector<1x104x128xf32> to vector<104x128xf32>
    %slice3A_247 = vector.extract_strided_slice %get3A_246 {offsets = [0, 0], sizes = [102, 64], strides = [1, 1]} : vector<104x128xf32> to vector<102x64xf32>
    %convert_element_type3A_248 = arith.truncf %slice3A_247 : vector<102x64xf32> to vector<102x64xbf16>
    %slice3A_249 = vector.extract_strided_slice %get3A_246 {offsets = [0, 64], sizes = [102, 64], strides = [1, 1]} : vector<104x128xf32> to vector<102x64xf32>
    %convert_element_type3A_250 = arith.truncf %slice3A_249 : vector<102x64xf32> to vector<102x64xbf16>
    %slice3A_251 = vector.extract_strided_slice %get3A_1 {offsets = [5, 0], sizes = [1, 64], strides = [1, 1]} : vector<16x64xf32> to vector<1x64xf32>
    %squeeze3A_252 = vector.shape_cast %slice3A_251 : vector<1x64xf32> to vector<64xf32>
    %broadcast_in_dim3A_253 = vector.shape_cast %squeeze3A_252 : vector<64xf32> to vector<1x64xf32>
    %mul3A_254 = vector.broadcast %broadcast_in_dim3A_253 : vector<1x64xf32> to vector<102x64xf32>
    %mul3A_255 = arith.mulf %slice3A_240, %mul3A_254 : vector<102x64xf32>
    %convert_element_type3A_256 = arith.truncf %mul3A_255 : vector<102x64xf32> to vector<102x64xbf16>
    %dot_general3A_257 = arith.constant dense<0.000000e+00> : vector<102x102xf32>
    %dot_general3A_258 = tpu.matmul %convert_element_type3A_256, %convert_element_type3A_248, %dot_general3A_257 {dimension_numbers = #tpu.dot_dimension_numbers<[1], [1], [0], [0], [0, 0, 1, 0], [], []>, transpose_lhs_hint = false} : vector<102x64xbf16>, vector<102x64xbf16>, vector<102x102xf32> -> vector<102x102xf32>
    %mul3A_259 = arith.constant 1.250000e-01 : f32
    %mul3A_260 = vector.broadcast %mul3A_259 : f32 to vector<102x102xf32>
    %mul3A_261 = arith.mulf %dot_general3A_258, %mul3A_260 : vector<102x102xf32>
    %reduce_max3A_262 = arith.constant dense<0xFF800000> : vector<102xf32>
    %reduce_max3A_263 = vector.multi_reduction <maximumf>, %mul3A_261, %reduce_max3A_262 [1] : vector<102x102xf32> to vector<102xf32>
    %broadcast_in_dim3A_264 = vector.shape_cast %reduce_max3A_263 : vector<102xf32> to vector<102x1xf32>
    %sub3A_265 = vector.broadcast %broadcast_in_dim3A_264 : vector<102x1xf32> to vector<102x102xf32>
    %sub3A_266 = arith.subf %mul3A_261, %sub3A_265 : vector<102x102xf32>
    %exp3A_267 = math.exp %sub3A_266 : vector<102x102xf32>
    %reduce_sum3A_268 = arith.constant dense<0.000000e+00> : vector<102xf32>
    %reduce_sum3A_269 = vector.multi_reduction <add>, %exp3A_267, %reduce_sum3A_268 [1] : vector<102x102xf32> to vector<102xf32>
    %broadcast_in_dim3A_270 = vector.shape_cast %reduce_sum3A_269 : vector<102xf32> to vector<102x1xf32>
    %div3A_271 = vector.broadcast %broadcast_in_dim3A_270 : vector<102x1xf32> to vector<102x102xf32>
    %div3A_272 = arith.divf %exp3A_267, %div3A_271 : vector<102x102xf32>
    %convert_element_type3A_273 = arith.truncf %div3A_272 : vector<102x102xf32> to vector<102x102xbf16>
    %dot_general3A_274 = arith.constant dense<0.000000e+00> : vector<102x64xf32>
    %dot_general3A_275 = tpu.matmul %convert_element_type3A_273, %convert_element_type3A_250, %dot_general3A_274 {dimension_numbers = #tpu.dot_dimension_numbers<[1], [0], [0], [1], [0, 0, 1, 1], [], []>, transpose_lhs_hint = false} : vector<102x102xbf16>, vector<102x64xbf16>, vector<102x64xf32> -> vector<102x64xf32>
    %mul3A_276 = arith.mulf %slice3A_241, %dot_general3A_275 : vector<102x64xf32>
    %reduce_sum3A_277 = arith.constant dense<0.000000e+00> : vector<64xf32>
    %reduce_sum3A_278 = vector.multi_reduction <add>, %mul3A_276, %reduce_sum3A_277 [0] : vector<102x64xf32> to vector<64xf32>
    %swap3A_279 = arith.constant 5 : index
    %swap3A_280 = arith.constant 0 : index
    %swap3A_281 = vector.load %arg4[%swap3A_279, %swap3A_280] : memref<16x64xf32, #tpu.memory_space<vmem>>, vector<1x64xf32>
    %swap3A_282 = vector.shape_cast %swap3A_281 : vector<1x64xf32> to vector<64xf32>
    %swap3A_283 = vector.shape_cast %reduce_sum3A_278 : vector<64xf32> to vector<1x64xf32>
    tpu.vector_store %arg4[%swap3A_279, %swap3A_280], %swap3A_283 {strides = array<i32>} : memref<16x64xf32, #tpu.memory_space<vmem>>, vector<1x64xf32>,
    %get3A_284 = arith.constant 6 : index
    %get3A_285 = arith.constant 0 : index
    %get3A_286 = arith.constant 0 : index
    %get3A_287 = vector.load %arg2[%get3A_284, %get3A_285, %get3A_286] : memref<16x104x128xf32, #tpu.memory_space<vmem>>, vector<1x104x128xf32>
    %get3A_288 = vector.shape_cast %get3A_287 : vector<1x104x128xf32> to vector<104x128xf32>
    %slice3A_289 = vector.extract_strided_slice %get3A_288 {offsets = [0, 0], sizes = [102, 64], strides = [1, 1]} : vector<104x128xf32> to vector<102x64xf32>
    %slice3A_290 = vector.extract_strided_slice %get3A_288 {offsets = [0, 64], sizes = [102, 64], strides = [1, 1]} : vector<104x128xf32> to vector<102x64xf32>
    %get3A_291 = arith.constant 6 : index
    %get3A_292 = arith.constant 0 : index
    %get3A_293 = arith.constant 0 : index
    %get3A_294 = vector.load %arg3[%get3A_291, %get3A_292, %get3A_293] : memref<16x104x128xf32, #tpu.memory_space<vmem>>, vector<1x104x128xf32>
    %get3A_295 = vector.shape_cast %get3A_294 : vector<1x104x128xf32> to vector<104x128xf32>
    %slice3A_296 = vector.extract_strided_slice %get3A_295 {offsets = [0, 0], sizes = [102, 64], strides = [1, 1]} : vector<104x128xf32> to vector<102x64xf32>
    %convert_element_type3A_297 = arith.truncf %slice3A_296 : vector<102x64xf32> to vector<102x64xbf16>
    %slice3A_298 = vector.extract_strided_slice %get3A_295 {offsets = [0, 64], sizes = [102, 64], strides = [1, 1]} : vector<104x128xf32> to vector<102x64xf32>
    %convert_element_type3A_299 = arith.truncf %slice3A_298 : vector<102x64xf32> to vector<102x64xbf16>
    %slice3A_300 = vector.extract_strided_slice %get3A_1 {offsets = [6, 0], sizes = [1, 64], strides = [1, 1]} : vector<16x64xf32> to vector<1x64xf32>
    %squeeze3A_301 = vector.shape_cast %slice3A_300 : vector<1x64xf32> to vector<64xf32>
    %broadcast_in_dim3A_302 = vector.shape_cast %squeeze3A_301 : vector<64xf32> to vector<1x64xf32>
    %mul3A_303 = vector.broadcast %broadcast_in_dim3A_302 : vector<1x64xf32> to vector<102x64xf32>
    %mul3A_304 = arith.mulf %slice3A_289, %mul3A_303 : vector<102x64xf32>
    %convert_element_type3A_305 = arith.truncf %mul3A_304 : vector<102x64xf32> to vector<102x64xbf16>
    %dot_general3A_306 = arith.constant dense<0.000000e+00> : vector<102x102xf32>
    %dot_general3A_307 = tpu.matmul %convert_element_type3A_305, %convert_element_type3A_297, %dot_general3A_306 {dimension_numbers = #tpu.dot_dimension_numbers<[1], [1], [0], [0], [0, 0, 1, 0], [], []>, transpose_lhs_hint = false} : vector<102x64xbf16>, vector<102x64xbf16>, vector<102x102xf32> -> vector<102x102xf32>
    %mul3A_308 = arith.constant 1.250000e-01 : f32
    %mul3A_309 = vector.broadcast %mul3A_308 : f32 to vector<102x102xf32>
    %mul3A_310 = arith.mulf %dot_general3A_307, %mul3A_309 : vector<102x102xf32>
    %reduce_max3A_311 = arith.constant dense<0xFF800000> : vector<102xf32>
    %reduce_max3A_312 = vector.multi_reduction <maximumf>, %mul3A_310, %reduce_max3A_311 [1] : vector<102x102xf32> to vector<102xf32>
    %broadcast_in_dim3A_313 = vector.shape_cast %reduce_max3A_312 : vector<102xf32> to vector<102x1xf32>
    %sub3A_314 = vector.broadcast %broadcast_in_dim3A_313 : vector<102x1xf32> to vector<102x102xf32>
    %sub3A_315 = arith.subf %mul3A_310, %sub3A_314 : vector<102x102xf32>
    %exp3A_316 = math.exp %sub3A_315 : vector<102x102xf32>
    %reduce_sum3A_317 = arith.constant dense<0.000000e+00> : vector<102xf32>
    %reduce_sum3A_318 = vector.multi_reduction <add>, %exp3A_316, %reduce_sum3A_317 [1] : vector<102x102xf32> to vector<102xf32>
    %broadcast_in_dim3A_319 = vector.shape_cast %reduce_sum3A_318 : vector<102xf32> to vector<102x1xf32>
    %div3A_320 = vector.broadcast %broadcast_in_dim3A_319 : vector<102x1xf32> to vector<102x102xf32>
    %div3A_321 = arith.divf %exp3A_316, %div3A_320 : vector<102x102xf32>
    %convert_element_type3A_322 = arith.truncf %div3A_321 : vector<102x102xf32> to vector<102x102xbf16>
    %dot_general3A_323 = arith.constant dense<0.000000e+00> : vector<102x64xf32>
    %dot_general3A_324 = tpu.matmul %convert_element_type3A_322, %convert_element_type3A_299, %dot_general3A_323 {dimension_numbers = #tpu.dot_dimension_numbers<[1], [0], [0], [1], [0, 0, 1, 1], [], []>, transpose_lhs_hint = false} : vector<102x102xbf16>, vector<102x64xbf16>, vector<102x64xf32> -> vector<102x64xf32>
    %mul3A_325 = arith.mulf %slice3A_290, %dot_general3A_324 : vector<102x64xf32>
    %reduce_sum3A_326 = arith.constant dense<0.000000e+00> : vector<64xf32>
    %reduce_sum3A_327 = vector.multi_reduction <add>, %mul3A_325, %reduce_sum3A_326 [0] : vector<102x64xf32> to vector<64xf32>
    %swap3A_328 = arith.constant 6 : index
    %swap3A_329 = arith.constant 0 : index
    %swap3A_330 = vector.load %arg4[%swap3A_328, %swap3A_329] : memref<16x64xf32, #tpu.memory_space<vmem>>, vector<1x64xf32>
    %swap3A_331 = vector.shape_cast %swap3A_330 : vector<1x64xf32> to vector<64xf32>
    %swap3A_332 = vector.shape_cast %reduce_sum3A_327 : vector<64xf32> to vector<1x64xf32>
    tpu.vector_store %arg4[%swap3A_328, %swap3A_329], %swap3A_332 {strides = array<i32>} : memref<16x64xf32, #tpu.memory_space<vmem>>, vector<1x64xf32>,
    %get3A_333 = arith.constant 7 : index
    %get3A_334 = arith.constant 0 : index
    %get3A_335 = arith.constant 0 : index
    %get3A_336 = vector.load %arg2[%get3A_333, %get3A_334, %get3A_335] : memref<16x104x128xf32, #tpu.memory_space<vmem>>, vector<1x104x128xf32>
    %get3A_337 = vector.shape_cast %get3A_336 : vector<1x104x128xf32> to vector<104x128xf32>
    %slice3A_338 = vector.extract_strided_slice %get3A_337 {offsets = [0, 0], sizes = [102, 64], strides = [1, 1]} : vector<104x128xf32> to vector<102x64xf32>
    %slice3A_339 = vector.extract_strided_slice %get3A_337 {offsets = [0, 64], sizes = [102, 64], strides = [1, 1]} : vector<104x128xf32> to vector<102x64xf32>
    %get3A_340 = arith.constant 7 : index
    %get3A_341 = arith.constant 0 : index
    %get3A_342 = arith.constant 0 : index
    %get3A_343 = vector.load %arg3[%get3A_340, %get3A_341, %get3A_342] : memref<16x104x128xf32, #tpu.memory_space<vmem>>, vector<1x104x128xf32>
    %get3A_344 = vector.shape_cast %get3A_343 : vector<1x104x128xf32> to vector<104x128xf32>
    %slice3A_345 = vector.extract_strided_slice %get3A_344 {offsets = [0, 0], sizes = [102, 64], strides = [1, 1]} : vector<104x128xf32> to vector<102x64xf32>
    %convert_element_type3A_346 = arith.truncf %slice3A_345 : vector<102x64xf32> to vector<102x64xbf16>
    %slice3A_347 = vector.extract_strided_slice %get3A_344 {offsets = [0, 64], sizes = [102, 64], strides = [1, 1]} : vector<104x128xf32> to vector<102x64xf32>
    %convert_element_type3A_348 = arith.truncf %slice3A_347 : vector<102x64xf32> to vector<102x64xbf16>
    %slice3A_349 = vector.extract_strided_slice %get3A_1 {offsets = [7, 0], sizes = [1, 64], strides = [1, 1]} : vector<16x64xf32> to vector<1x64xf32>
    %squeeze3A_350 = vector.shape_cast %slice3A_349 : vector<1x64xf32> to vector<64xf32>
    %broadcast_in_dim3A_351 = vector.shape_cast %squeeze3A_350 : vector<64xf32> to vector<1x64xf32>
    %mul3A_352 = vector.broadcast %broadcast_in_dim3A_351 : vector<1x64xf32> to vector<102x64xf32>
    %mul3A_353 = arith.mulf %slice3A_338, %mul3A_352 : vector<102x64xf32>
    %convert_element_type3A_354 = arith.truncf %mul3A_353 : vector<102x64xf32> to vector<102x64xbf16>
    %dot_general3A_355 = arith.constant dense<0.000000e+00> : vector<102x102xf32>
    %dot_general3A_356 = tpu.matmul %convert_element_type3A_354, %convert_element_type3A_346, %dot_general3A_355 {dimension_numbers = #tpu.dot_dimension_numbers<[1], [1], [0], [0], [0, 0, 1, 0], [], []>, transpose_lhs_hint = false} : vector<102x64xbf16>, vector<102x64xbf16>, vector<102x102xf32> -> vector<102x102xf32>
    %mul3A_357 = arith.constant 1.250000e-01 : f32
    %mul3A_358 = vector.broadcast %mul3A_357 : f32 to vector<102x102xf32>
    %mul3A_359 = arith.mulf %dot_general3A_356, %mul3A_358 : vector<102x102xf32>
    %reduce_max3A_360 = arith.constant dense<0xFF800000> : vector<102xf32>
    %reduce_max3A_361 = vector.multi_reduction <maximumf>, %mul3A_359, %reduce_max3A_360 [1] : vector<102x102xf32> to vector<102xf32>
    %broadcast_in_dim3A_362 = vector.shape_cast %reduce_max3A_361 : vector<102xf32> to vector<102x1xf32>
    %sub3A_363 = vector.broadcast %broadcast_in_dim3A_362 : vector<102x1xf32> to vector<102x102xf32>
    %sub3A_364 = arith.subf %mul3A_359, %sub3A_363 : vector<102x102xf32>
    %exp3A_365 = math.exp %sub3A_364 : vector<102x102xf32>
    %reduce_sum3A_366 = arith.constant dense<0.000000e+00> : vector<102xf32>
    %reduce_sum3A_367 = vector.multi_reduction <add>, %exp3A_365, %reduce_sum3A_366 [1] : vector<102x102xf32> to vector<102xf32>
    %broadcast_in_dim3A_368 = vector.shape_cast %reduce_sum3A_367 : vector<102xf32> to vector<102x1xf32>
    %div3A_369 = vector.broadcast %broadcast_in_dim3A_368 : vector<102x1xf32> to vector<102x102xf32>
    %div3A_370 = arith.divf %exp3A_365, %div3A_369 : vector<102x102xf32>
    %convert_element_type3A_371 = arith.truncf %div3A_370 : vector<102x102xf32> to vector<102x102xbf16>
    %dot_general3A_372 = arith.constant dense<0.000000e+00> : vector<102x64xf32>
    %dot_general3A_373 = tpu.matmul %convert_element_type3A_371, %convert_element_type3A_348, %dot_general3A_372 {dimension_numbers = #tpu.dot_dimension_numbers<[1], [0], [0], [1], [0, 0, 1, 1], [], []>, transpose_lhs_hint = false} : vector<102x102xbf16>, vector<102x64xbf16>, vector<102x64xf32> -> vector<102x64xf32>
    %mul3A_374 = arith.mulf %slice3A_339, %dot_general3A_373 : vector<102x64xf32>
    %reduce_sum3A_375 = arith.constant dense<0.000000e+00> : vector<64xf32>
    %reduce_sum3A_376 = vector.multi_reduction <add>, %mul3A_374, %reduce_sum3A_375 [0] : vector<102x64xf32> to vector<64xf32>
    %swap3A_377 = arith.constant 7 : index
    %swap3A_378 = arith.constant 0 : index
    %swap3A_379 = vector.load %arg4[%swap3A_377, %swap3A_378] : memref<16x64xf32, #tpu.memory_space<vmem>>, vector<1x64xf32>
    %swap3A_380 = vector.shape_cast %swap3A_379 : vector<1x64xf32> to vector<64xf32>
    %swap3A_381 = vector.shape_cast %reduce_sum3A_376 : vector<64xf32> to vector<1x64xf32>
    tpu.vector_store %arg4[%swap3A_377, %swap3A_378], %swap3A_381 {strides = array<i32>} : memref<16x64xf32, #tpu.memory_space<vmem>>, vector<1x64xf32>,
    %get3A_382 = arith.constant 8 : index
    %get3A_383 = arith.constant 0 : index
    %get3A_384 = arith.constant 0 : index
    %get3A_385 = vector.load %arg2[%get3A_382, %get3A_383, %get3A_384] : memref<16x104x128xf32, #tpu.memory_space<vmem>>, vector<1x104x128xf32>
    %get3A_386 = vector.shape_cast %get3A_385 : vector<1x104x128xf32> to vector<104x128xf32>
    %slice3A_387 = vector.extract_strided_slice %get3A_386 {offsets = [0, 0], sizes = [102, 64], strides = [1, 1]} : vector<104x128xf32> to vector<102x64xf32>
    %slice3A_388 = vector.extract_strided_slice %get3A_386 {offsets = [0, 64], sizes = [102, 64], strides = [1, 1]} : vector<104x128xf32> to vector<102x64xf32>
    %get3A_389 = arith.constant 8 : index
    %get3A_390 = arith.constant 0 : index
    %get3A_391 = arith.constant 0 : index
    %get3A_392 = vector.load %arg3[%get3A_389, %get3A_390, %get3A_391] : memref<16x104x128xf32, #tpu.memory_space<vmem>>, vector<1x104x128xf32>
    %get3A_393 = vector.shape_cast %get3A_392 : vector<1x104x128xf32> to vector<104x128xf32>
    %slice3A_394 = vector.extract_strided_slice %get3A_393 {offsets = [0, 0], sizes = [102, 64], strides = [1, 1]} : vector<104x128xf32> to vector<102x64xf32>
    %convert_element_type3A_395 = arith.truncf %slice3A_394 : vector<102x64xf32> to vector<102x64xbf16>
    %slice3A_396 = vector.extract_strided_slice %get3A_393 {offsets = [0, 64], sizes = [102, 64], strides = [1, 1]} : vector<104x128xf32> to vector<102x64xf32>
    %convert_element_type3A_397 = arith.truncf %slice3A_396 : vector<102x64xf32> to vector<102x64xbf16>
    %slice3A_398 = vector.extract_strided_slice %get3A_1 {offsets = [8, 0], sizes = [1, 64], strides = [1, 1]} : vector<16x64xf32> to vector<1x64xf32>
    %squeeze3A_399 = vector.shape_cast %slice3A_398 : vector<1x64xf32> to vector<64xf32>
    %broadcast_in_dim3A_400 = vector.shape_cast %squeeze3A_399 : vector<64xf32> to vector<1x64xf32>
    %mul3A_401 = vector.broadcast %broadcast_in_dim3A_400 : vector<1x64xf32> to vector<102x64xf32>
    %mul3A_402 = arith.mulf %slice3A_387, %mul3A_401 : vector<102x64xf32>
    %convert_element_type3A_403 = arith.truncf %mul3A_402 : vector<102x64xf32> to vector<102x64xbf16>
    %dot_general3A_404 = arith.constant dense<0.000000e+00> : vector<102x102xf32>
    %dot_general3A_405 = tpu.matmul %convert_element_type3A_403, %convert_element_type3A_395, %dot_general3A_404 {dimension_numbers = #tpu.dot_dimension_numbers<[1], [1], [0], [0], [0, 0, 1, 0], [], []>, transpose_lhs_hint = false} : vector<102x64xbf16>, vector<102x64xbf16>, vector<102x102xf32> -> vector<102x102xf32>
    %mul3A_406 = arith.constant 1.250000e-01 : f32
    %mul3A_407 = vector.broadcast %mul3A_406 : f32 to vector<102x102xf32>
    %mul3A_408 = arith.mulf %dot_general3A_405, %mul3A_407 : vector<102x102xf32>
    %reduce_max3A_409 = arith.constant dense<0xFF800000> : vector<102xf32>
    %reduce_max3A_410 = vector.multi_reduction <maximumf>, %mul3A_408, %reduce_max3A_409 [1] : vector<102x102xf32> to vector<102xf32>
    %broadcast_in_dim3A_411 = vector.shape_cast %reduce_max3A_410 : vector<102xf32> to vector<102x1xf32>
    %sub3A_412 = vector.broadcast %broadcast_in_dim3A_411 : vector<102x1xf32> to vector<102x102xf32>
    %sub3A_413 = arith.subf %mul3A_408, %sub3A_412 : vector<102x102xf32>
    %exp3A_414 = math.exp %sub3A_413 : vector<102x102xf32>
    %reduce_sum3A_415 = arith.constant dense<0.000000e+00> : vector<102xf32>
    %reduce_sum3A_416 = vector.multi_reduction <add>, %exp3A_414, %reduce_sum3A_415 [1] : vector<102x102xf32> to vector<102xf32>
    %broadcast_in_dim3A_417 = vector.shape_cast %reduce_sum3A_416 : vector<102xf32> to vector<102x1xf32>
    %div3A_418 = vector.broadcast %broadcast_in_dim3A_417 : vector<102x1xf32> to vector<102x102xf32>
    %div3A_419 = arith.divf %exp3A_414, %div3A_418 : vector<102x102xf32>
    %convert_element_type3A_420 = arith.truncf %div3A_419 : vector<102x102xf32> to vector<102x102xbf16>
    %dot_general3A_421 = arith.constant dense<0.000000e+00> : vector<102x64xf32>
    %dot_general3A_422 = tpu.matmul %convert_element_type3A_420, %convert_element_type3A_397, %dot_general3A_421 {dimension_numbers = #tpu.dot_dimension_numbers<[1], [0], [0], [1], [0, 0, 1, 1], [], []>, transpose_lhs_hint = false} : vector<102x102xbf16>, vector<102x64xbf16>, vector<102x64xf32> -> vector<102x64xf32>
    %mul3A_423 = arith.mulf %slice3A_388, %dot_general3A_422 : vector<102x64xf32>
    %reduce_sum3A_424 = arith.constant dense<0.000000e+00> : vector<64xf32>
    %reduce_sum3A_425 = vector.multi_reduction <add>, %mul3A_423, %reduce_sum3A_424 [0] : vector<102x64xf32> to vector<64xf32>
    %swap3A_426 = arith.constant 8 : index
    %swap3A_427 = arith.constant 0 : index
    %swap3A_428 = vector.load %arg4[%swap3A_426, %swap3A_427] : memref<16x64xf32, #tpu.memory_space<vmem>>, vector<1x64xf32>
    %swap3A_429 = vector.shape_cast %swap3A_428 : vector<1x64xf32> to vector<64xf32>
    %swap3A_430 = vector.shape_cast %reduce_sum3A_425 : vector<64xf32> to vector<1x64xf32>
    tpu.vector_store %arg4[%swap3A_426, %swap3A_427], %swap3A_430 {strides = array<i32>} : memref<16x64xf32, #tpu.memory_space<vmem>>, vector<1x64xf32>,
    %get3A_431 = arith.constant 9 : index
    %get3A_432 = arith.constant 0 : index
    %get3A_433 = arith.constant 0 : index
    %get3A_434 = vector.load %arg2[%get3A_431, %get3A_432, %get3A_433] : memref<16x104x128xf32, #tpu.memory_space<vmem>>, vector<1x104x128xf32>
    %get3A_435 = vector.shape_cast %get3A_434 : vector<1x104x128xf32> to vector<104x128xf32>
    %slice3A_436 = vector.extract_strided_slice %get3A_435 {offsets = [0, 0], sizes = [102, 64], strides = [1, 1]} : vector<104x128xf32> to vector<102x64xf32>
    %slice3A_437 = vector.extract_strided_slice %get3A_435 {offsets = [0, 64], sizes = [102, 64], strides = [1, 1]} : vector<104x128xf32> to vector<102x64xf32>
    %get3A_438 = arith.constant 9 : index
    %get3A_439 = arith.constant 0 : index
    %get3A_440 = arith.constant 0 : index
    %get3A_441 = vector.load %arg3[%get3A_438, %get3A_439, %get3A_440] : memref<16x104x128xf32, #tpu.memory_space<vmem>>, vector<1x104x128xf32>
    %get3A_442 = vector.shape_cast %get3A_441 : vector<1x104x128xf32> to vector<104x128xf32>
    %slice3A_443 = vector.extract_strided_slice %get3A_442 {offsets = [0, 0], sizes = [102, 64], strides = [1, 1]} : vector<104x128xf32> to vector<102x64xf32>
    %convert_element_type3A_444 = arith.truncf %slice3A_443 : vector<102x64xf32> to vector<102x64xbf16>
    %slice3A_445 = vector.extract_strided_slice %get3A_442 {offsets = [0, 64], sizes = [102, 64], strides = [1, 1]} : vector<104x128xf32> to vector<102x64xf32>
    %convert_element_type3A_446 = arith.truncf %slice3A_445 : vector<102x64xf32> to vector<102x64xbf16>
    %slice3A_447 = vector.extract_strided_slice %get3A_1 {offsets = [9, 0], sizes = [1, 64], strides = [1, 1]} : vector<16x64xf32> to vector<1x64xf32>
    %squeeze3A_448 = vector.shape_cast %slice3A_447 : vector<1x64xf32> to vector<64xf32>
    %broadcast_in_dim3A_449 = vector.shape_cast %squeeze3A_448 : vector<64xf32> to vector<1x64xf32>
    %mul3A_450 = vector.broadcast %broadcast_in_dim3A_449 : vector<1x64xf32> to vector<102x64xf32>
    %mul3A_451 = arith.mulf %slice3A_436, %mul3A_450 : vector<102x64xf32>
    %convert_element_type3A_452 = arith.truncf %mul3A_451 : vector<102x64xf32> to vector<102x64xbf16>
    %dot_general3A_453 = arith.constant dense<0.000000e+00> : vector<102x102xf32>
    %dot_general3A_454 = tpu.matmul %convert_element_type3A_452, %convert_element_type3A_444, %dot_general3A_453 {dimension_numbers = #tpu.dot_dimension_numbers<[1], [1], [0], [0], [0, 0, 1, 0], [], []>, transpose_lhs_hint = false} : vector<102x64xbf16>, vector<102x64xbf16>, vector<102x102xf32> -> vector<102x102xf32>
    %mul3A_455 = arith.constant 1.250000e-01 : f32
    %mul3A_456 = vector.broadcast %mul3A_455 : f32 to vector<102x102xf32>
    %mul3A_457 = arith.mulf %dot_general3A_454, %mul3A_456 : vector<102x102xf32>
    %reduce_max3A_458 = arith.constant dense<0xFF800000> : vector<102xf32>
    %reduce_max3A_459 = vector.multi_reduction <maximumf>, %mul3A_457, %reduce_max3A_458 [1] : vector<102x102xf32> to vector<102xf32>
    %broadcast_in_dim3A_460 = vector.shape_cast %reduce_max3A_459 : vector<102xf32> to vector<102x1xf32>
    %sub3A_461 = vector.broadcast %broadcast_in_dim3A_460 : vector<102x1xf32> to vector<102x102xf32>
    %sub3A_462 = arith.subf %mul3A_457, %sub3A_461 : vector<102x102xf32>
    %exp3A_463 = math.exp %sub3A_462 : vector<102x102xf32>
    %reduce_sum3A_464 = arith.constant dense<0.000000e+00> : vector<102xf32>
    %reduce_sum3A_465 = vector.multi_reduction <add>, %exp3A_463, %reduce_sum3A_464 [1] : vector<102x102xf32> to vector<102xf32>
    %broadcast_in_dim3A_466 = vector.shape_cast %reduce_sum3A_465 : vector<102xf32> to vector<102x1xf32>
    %div3A_467 = vector.broadcast %broadcast_in_dim3A_466 : vector<102x1xf32> to vector<102x102xf32>
    %div3A_468 = arith.divf %exp3A_463, %div3A_467 : vector<102x102xf32>
    %convert_element_type3A_469 = arith.truncf %div3A_468 : vector<102x102xf32> to vector<102x102xbf16>
    %dot_general3A_470 = arith.constant dense<0.000000e+00> : vector<102x64xf32>
    %dot_general3A_471 = tpu.matmul %convert_element_type3A_469, %convert_element_type3A_446, %dot_general3A_470 {dimension_numbers = #tpu.dot_dimension_numbers<[1], [0], [0], [1], [0, 0, 1, 1], [], []>, transpose_lhs_hint = false} : vector<102x102xbf16>, vector<102x64xbf16>, vector<102x64xf32> -> vector<102x64xf32>
    %mul3A_472 = arith.mulf %slice3A_437, %dot_general3A_471 : vector<102x64xf32>
    %reduce_sum3A_473 = arith.constant dense<0.000000e+00> : vector<64xf32>
    %reduce_sum3A_474 = vector.multi_reduction <add>, %mul3A_472, %reduce_sum3A_473 [0] : vector<102x64xf32> to vector<64xf32>
    %swap3A_475 = arith.constant 9 : index
    %swap3A_476 = arith.constant 0 : index
    %swap3A_477 = vector.load %arg4[%swap3A_475, %swap3A_476] : memref<16x64xf32, #tpu.memory_space<vmem>>, vector<1x64xf32>
    %swap3A_478 = vector.shape_cast %swap3A_477 : vector<1x64xf32> to vector<64xf32>
    %swap3A_479 = vector.shape_cast %reduce_sum3A_474 : vector<64xf32> to vector<1x64xf32>
    tpu.vector_store %arg4[%swap3A_475, %swap3A_476], %swap3A_479 {strides = array<i32>} : memref<16x64xf32, #tpu.memory_space<vmem>>, vector<1x64xf32>,
    %get3A_480 = arith.constant 10 : index
    %get3A_481 = arith.constant 0 : index
    %get3A_482 = arith.constant 0 : index
    %get3A_483 = vector.load %arg2[%get3A_480, %get3A_481, %get3A_482] : memref<16x104x128xf32, #tpu.memory_space<vmem>>, vector<1x104x128xf32>
    %get3A_484 = vector.shape_cast %get3A_483 : vector<1x104x128xf32> to vector<104x128xf32>
    %slice3A_485 = vector.extract_strided_slice %get3A_484 {offsets = [0, 0], sizes = [102, 64], strides = [1, 1]} : vector<104x128xf32> to vector<102x64xf32>
    %slice3A_486 = vector.extract_strided_slice %get3A_484 {offsets = [0, 64], sizes = [102, 64], strides = [1, 1]} : vector<104x128xf32> to vector<102x64xf32>
    %get3A_487 = arith.constant 10 : index
    %get3A_488 = arith.constant 0 : index
    %get3A_489 = arith.constant 0 : index
    %get3A_490 = vector.load %arg3[%get3A_487, %get3A_488, %get3A_489] : memref<16x104x128xf32, #tpu.memory_space<vmem>>, vector<1x104x128xf32>
    %get3A_491 = vector.shape_cast %get3A_490 : vector<1x104x128xf32> to vector<104x128xf32>
    %slice3A_492 = vector.extract_strided_slice %get3A_491 {offsets = [0, 0], sizes = [102, 64], strides = [1, 1]} : vector<104x128xf32> to vector<102x64xf32>
    %convert_element_type3A_493 = arith.truncf %slice3A_492 : vector<102x64xf32> to vector<102x64xbf16>
    %slice3A_494 = vector.extract_strided_slice %get3A_491 {offsets = [0, 64], sizes = [102, 64], strides = [1, 1]} : vector<104x128xf32> to vector<102x64xf32>
    %convert_element_type3A_495 = arith.truncf %slice3A_494 : vector<102x64xf32> to vector<102x64xbf16>
    %slice3A_496 = vector.extract_strided_slice %get3A_1 {offsets = [10, 0], sizes = [1, 64], strides = [1, 1]} : vector<16x64xf32> to vector<1x64xf32>
    %squeeze3A_497 = vector.shape_cast %slice3A_496 : vector<1x64xf32> to vector<64xf32>
    %broadcast_in_dim3A_498 = vector.shape_cast %squeeze3A_497 : vector<64xf32> to vector<1x64xf32>
    %mul3A_499 = vector.broadcast %broadcast_in_dim3A_498 : vector<1x64xf32> to vector<102x64xf32>
    %mul3A_500 = arith.mulf %slice3A_485, %mul3A_499 : vector<102x64xf32>
    %convert_element_type3A_501 = arith.truncf %mul3A_500 : vector<102x64xf32> to vector<102x64xbf16>
    %dot_general3A_502 = arith.constant dense<0.000000e+00> : vector<102x102xf32>
    %dot_general3A_503 = tpu.matmul %convert_element_type3A_501, %convert_element_type3A_493, %dot_general3A_502 {dimension_numbers = #tpu.dot_dimension_numbers<[1], [1], [0], [0], [0, 0, 1, 0], [], []>, transpose_lhs_hint = false} : vector<102x64xbf16>, vector<102x64xbf16>, vector<102x102xf32> -> vector<102x102xf32>
    %mul3A_504 = arith.constant 1.250000e-01 : f32
    %mul3A_505 = vector.broadcast %mul3A_504 : f32 to vector<102x102xf32>
    %mul3A_506 = arith.mulf %dot_general3A_503, %mul3A_505 : vector<102x102xf32>
    %reduce_max3A_507 = arith.constant dense<0xFF800000> : vector<102xf32>
    %reduce_max3A_508 = vector.multi_reduction <maximumf>, %mul3A_506, %reduce_max3A_507 [1] : vector<102x102xf32> to vector<102xf32>
    %broadcast_in_dim3A_509 = vector.shape_cast %reduce_max3A_508 : vector<102xf32> to vector<102x1xf32>
    %sub3A_510 = vector.broadcast %broadcast_in_dim3A_509 : vector<102x1xf32> to vector<102x102xf32>
    %sub3A_511 = arith.subf %mul3A_506, %sub3A_510 : vector<102x102xf32>
    %exp3A_512 = math.exp %sub3A_511 : vector<102x102xf32>
    %reduce_sum3A_513 = arith.constant dense<0.000000e+00> : vector<102xf32>
    %reduce_sum3A_514 = vector.multi_reduction <add>, %exp3A_512, %reduce_sum3A_513 [1] : vector<102x102xf32> to vector<102xf32>
    %broadcast_in_dim3A_515 = vector.shape_cast %reduce_sum3A_514 : vector<102xf32> to vector<102x1xf32>
    %div3A_516 = vector.broadcast %broadcast_in_dim3A_515 : vector<102x1xf32> to vector<102x102xf32>
    %div3A_517 = arith.divf %exp3A_512, %div3A_516 : vector<102x102xf32>
    %convert_element_type3A_518 = arith.truncf %div3A_517 : vector<102x102xf32> to vector<102x102xbf16>
    %dot_general3A_519 = arith.constant dense<0.000000e+00> : vector<102x64xf32>
    %dot_general3A_520 = tpu.matmul %convert_element_type3A_518, %convert_element_type3A_495, %dot_general3A_519 {dimension_numbers = #tpu.dot_dimension_numbers<[1], [0], [0], [1], [0, 0, 1, 1], [], []>, transpose_lhs_hint = false} : vector<102x102xbf16>, vector<102x64xbf16>, vector<102x64xf32> -> vector<102x64xf32>
    %mul3A_521 = arith.mulf %slice3A_486, %dot_general3A_520 : vector<102x64xf32>
    %reduce_sum3A_522 = arith.constant dense<0.000000e+00> : vector<64xf32>
    %reduce_sum3A_523 = vector.multi_reduction <add>, %mul3A_521, %reduce_sum3A_522 [0] : vector<102x64xf32> to vector<64xf32>
    %swap3A_524 = arith.constant 10 : index
    %swap3A_525 = arith.constant 0 : index
    %swap3A_526 = vector.load %arg4[%swap3A_524, %swap3A_525] : memref<16x64xf32, #tpu.memory_space<vmem>>, vector<1x64xf32>
    %swap3A_527 = vector.shape_cast %swap3A_526 : vector<1x64xf32> to vector<64xf32>
    %swap3A_528 = vector.shape_cast %reduce_sum3A_523 : vector<64xf32> to vector<1x64xf32>
    tpu.vector_store %arg4[%swap3A_524, %swap3A_525], %swap3A_528 {strides = array<i32>} : memref<16x64xf32, #tpu.memory_space<vmem>>, vector<1x64xf32>,
    %get3A_529 = arith.constant 11 : index
    %get3A_530 = arith.constant 0 : index
    %get3A_531 = arith.constant 0 : index
    %get3A_532 = vector.load %arg2[%get3A_529, %get3A_530, %get3A_531] : memref<16x104x128xf32, #tpu.memory_space<vmem>>, vector<1x104x128xf32>
    %get3A_533 = vector.shape_cast %get3A_532 : vector<1x104x128xf32> to vector<104x128xf32>
    %slice3A_534 = vector.extract_strided_slice %get3A_533 {offsets = [0, 0], sizes = [102, 64], strides = [1, 1]} : vector<104x128xf32> to vector<102x64xf32>
    %slice3A_535 = vector.extract_strided_slice %get3A_533 {offsets = [0, 64], sizes = [102, 64], strides = [1, 1]} : vector<104x128xf32> to vector<102x64xf32>
    %get3A_536 = arith.constant 11 : index
    %get3A_537 = arith.constant 0 : index
    %get3A_538 = arith.constant 0 : index
    %get3A_539 = vector.load %arg3[%get3A_536, %get3A_537, %get3A_538] : memref<16x104x128xf32, #tpu.memory_space<vmem>>, vector<1x104x128xf32>
    %get3A_540 = vector.shape_cast %get3A_539 : vector<1x104x128xf32> to vector<104x128xf32>
    %slice3A_541 = vector.extract_strided_slice %get3A_540 {offsets = [0, 0], sizes = [102, 64], strides = [1, 1]} : vector<104x128xf32> to vector<102x64xf32>
    %convert_element_type3A_542 = arith.truncf %slice3A_541 : vector<102x64xf32> to vector<102x64xbf16>
    %slice3A_543 = vector.extract_strided_slice %get3A_540 {offsets = [0, 64], sizes = [102, 64], strides = [1, 1]} : vector<104x128xf32> to vector<102x64xf32>
    %convert_element_type3A_544 = arith.truncf %slice3A_543 : vector<102x64xf32> to vector<102x64xbf16>
    %slice3A_545 = vector.extract_strided_slice %get3A_1 {offsets = [11, 0], sizes = [1, 64], strides = [1, 1]} : vector<16x64xf32> to vector<1x64xf32>
    %squeeze3A_546 = vector.shape_cast %slice3A_545 : vector<1x64xf32> to vector<64xf32>
    %broadcast_in_dim3A_547 = vector.shape_cast %squeeze3A_546 : vector<64xf32> to vector<1x64xf32>
    %mul3A_548 = vector.broadcast %broadcast_in_dim3A_547 : vector<1x64xf32> to vector<102x64xf32>
    %mul3A_549 = arith.mulf %slice3A_534, %mul3A_548 : vector<102x64xf32>
    %convert_element_type3A_550 = arith.truncf %mul3A_549 : vector<102x64xf32> to vector<102x64xbf16>
    %dot_general3A_551 = arith.constant dense<0.000000e+00> : vector<102x102xf32>
    %dot_general3A_552 = tpu.matmul %convert_element_type3A_550, %convert_element_type3A_542, %dot_general3A_551 {dimension_numbers = #tpu.dot_dimension_numbers<[1], [1], [0], [0], [0, 0, 1, 0], [], []>, transpose_lhs_hint = false} : vector<102x64xbf16>, vector<102x64xbf16>, vector<102x102xf32> -> vector<102x102xf32>
    %mul3A_553 = arith.constant 1.250000e-01 : f32
    %mul3A_554 = vector.broadcast %mul3A_553 : f32 to vector<102x102xf32>
    %mul3A_555 = arith.mulf %dot_general3A_552, %mul3A_554 : vector<102x102xf32>
    %reduce_max3A_556 = arith.constant dense<0xFF800000> : vector<102xf32>
    %reduce_max3A_557 = vector.multi_reduction <maximumf>, %mul3A_555, %reduce_max3A_556 [1] : vector<102x102xf32> to vector<102xf32>
    %broadcast_in_dim3A_558 = vector.shape_cast %reduce_max3A_557 : vector<102xf32> to vector<102x1xf32>
    %sub3A_559 = vector.broadcast %broadcast_in_dim3A_558 : vector<102x1xf32> to vector<102x102xf32>
    %sub3A_560 = arith.subf %mul3A_555, %sub3A_559 : vector<102x102xf32>
    %exp3A_561 = math.exp %sub3A_560 : vector<102x102xf32>
    %reduce_sum3A_562 = arith.constant dense<0.000000e+00> : vector<102xf32>
    %reduce_sum3A_563 = vector.multi_reduction <add>, %exp3A_561, %reduce_sum3A_562 [1] : vector<102x102xf32> to vector<102xf32>
    %broadcast_in_dim3A_564 = vector.shape_cast %reduce_sum3A_563 : vector<102xf32> to vector<102x1xf32>
    %div3A_565 = vector.broadcast %broadcast_in_dim3A_564 : vector<102x1xf32> to vector<102x102xf32>
    %div3A_566 = arith.divf %exp3A_561, %div3A_565 : vector<102x102xf32>
    %convert_element_type3A_567 = arith.truncf %div3A_566 : vector<102x102xf32> to vector<102x102xbf16>
    %dot_general3A_568 = arith.constant dense<0.000000e+00> : vector<102x64xf32>
    %dot_general3A_569 = tpu.matmul %convert_element_type3A_567, %convert_element_type3A_544, %dot_general3A_568 {dimension_numbers = #tpu.dot_dimension_numbers<[1], [0], [0], [1], [0, 0, 1, 1], [], []>, transpose_lhs_hint = false} : vector<102x102xbf16>, vector<102x64xbf16>, vector<102x64xf32> -> vector<102x64xf32>
    %mul3A_570 = arith.mulf %slice3A_535, %dot_general3A_569 : vector<102x64xf32>
    %reduce_sum3A_571 = arith.constant dense<0.000000e+00> : vector<64xf32>
    %reduce_sum3A_572 = vector.multi_reduction <add>, %mul3A_570, %reduce_sum3A_571 [0] : vector<102x64xf32> to vector<64xf32>
    %swap3A_573 = arith.constant 11 : index
    %swap3A_574 = arith.constant 0 : index
    %swap3A_575 = vector.load %arg4[%swap3A_573, %swap3A_574] : memref<16x64xf32, #tpu.memory_space<vmem>>, vector<1x64xf32>
    %swap3A_576 = vector.shape_cast %swap3A_575 : vector<1x64xf32> to vector<64xf32>
    %swap3A_577 = vector.shape_cast %reduce_sum3A_572 : vector<64xf32> to vector<1x64xf32>
    tpu.vector_store %arg4[%swap3A_573, %swap3A_574], %swap3A_577 {strides = array<i32>} : memref<16x64xf32, #tpu.memory_space<vmem>>, vector<1x64xf32>,
    %get3A_578 = arith.constant 12 : index
    %get3A_579 = arith.constant 0 : index
    %get3A_580 = arith.constant 0 : index
    %get3A_581 = vector.load %arg2[%get3A_578, %get3A_579, %get3A_580] : memref<16x104x128xf32, #tpu.memory_space<vmem>>, vector<1x104x128xf32>
    %get3A_582 = vector.shape_cast %get3A_581 : vector<1x104x128xf32> to vector<104x128xf32>
    %slice3A_583 = vector.extract_strided_slice %get3A_582 {offsets = [0, 0], sizes = [102, 64], strides = [1, 1]} : vector<104x128xf32> to vector<102x64xf32>
    %slice3A_584 = vector.extract_strided_slice %get3A_582 {offsets = [0, 64], sizes = [102, 64], strides = [1, 1]} : vector<104x128xf32> to vector<102x64xf32>
    %get3A_585 = arith.constant 12 : index
    %get3A_586 = arith.constant 0 : index
    %get3A_587 = arith.constant 0 : index
    %get3A_588 = vector.load %arg3[%get3A_585, %get3A_586, %get3A_587] : memref<16x104x128xf32, #tpu.memory_space<vmem>>, vector<1x104x128xf32>
    %get3A_589 = vector.shape_cast %get3A_588 : vector<1x104x128xf32> to vector<104x128xf32>
    %slice3A_590 = vector.extract_strided_slice %get3A_589 {offsets = [0, 0], sizes = [102, 64], strides = [1, 1]} : vector<104x128xf32> to vector<102x64xf32>
    %convert_element_type3A_591 = arith.truncf %slice3A_590 : vector<102x64xf32> to vector<102x64xbf16>
    %slice3A_592 = vector.extract_strided_slice %get3A_589 {offsets = [0, 64], sizes = [102, 64], strides = [1, 1]} : vector<104x128xf32> to vector<102x64xf32>
    %convert_element_type3A_593 = arith.truncf %slice3A_592 : vector<102x64xf32> to vector<102x64xbf16>
    %slice3A_594 = vector.extract_strided_slice %get3A_1 {offsets = [12, 0], sizes = [1, 64], strides = [1, 1]} : vector<16x64xf32> to vector<1x64xf32>
    %squeeze3A_595 = vector.shape_cast %slice3A_594 : vector<1x64xf32> to vector<64xf32>
    %broadcast_in_dim3A_596 = vector.shape_cast %squeeze3A_595 : vector<64xf32> to vector<1x64xf32>
    %mul3A_597 = vector.broadcast %broadcast_in_dim3A_596 : vector<1x64xf32> to vector<102x64xf32>
    %mul3A_598 = arith.mulf %slice3A_583, %mul3A_597 : vector<102x64xf32>
    %convert_element_type3A_599 = arith.truncf %mul3A_598 : vector<102x64xf32> to vector<102x64xbf16>
    %dot_general3A_600 = arith.constant dense<0.000000e+00> : vector<102x102xf32>
    %dot_general3A_601 = tpu.matmul %convert_element_type3A_599, %convert_element_type3A_591, %dot_general3A_600 {dimension_numbers = #tpu.dot_dimension_numbers<[1], [1], [0], [0], [0, 0, 1, 0], [], []>, transpose_lhs_hint = false} : vector<102x64xbf16>, vector<102x64xbf16>, vector<102x102xf32> -> vector<102x102xf32>
    %mul3A_602 = arith.constant 1.250000e-01 : f32
    %mul3A_603 = vector.broadcast %mul3A_602 : f32 to vector<102x102xf32>
    %mul3A_604 = arith.mulf %dot_general3A_601, %mul3A_603 : vector<102x102xf32>
    %reduce_max3A_605 = arith.constant dense<0xFF800000> : vector<102xf32>
    %reduce_max3A_606 = vector.multi_reduction <maximumf>, %mul3A_604, %reduce_max3A_605 [1] : vector<102x102xf32> to vector<102xf32>
    %broadcast_in_dim3A_607 = vector.shape_cast %reduce_max3A_606 : vector<102xf32> to vector<102x1xf32>
    %sub3A_608 = vector.broadcast %broadcast_in_dim3A_607 : vector<102x1xf32> to vector<102x102xf32>
    %sub3A_609 = arith.subf %mul3A_604, %sub3A_608 : vector<102x102xf32>
    %exp3A_610 = math.exp %sub3A_609 : vector<102x102xf32>
    %reduce_sum3A_611 = arith.constant dense<0.000000e+00> : vector<102xf32>
    %reduce_sum3A_612 = vector.multi_reduction <add>, %exp3A_610, %reduce_sum3A_611 [1] : vector<102x102xf32> to vector<102xf32>
    %broadcast_in_dim3A_613 = vector.shape_cast %reduce_sum3A_612 : vector<102xf32> to vector<102x1xf32>
    %div3A_614 = vector.broadcast %broadcast_in_dim3A_613 : vector<102x1xf32> to vector<102x102xf32>
    %div3A_615 = arith.divf %exp3A_610, %div3A_614 : vector<102x102xf32>
    %convert_element_type3A_616 = arith.truncf %div3A_615 : vector<102x102xf32> to vector<102x102xbf16>
    %dot_general3A_617 = arith.constant dense<0.000000e+00> : vector<102x64xf32>
    %dot_general3A_618 = tpu.matmul %convert_element_type3A_616, %convert_element_type3A_593, %dot_general3A_617 {dimension_numbers = #tpu.dot_dimension_numbers<[1], [0], [0], [1], [0, 0, 1, 1], [], []>, transpose_lhs_hint = false} : vector<102x102xbf16>, vector<102x64xbf16>, vector<102x64xf32> -> vector<102x64xf32>
    %mul3A_619 = arith.mulf %slice3A_584, %dot_general3A_618 : vector<102x64xf32>
    %reduce_sum3A_620 = arith.constant dense<0.000000e+00> : vector<64xf32>
    %reduce_sum3A_621 = vector.multi_reduction <add>, %mul3A_619, %reduce_sum3A_620 [0] : vector<102x64xf32> to vector<64xf32>
    %swap3A_622 = arith.constant 12 : index
    %swap3A_623 = arith.constant 0 : index
    %swap3A_624 = vector.load %arg4[%swap3A_622, %swap3A_623] : memref<16x64xf32, #tpu.memory_space<vmem>>, vector<1x64xf32>
    %swap3A_625 = vector.shape_cast %swap3A_624 : vector<1x64xf32> to vector<64xf32>
    %swap3A_626 = vector.shape_cast %reduce_sum3A_621 : vector<64xf32> to vector<1x64xf32>
    tpu.vector_store %arg4[%swap3A_622, %swap3A_623], %swap3A_626 {strides = array<i32>} : memref<16x64xf32, #tpu.memory_space<vmem>>, vector<1x64xf32>,
    %get3A_627 = arith.constant 13 : index
    %get3A_628 = arith.constant 0 : index
    %get3A_629 = arith.constant 0 : index
    %get3A_630 = vector.load %arg2[%get3A_627, %get3A_628, %get3A_629] : memref<16x104x128xf32, #tpu.memory_space<vmem>>, vector<1x104x128xf32>
    %get3A_631 = vector.shape_cast %get3A_630 : vector<1x104x128xf32> to vector<104x128xf32>
    %slice3A_632 = vector.extract_strided_slice %get3A_631 {offsets = [0, 0], sizes = [102, 64], strides = [1, 1]} : vector<104x128xf32> to vector<102x64xf32>
    %slice3A_633 = vector.extract_strided_slice %get3A_631 {offsets = [0, 64], sizes = [102, 64], strides = [1, 1]} : vector<104x128xf32> to vector<102x64xf32>
    %get3A_634 = arith.constant 13 : index
    %get3A_635 = arith.constant 0 : index
    %get3A_636 = arith.constant 0 : index
    %get3A_637 = vector.load %arg3[%get3A_634, %get3A_635, %get3A_636] : memref<16x104x128xf32, #tpu.memory_space<vmem>>, vector<1x104x128xf32>
    %get3A_638 = vector.shape_cast %get3A_637 : vector<1x104x128xf32> to vector<104x128xf32>
    %slice3A_639 = vector.extract_strided_slice %get3A_638 {offsets = [0, 0], sizes = [102, 64], strides = [1, 1]} : vector<104x128xf32> to vector<102x64xf32>
    %convert_element_type3A_640 = arith.truncf %slice3A_639 : vector<102x64xf32> to vector<102x64xbf16>
    %slice3A_641 = vector.extract_strided_slice %get3A_638 {offsets = [0, 64], sizes = [102, 64], strides = [1, 1]} : vector<104x128xf32> to vector<102x64xf32>
    %convert_element_type3A_642 = arith.truncf %slice3A_641 : vector<102x64xf32> to vector<102x64xbf16>
    %slice3A_643 = vector.extract_strided_slice %get3A_1 {offsets = [13, 0], sizes = [1, 64], strides = [1, 1]} : vector<16x64xf32> to vector<1x64xf32>
    %squeeze3A_644 = vector.shape_cast %slice3A_643 : vector<1x64xf32> to vector<64xf32>
    %broadcast_in_dim3A_645 = vector.shape_cast %squeeze3A_644 : vector<64xf32> to vector<1x64xf32>
    %mul3A_646 = vector.broadcast %broadcast_in_dim3A_645 : vector<1x64xf32> to vector<102x64xf32>
    %mul3A_647 = arith.mulf %slice3A_632, %mul3A_646 : vector<102x64xf32>
    %convert_element_type3A_648 = arith.truncf %mul3A_647 : vector<102x64xf32> to vector<102x64xbf16>
    %dot_general3A_649 = arith.constant dense<0.000000e+00> : vector<102x102xf32>
    %dot_general3A_650 = tpu.matmul %convert_element_type3A_648, %convert_element_type3A_640, %dot_general3A_649 {dimension_numbers = #tpu.dot_dimension_numbers<[1], [1], [0], [0], [0, 0, 1, 0], [], []>, transpose_lhs_hint = false} : vector<102x64xbf16>, vector<102x64xbf16>, vector<102x102xf32> -> vector<102x102xf32>
    %mul3A_651 = arith.constant 1.250000e-01 : f32
    %mul3A_652 = vector.broadcast %mul3A_651 : f32 to vector<102x102xf32>
    %mul3A_653 = arith.mulf %dot_general3A_650, %mul3A_652 : vector<102x102xf32>
    %reduce_max3A_654 = arith.constant dense<0xFF800000> : vector<102xf32>
    %reduce_max3A_655 = vector.multi_reduction <maximumf>, %mul3A_653, %reduce_max3A_654 [1] : vector<102x102xf32> to vector<102xf32>
    %broadcast_in_dim3A_656 = vector.shape_cast %reduce_max3A_655 : vector<102xf32> to vector<102x1xf32>
    %sub3A_657 = vector.broadcast %broadcast_in_dim3A_656 : vector<102x1xf32> to vector<102x102xf32>
    %sub3A_658 = arith.subf %mul3A_653, %sub3A_657 : vector<102x102xf32>
    %exp3A_659 = math.exp %sub3A_658 : vector<102x102xf32>
    %reduce_sum3A_660 = arith.constant dense<0.000000e+00> : vector<102xf32>
    %reduce_sum3A_661 = vector.multi_reduction <add>, %exp3A_659, %reduce_sum3A_660 [1] : vector<102x102xf32> to vector<102xf32>
    %broadcast_in_dim3A_662 = vector.shape_cast %reduce_sum3A_661 : vector<102xf32> to vector<102x1xf32>
    %div3A_663 = vector.broadcast %broadcast_in_dim3A_662 : vector<102x1xf32> to vector<102x102xf32>
    %div3A_664 = arith.divf %exp3A_659, %div3A_663 : vector<102x102xf32>
    %convert_element_type3A_665 = arith.truncf %div3A_664 : vector<102x102xf32> to vector<102x102xbf16>
    %dot_general3A_666 = arith.constant dense<0.000000e+00> : vector<102x64xf32>
    %dot_general3A_667 = tpu.matmul %convert_element_type3A_665, %convert_element_type3A_642, %dot_general3A_666 {dimension_numbers = #tpu.dot_dimension_numbers<[1], [0], [0], [1], [0, 0, 1, 1], [], []>, transpose_lhs_hint = false} : vector<102x102xbf16>, vector<102x64xbf16>, vector<102x64xf32> -> vector<102x64xf32>
    %mul3A_668 = arith.mulf %slice3A_633, %dot_general3A_667 : vector<102x64xf32>
    %reduce_sum3A_669 = arith.constant dense<0.000000e+00> : vector<64xf32>
    %reduce_sum3A_670 = vector.multi_reduction <add>, %mul3A_668, %reduce_sum3A_669 [0] : vector<102x64xf32> to vector<64xf32>
    %swap3A_671 = arith.constant 13 : index
    %swap3A_672 = arith.constant 0 : index
    %swap3A_673 = vector.load %arg4[%swap3A_671, %swap3A_672] : memref<16x64xf32, #tpu.memory_space<vmem>>, vector<1x64xf32>
    %swap3A_674 = vector.shape_cast %swap3A_673 : vector<1x64xf32> to vector<64xf32>
    %swap3A_675 = vector.shape_cast %reduce_sum3A_670 : vector<64xf32> to vector<1x64xf32>
    tpu.vector_store %arg4[%swap3A_671, %swap3A_672], %swap3A_675 {strides = array<i32>} : memref<16x64xf32, #tpu.memory_space<vmem>>, vector<1x64xf32>,
    %get3A_676 = arith.constant 14 : index
    %get3A_677 = arith.constant 0 : index
    %get3A_678 = arith.constant 0 : index
    %get3A_679 = vector.load %arg2[%get3A_676, %get3A_677, %get3A_678] : memref<16x104x128xf32, #tpu.memory_space<vmem>>, vector<1x104x128xf32>
    %get3A_680 = vector.shape_cast %get3A_679 : vector<1x104x128xf32> to vector<104x128xf32>
    %slice3A_681 = vector.extract_strided_slice %get3A_680 {offsets = [0, 0], sizes = [102, 64], strides = [1, 1]} : vector<104x128xf32> to vector<102x64xf32>
    %slice3A_682 = vector.extract_strided_slice %get3A_680 {offsets = [0, 64], sizes = [102, 64], strides = [1, 1]} : vector<104x128xf32> to vector<102x64xf32>
    %get3A_683 = arith.constant 14 : index
    %get3A_684 = arith.constant 0 : index
    %get3A_685 = arith.constant 0 : index
    %get3A_686 = vector.load %arg3[%get3A_683, %get3A_684, %get3A_685] : memref<16x104x128xf32, #tpu.memory_space<vmem>>, vector<1x104x128xf32>
    %get3A_687 = vector.shape_cast %get3A_686 : vector<1x104x128xf32> to vector<104x128xf32>
    %slice3A_688 = vector.extract_strided_slice %get3A_687 {offsets = [0, 0], sizes = [102, 64], strides = [1, 1]} : vector<104x128xf32> to vector<102x64xf32>
    %convert_element_type3A_689 = arith.truncf %slice3A_688 : vector<102x64xf32> to vector<102x64xbf16>
    %slice3A_690 = vector.extract_strided_slice %get3A_687 {offsets = [0, 64], sizes = [102, 64], strides = [1, 1]} : vector<104x128xf32> to vector<102x64xf32>
    %convert_element_type3A_691 = arith.truncf %slice3A_690 : vector<102x64xf32> to vector<102x64xbf16>
    %slice3A_692 = vector.extract_strided_slice %get3A_1 {offsets = [14, 0], sizes = [1, 64], strides = [1, 1]} : vector<16x64xf32> to vector<1x64xf32>
    %squeeze3A_693 = vector.shape_cast %slice3A_692 : vector<1x64xf32> to vector<64xf32>
    %broadcast_in_dim3A_694 = vector.shape_cast %squeeze3A_693 : vector<64xf32> to vector<1x64xf32>
    %mul3A_695 = vector.broadcast %broadcast_in_dim3A_694 : vector<1x64xf32> to vector<102x64xf32>
    %mul3A_696 = arith.mulf %slice3A_681, %mul3A_695 : vector<102x64xf32>
    %convert_element_type3A_697 = arith.truncf %mul3A_696 : vector<102x64xf32> to vector<102x64xbf16>
    %dot_general3A_698 = arith.constant dense<0.000000e+00> : vector<102x102xf32>
    %dot_general3A_699 = tpu.matmul %convert_element_type3A_697, %convert_element_type3A_689, %dot_general3A_698 {dimension_numbers = #tpu.dot_dimension_numbers<[1], [1], [0], [0], [0, 0, 1, 0], [], []>, transpose_lhs_hint = false} : vector<102x64xbf16>, vector<102x64xbf16>, vector<102x102xf32> -> vector<102x102xf32>
    %mul3A_700 = arith.constant 1.250000e-01 : f32
    %mul3A_701 = vector.broadcast %mul3A_700 : f32 to vector<102x102xf32>
    %mul3A_702 = arith.mulf %dot_general3A_699, %mul3A_701 : vector<102x102xf32>
    %reduce_max3A_703 = arith.constant dense<0xFF800000> : vector<102xf32>
    %reduce_max3A_704 = vector.multi_reduction <maximumf>, %mul3A_702, %reduce_max3A_703 [1] : vector<102x102xf32> to vector<102xf32>
    %broadcast_in_dim3A_705 = vector.shape_cast %reduce_max3A_704 : vector<102xf32> to vector<102x1xf32>
    %sub3A_706 = vector.broadcast %broadcast_in_dim3A_705 : vector<102x1xf32> to vector<102x102xf32>
    %sub3A_707 = arith.subf %mul3A_702, %sub3A_706 : vector<102x102xf32>
    %exp3A_708 = math.exp %sub3A_707 : vector<102x102xf32>
    %reduce_sum3A_709 = arith.constant dense<0.000000e+00> : vector<102xf32>
    %reduce_sum3A_710 = vector.multi_reduction <add>, %exp3A_708, %reduce_sum3A_709 [1] : vector<102x102xf32> to vector<102xf32>
    %broadcast_in_dim3A_711 = vector.shape_cast %reduce_sum3A_710 : vector<102xf32> to vector<102x1xf32>
    %div3A_712 = vector.broadcast %broadcast_in_dim3A_711 : vector<102x1xf32> to vector<102x102xf32>
    %div3A_713 = arith.divf %exp3A_708, %div3A_712 : vector<102x102xf32>
    %convert_element_type3A_714 = arith.truncf %div3A_713 : vector<102x102xf32> to vector<102x102xbf16>
    %dot_general3A_715 = arith.constant dense<0.000000e+00> : vector<102x64xf32>
    %dot_general3A_716 = tpu.matmul %convert_element_type3A_714, %convert_element_type3A_691, %dot_general3A_715 {dimension_numbers = #tpu.dot_dimension_numbers<[1], [0], [0], [1], [0, 0, 1, 1], [], []>, transpose_lhs_hint = false} : vector<102x102xbf16>, vector<102x64xbf16>, vector<102x64xf32> -> vector<102x64xf32>
    %mul3A_717 = arith.mulf %slice3A_682, %dot_general3A_716 : vector<102x64xf32>
    %reduce_sum3A_718 = arith.constant dense<0.000000e+00> : vector<64xf32>
    %reduce_sum3A_719 = vector.multi_reduction <add>, %mul3A_717, %reduce_sum3A_718 [0] : vector<102x64xf32> to vector<64xf32>
    %swap3A_720 = arith.constant 14 : index
    %swap3A_721 = arith.constant 0 : index
    %swap3A_722 = vector.load %arg4[%swap3A_720, %swap3A_721] : memref<16x64xf32, #tpu.memory_space<vmem>>, vector<1x64xf32>
    %swap3A_723 = vector.shape_cast %swap3A_722 : vector<1x64xf32> to vector<64xf32>
    %swap3A_724 = vector.shape_cast %reduce_sum3A_719 : vector<64xf32> to vector<1x64xf32>
    tpu.vector_store %arg4[%swap3A_720, %swap3A_721], %swap3A_724 {strides = array<i32>} : memref<16x64xf32, #tpu.memory_space<vmem>>, vector<1x64xf32>,
    %get3A_725 = arith.constant 15 : index
    %get3A_726 = arith.constant 0 : index
    %get3A_727 = arith.constant 0 : index
    %get3A_728 = vector.load %arg2[%get3A_725, %get3A_726, %get3A_727] : memref<16x104x128xf32, #tpu.memory_space<vmem>>, vector<1x104x128xf32>
    %get3A_729 = vector.shape_cast %get3A_728 : vector<1x104x128xf32> to vector<104x128xf32>
    %slice3A_730 = vector.extract_strided_slice %get3A_729 {offsets = [0, 0], sizes = [102, 64], strides = [1, 1]} : vector<104x128xf32> to vector<102x64xf32>
    %slice3A_731 = vector.extract_strided_slice %get3A_729 {offsets = [0, 64], sizes = [102, 64], strides = [1, 1]} : vector<104x128xf32> to vector<102x64xf32>
    %get3A_732 = arith.constant 15 : index
    %get3A_733 = arith.constant 0 : index
    %get3A_734 = arith.constant 0 : index
    %get3A_735 = vector.load %arg3[%get3A_732, %get3A_733, %get3A_734] : memref<16x104x128xf32, #tpu.memory_space<vmem>>, vector<1x104x128xf32>
    %get3A_736 = vector.shape_cast %get3A_735 : vector<1x104x128xf32> to vector<104x128xf32>
    %slice3A_737 = vector.extract_strided_slice %get3A_736 {offsets = [0, 0], sizes = [102, 64], strides = [1, 1]} : vector<104x128xf32> to vector<102x64xf32>
    %convert_element_type3A_738 = arith.truncf %slice3A_737 : vector<102x64xf32> to vector<102x64xbf16>
    %slice3A_739 = vector.extract_strided_slice %get3A_736 {offsets = [0, 64], sizes = [102, 64], strides = [1, 1]} : vector<104x128xf32> to vector<102x64xf32>
    %convert_element_type3A_740 = arith.truncf %slice3A_739 : vector<102x64xf32> to vector<102x64xbf16>
    %slice3A_741 = vector.extract_strided_slice %get3A_1 {offsets = [15, 0], sizes = [1, 64], strides = [1, 1]} : vector<16x64xf32> to vector<1x64xf32>
    %squeeze3A_742 = vector.shape_cast %slice3A_741 : vector<1x64xf32> to vector<64xf32>
    %broadcast_in_dim3A_743 = vector.shape_cast %squeeze3A_742 : vector<64xf32> to vector<1x64xf32>
    %mul3A_744 = vector.broadcast %broadcast_in_dim3A_743 : vector<1x64xf32> to vector<102x64xf32>
    %mul3A_745 = arith.mulf %slice3A_730, %mul3A_744 : vector<102x64xf32>
    %convert_element_type3A_746 = arith.truncf %mul3A_745 : vector<102x64xf32> to vector<102x64xbf16>
    %dot_general3A_747 = arith.constant dense<0.000000e+00> : vector<102x102xf32>
    %dot_general3A_748 = tpu.matmul %convert_element_type3A_746, %convert_element_type3A_738, %dot_general3A_747 {dimension_numbers = #tpu.dot_dimension_numbers<[1], [1], [0], [0], [0, 0, 1, 0], [], []>, transpose_lhs_hint = false} : vector<102x64xbf16>, vector<102x64xbf16>, vector<102x102xf32> -> vector<102x102xf32>
    %mul3A_749 = arith.constant 1.250000e-01 : f32
    %mul3A_750 = vector.broadcast %mul3A_749 : f32 to vector<102x102xf32>
    %mul3A_751 = arith.mulf %dot_general3A_748, %mul3A_750 : vector<102x102xf32>
    %reduce_max3A_752 = arith.constant dense<0xFF800000> : vector<102xf32>
    %reduce_max3A_753 = vector.multi_reduction <maximumf>, %mul3A_751, %reduce_max3A_752 [1] : vector<102x102xf32> to vector<102xf32>
    %broadcast_in_dim3A_754 = vector.shape_cast %reduce_max3A_753 : vector<102xf32> to vector<102x1xf32>
    %sub3A_755 = vector.broadcast %broadcast_in_dim3A_754 : vector<102x1xf32> to vector<102x102xf32>
    %sub3A_756 = arith.subf %mul3A_751, %sub3A_755 : vector<102x102xf32>
    %exp3A_757 = math.exp %sub3A_756 : vector<102x102xf32>
    %reduce_sum3A_758 = arith.constant dense<0.000000e+00> : vector<102xf32>
    %reduce_sum3A_759 = vector.multi_reduction <add>, %exp3A_757, %reduce_sum3A_758 [1] : vector<102x102xf32> to vector<102xf32>
    %broadcast_in_dim3A_760 = vector.shape_cast %reduce_sum3A_759 : vector<102xf32> to vector<102x1xf32>
    %div3A_761 = vector.broadcast %broadcast_in_dim3A_760 : vector<102x1xf32> to vector<102x102xf32>
    %div3A_762 = arith.divf %exp3A_757, %div3A_761 : vector<102x102xf32>
    %convert_element_type3A_763 = arith.truncf %div3A_762 : vector<102x102xf32> to vector<102x102xbf16>
    %dot_general3A_764 = arith.constant dense<0.000000e+00> : vector<102x64xf32>
    %dot_general3A_765 = tpu.matmul %convert_element_type3A_763, %convert_element_type3A_740, %dot_general3A_764 {dimension_numbers = #tpu.dot_dimension_numbers<[1], [0], [0], [1], [0, 0, 1, 1], [], []>, transpose_lhs_hint = false} : vector<102x102xbf16>, vector<102x64xbf16>, vector<102x64xf32> -> vector<102x64xf32>
    %mul3A_766 = arith.mulf %slice3A_731, %dot_general3A_765 : vector<102x64xf32>
    %reduce_sum3A_767 = arith.constant dense<0.000000e+00> : vector<64xf32>
    %reduce_sum3A_768 = vector.multi_reduction <add>, %mul3A_766, %reduce_sum3A_767 [0] : vector<102x64xf32> to vector<64xf32>
    %swap3A_769 = arith.constant 15 : index
    %swap3A_770 = arith.constant 0 : index
    %swap3A_771 = vector.load %arg4[%swap3A_769, %swap3A_770] : memref<16x64xf32, #tpu.memory_space<vmem>>, vector<1x64xf32>
    %swap3A_772 = vector.shape_cast %swap3A_771 : vector<1x64xf32> to vector<64xf32>
    %swap3A_773 = vector.shape_cast %reduce_sum3A_768 : vector<64xf32> to vector<1x64xf32>
    tpu.vector_store %arg4[%swap3A_769, %swap3A_770], %swap3A_773 {strides = array<i32>} : memref<16x64xf32, #tpu.memory_space<vmem>>, vector<1x64xf32>,
    return
  }
  func.func @transform_0(%arg0: i32) -> (i32, i32) {
    %c0_i32 = arith.constant 0 : i32
    %c0_i32_0 = arith.constant 0 : i32
    return %arg0, %c0_i32 : i32, i32
  }
  func.func @transform_1(%arg0: i32) -> (i32, i32, i32) {
    %c0_i32 = arith.constant 0 : i32
    %c0_i32_0 = arith.constant 0 : i32
    %c0_i32_1 = arith.constant 0 : i32
    return %arg0, %c0_i32, %c0_i32_0 : i32, i32, i32
  }
  func.func @transform_2(%arg0: i32) -> (i32, i32, i32) {
    %c0_i32 = arith.constant 0 : i32
    %c0_i32_0 = arith.constant 0 : i32
    %c0_i32_1 = arith.constant 0 : i32
    return %arg0, %c0_i32, %c0_i32_0 : i32, i32, i32
  }
  func.func @transform_3(%arg0: i32) -> (i32, i32) {
    %c0_i32 = arith.constant 0 : i32
    %c0_i32_0 = arith.constant 0 : i32
    return %arg0, %c0_i32 : i32, i32
  }
}

module attributes {stable_mosaic.version = 14 : i64} {
  func.func @_matmul_kernel(%arg0: i32, %arg1: memref<256x512xf32, #tpu.memory_space<vmem>>, %arg2: memref<512x1024xf32, #tpu.memory_space<vmem>>, %arg3: memref<256x1024xf32, #tpu.memory_space<vmem>>) attributes {dimension_semantics = [#tpu.dimension_semantics<arbitrary>], iteration_bounds = array<i64: 4>, scalar_prefetch = 0 : i64, scratch_operands = 0 : i64, tpu.core_type = #tpu.core_type<tc>, window_params = [{transform_indices = @transform_0, window_bounds = array<i64: 256, 512>}, {pipeline_mode = #tpu.pipeline_mode<synchronous>, transform_indices = @transform_1, window_bounds = array<i64: 512, 1024>}, {transform_indices = @transform_2, window_bounds = array<i64: 256, 1024>}]} {
    %get3A = arith.constant 0 : index
    %get3A_0 = arith.constant 0 : index
    %get3A_1 = vector.load %arg1[%get3A, %get3A_0] : memref<256x512xf32, #tpu.memory_space<vmem>>, vector<256x512xf32>
    %convert_element_type3A = arith.truncf %get3A_1 : vector<256x512xf32> to vector<256x512xbf16>
    %get3A_2 = arith.constant 0 : index
    %get3A_3 = arith.constant 0 : index
    %get3A_4 = vector.load %arg2[%get3A_2, %get3A_3] : memref<512x1024xf32, #tpu.memory_space<vmem>>, vector<512x1024xf32>
    %convert_element_type3A_5 = arith.truncf %get3A_4 : vector<512x1024xf32> to vector<512x1024xbf16>
    %dot_general3A = arith.constant dense<0.000000e+00> : vector<256x1024xf32>
    %dot_general3A_6 = tpu.matmul %convert_element_type3A, %convert_element_type3A_5, %dot_general3A {dimension_numbers = #tpu.dot_dimension_numbers<[1], [0], [0], [1], [0, 0, 1, 1], [], []>, transpose_lhs_hint = false} : vector<256x512xbf16>, vector<512x1024xbf16>, vector<256x1024xf32> -> vector<256x1024xf32>
    %swap3A = arith.constant 0 : index
    %swap3A_7 = arith.constant 0 : index
    %swap3A_8 = vector.load %arg3[%swap3A, %swap3A_7] : memref<256x1024xf32, #tpu.memory_space<vmem>>, vector<256x1024xf32>
    tpu.vector_store %arg3[%swap3A, %swap3A_7], %dot_general3A_6 {strides = array<i32>} : memref<256x1024xf32, #tpu.memory_space<vmem>>, vector<256x1024xf32>,
    return
  }
  func.func @transform_0(%arg0: i32) -> (i32, i32) {
    %c0_i32 = arith.constant 0 : i32
    %c0_i32_0 = arith.constant 0 : i32
    return %arg0, %c0_i32 : i32, i32
  }
  func.func @transform_1(%arg0: i32) -> (i32, i32) {
    %c0_i32 = arith.constant 0 : i32
    %c0_i32_0 = arith.constant 0 : i32
    %c0_i32_1 = arith.constant 0 : i32
    return %c0_i32, %c0_i32_0 : i32, i32
  }
  func.func @transform_2(%arg0: i32) -> (i32, i32) {
    %c0_i32 = arith.constant 0 : i32
    %c0_i32_0 = arith.constant 0 : i32
    return %arg0, %c0_i32 : i32, i32
  }
}

</mosaic_0001>

<sc_bundles>
// kernel: kernel.12.cloned.1.call-start
scs
__scs_entry_jumppad:
0x0: {  	(pc) =	sbr.rel $0x88, $3  }
0x1: {  	(tag) =	ssettag $0x0;
	lr =	simm.s32 $0x1  }
0x2: {  	[smem:$0x3F9A] =	sst lr;
	_ =	strace $0xD0000000  }
0x3: {  	_ = 	snop  }
0x4: {  	_ = 	snop  }
0x5: {  	_ = 	snop  }
0x6: {  	_ = 	snop  }
0x7: {  	_ = 	snop  }
__scs_overlays_trampoline_lowered:
0x8: {  	[smem:$0x3FA9] =	sst s0  }
0x9: {  	[smem:$0x3FAA] =	sst s1  }
0xa: {  	[smem:$0x3FAB] =	sst s2  }
0xb: {  	[smem:$0x3FAC] =	sst s3  }
0xc: {  	[smem:$0x3FAD] =	sst s4  }
0xd: {  	[smem:$0x3FAE] =	sst s5  }
0xe: {  	[smem:$0x3FAF] =	sst s6  }
0xf: {  	[smem:$0x3FB0] =	sst s7  }
0x10: {  	[smem:$0x3FB1] =	sst s8  }
0x11: {  	[smem:$0x3FB2] =	sst s9;
	s0 =	simm.s32 @!p0 $0x0  }
0x12: {  	s1 =	sld [smem:$0x3F98];
	s0 =	simm.s32 @p0 $0x1  }
0x13: {  	[smem:$0x3FB3] =	sst s0;
	s0 =	simm.s32 @!p1 $0x0  }
0x14: {  	s2 =	sld [smem:$0x3F97];
	s0 =	simm.s32 @p1 $0x1  }
0x15: {  	[smem:$0x3FB4] =	sst s0;
	s0 =	simm.s32 @!p2 $0x0  }
0x16: {  	s3 =	sld [smem:$0x3FDB];
	s0 =	simm.s32 @p2 $0x1  }
0x17: {  	s4 =	simm.s32 $0x1BF5;
	[smem:$0x3FB6] =	sst s0  }
0x18: {  	s0 =	sld [smem:$0x3F99];
	_ =	swait.ge [sflag:s4], $0x0  }
0x19: {  	s7 =	sld [smem:$0x3F9A]  }
0x1a: {  	s8 =	sadd.s32 $0xFFFFE003, lr  }
0x1b: {  	s9 =	sadd.s32 $0xFFFFFEF7, lr;
	s5 =	simm.s32 $0xFFFFFFFF;
	p2 =	slt.u32 s8, $0xFFFFF086  }
0x1c: {  	p1 =	slt.u32 s9, $0xF7A;
	s5 =	simm.s32 @!p2 $0x0  }
0x1d: {  	s5 =	simm.s32 @p1 $0x1;
	p0 =	seq.s32 s7, s2  }
0x1e: {  	s7 =	smul.u32 @!p0 $0xF7A, s2;
	p2 =	seq.s32 @!p0 s5, $0x0  }
0x1f: {  	s9 =	smul.u32 $0xF7A, s1;
	s8 =	simm.s32 @!p0 $0x1BF5;
	p2 =	por !p2, p0  }
0x20: {  	[sflag:s8] =	ssyncset.s32 @!p0 $0xFFFFF086;
	s6 =	sadd.s32 @!p0 s3, s7;
	s7 =	simm.s32 @!p0 $0x108  }
0x21: {  	s3 =	sadd.s32 s3, s9;
	s6 =	sadd.s32 @!p0 $0x88, s6;
	s7 =	simm.s32 @p2 $0x1082  }
0x22: {  	[simem:s7], [sflag:s8] =	dma.local @!p0 [hbm:s6], $0xF7A  }
0x23: {  	s9 =	sor.u32 $0xD0000000, s2;
	s6 =	simm.s32 $0x108;
	_ =	swait.ge @!p0 [sflag:s8], $0x0  }
0x24: {  	s3 =	sadd.s32 $0x88, s3;
	s6 =	simm.s32 @!p1 $0x1082;
	[sflag:s4] =	ssyncset.s32 $0xFFFFF086  }
0x25: {  	[simem:s6], [sflag:s4] =	dma.local [hbm:s3], $0xF7A  }
0x26: {  	[smem:$0x3F9A] =	sst s1;
	(tag) =	ssettag s2;
	_ =	strace s9  }
0x27: {  	s1 =	sld [smem:$0x3FAA]  }
0x28: {  	s2 =	sld [smem:$0x3FAB]  }
0x29: {  	s4 =	sld [smem:$0x3FAD]  }
0x2a: {  	p0 =	seq.s32 s5, $0x0;
	s5 =	sld [smem:$0x3FAE]  }
0x2b: {  	s6 =	sld [smem:$0x3FAF]  }
0x2c: {  	s7 =	sld [smem:$0x3FB0]  }
0x2d: {  	s3 =	simm.s32 $0x108;
	s8 =	sld [smem:$0x3FB1]  }
0x2e: {  	s3 =	simm.s32 @!p0 $0x1082;
	s9 =	sld [smem:$0x3FB2]  }
0x2f: {  	lr =	sadd.s32 s0, s3;
	s0 =	sld [smem:$0x3FA9]  }
0x30: {  	s3 =	sld [smem:$0x3FAC]  }
0x31: {  	[smem:$0x3FB5] =	sst s10  }
0x32: {  	s10 =	sld [smem:$0x3FB3];
	_ =	sdelay $0x3  }
0x33: {  	p0 =	seq.s32 s10, $0x1;
	s10 =	sld [smem:$0x3FB5];
	_ =	sdelay $0x3  }
0x34: {  	[smem:$0x3FB5] =	sst s10  }
0x35: {  	s10 =	sld [smem:$0x3FB4];
	_ =	sdelay $0x3  }
0x36: {  	p1 =	seq.s32 s10, $0x1;
	s10 =	sld [smem:$0x3FB5];
	_ =	sdelay $0x3  }
0x37: {  	[smem:$0x3FB5] =	sst s10  }
0x38: {  	s10 =	sld [smem:$0x3FB6]  }
0x39: {  	_ = 	snop;
	(pc) =	sbr.ind lr, $3  }
0x3a: {  	_ = 	snop  }
0x3b: {  	_ = 	snop  }
0x3c: {  	p2 =	seq.s32 s10, $0x1;
	s10 =	sld [smem:$0x3FB5]  }
0x3d: {  	_ =	shalt  }
0x3e: {  	_ =	shalt  }
0x3f: {  	_ =	shalt  }
0x40: {  	_ =	shalt  }
0x41: {  	_ =	shalt  }
0x42: {  	_ =	shalt  }
0x43: {  	_ =	shalt  }
0x44: {  	_ =	shalt  }
0x45: {  	_ =	shalt  }
0x46: {  	_ =	shalt  }
0x47: {  	_ =	shalt  }
0x48: {  	_ =	shalt  }
0x49: {  	_ =	shalt  }
0x4a: {  	_ =	shalt  }
0x4b: {  	_ =	shalt  }
0x4c: {  	_ =	shalt  }
0x4d: {  	_ =	shalt  }
0x4e: {  	_ =	shalt  }
0x4f: {  	_ =	shalt  }
0x50: {  	_ =	shalt  }
0x51: {  	_ =	shalt  }
0x52: {  	_ =	shalt  }
0x53: {  	_ =	shalt  }
0x54: {  	_ =	shalt  }
0x55: {  	_ =	shalt  }
0x56: {  	_ =	shalt  }
0x57: {  	_ =	shalt  }
0x58: {  	_ =	shalt  }
0x59: {  	_ =	shalt  }
0x5a: {  	_ =	shalt  }
0x5b: {  	_ =	shalt  }
0x5c: {  	_ =	shalt  }
0x5d: {  	_ =	shalt  }
0x5e: {  	_ =	shalt  }
0x5f: {  	_ =	shalt  }
0x60: {  	_ =	shalt  }
0x61: {  	_ =	shalt  }
0x62: {  	_ =	shalt  }
0x63: {  	_ =	shalt  }
0x64: {  	_ =	shalt  }
0x65: {  	_ =	shalt  }
0x66: {  	_ =	shalt  }
0x67: {  	_ =	shalt  }
0x68: {  	_ =	shalt  }
0x69: {  	_ =	shalt  }
0x6a: {  	_ =	shalt  }
0x6b: {  	_ =	shalt  }
0x6c: {  	_ =	shalt  }
0x6d: {  	_ =	shalt  }
0x6e: {  	_ =	shalt  }
0x6f: {  	_ =	shalt  }
0x70: {  	_ =	shalt  }
0x71: {  	_ =	shalt  }
0x72: {  	_ =	shalt  }
0x73: {  	_ =	shalt  }
0x74: {  	_ =	shalt  }
0x75: {  	_ =	shalt  }
0x76: {  	_ =	shalt  }
0x77: {  	_ =	shalt  }
0x78: {  	_ =	shalt  }
0x79: {  	_ =	shalt  }
0x7a: {  	_ =	shalt  }
0x7b: {  	_ =	shalt  }
0x7c: {  	_ =	shalt  }
0x7d: {  	_ =	shalt  }
0x7e: {  	_ =	shalt  }
0x7f: {  	_ =	shalt  }
0x80: {  	_ =	shalt  }
0x81: {  	_ =	shalt  }
0x82: {  	_ =	shalt  }
0x83: {  	_ =	shalt  }
0x84: {  	_ =	shalt  }
0x85: {  	_ =	shalt  }
0x86: {  	_ =	shalt  }
0x87: {  	_ =	shalt  }
.Lfunc_end0:
.L_simem_size_0:
called_computation.1_lowered:
.L_overlay_start_0:
0x88: {  	s2 =	sld [smem:$0x3FD9]  }
0x89: {  	s3 =	sld [smem:$0x3FFE];
	_ =	sdelay $0x1  }
0x8a: {  	s1 =	srdreg.scid  }
0x8b: {  	s0 =	sand.u32 $0x1, s1  }
0x8c: {  	s16 =	sshll.u32 s0, $0xA;
	s2 =	sadd.s32 s3, s2  }
0x8d: {  	s2 =	sadd.s32 s2, s16  }
0x8e: {  	[smem:$0x3FC1] =	sst s2  }
0x8f: {  	_ = 	snop  }
0x90: {  	(tm) =	ssettm $0x1  }
0x91: {  	s17 =	sld [smem:$0x3FFB];
	_ =	sdelay $0x3  }
0x92: {  	_ =	strace s17  }
0x93: {  	s2 =	sld [smem:$0x3FFC];
	_ =	sdelay $0x3  }
0x94: {  	_ =	strace s2  }
0x95: {  	s2 =	sld [smem:$0x3FFD];
	_ =	sdelay $0x3  }
0x96: {  	_ =	strace s2  }
0x97: {  	_ =	strace $0x8FFFFFFF  }
0x98: {  	s18 =	sld [smem:$0x3FDB];
	_ =	sdelay $0x1  }
0x99: {  	s19 =	simm.s32 $_scs_section_size  }
0x9a: {  	s4 =	simm.s32 $_size__tile_overlayer_lowered;
	s5 =	simm.s32 $_tile_overlayer_lowered  }
0x9b: {  	s22 =	simm.s32 $0x1BFF;
	s21 =	sshll.u32 s5, $0x1;
	s2 =	sadd.s32 s19, s18  }
0x9c: {  	s6 =	simm.s32 $0x0;
	s20 =	sshll.u32 s4, $0x1;
	s4 =	sadd.s32 s21, s2  }
0x9d: {  	[timem:s6], [sflag:s22] =	dma.local [hbm:s4], s20  }
0x9e: {  	_ =	swait.ge [sflag:s22], s20  }
0x9f: {  	s3 =	ssub.s32 $0x0, s20;
	[sflag:s22] =	ssyncset.done $0x0  }
0xa0: {  	[sflag:s22] =	ssyncadd.s32 s3;
	_ =	sdelay $0x1  }
0xa1: {  	s23 =	simm.s32 $0x1B8B  }
0xa2: {  	_ =	swait.ge [sflag:s23], $0x1  }
0xa3: {  	[sflag:s23] =	ssyncset.done $0x0  }
0xa4: {  	s25 =	simm.s32 $0x1B8E;
	s24 =	sld [smem:$0x3FFE];
	[sflag:s23] =	ssyncadd.s32 $0xFFFFFFFF  }
0xa5: {  	s26 =	simm.s32 $execute0_lowered;
	[smem:$0x3FD2] =	sst s25  }
0xa6: {  	s4 =	sshll.u32 s26, $0x1;
	_ =	strace $0x80000046;
	[dreg:$0x1] =	wrdreg $0xFFFFFFFF  }
0xa7: {  	s28 =	simm.s32 $_size_execute0_lowered;
	s2 =	sadd.s32 s2, s4;
	[dreg:$0x0] =	wrdreg $0x0  }
0xa8: {  	s4 =	sshll.u32 s28, $0x1;
	[dreg:$0x2] =	wrdreg s2  }
0xa9: {  	[dreg:$0x3] =	wrdreg s4  }
0xaa: {  	[dreg:$0x4] =	wrdreg $0xC0  }
0xab: {  	_ =	task [dreg:s6], $0x5FFFF  }
0xac: {  	[dreg:$0x1] =	wrdreg $0xFFFFFFFF  }
0xad: {  	[dreg:$0x0] =	wrdreg $0x60  }
0xae: {  	[dreg:$0x2] =	wrdreg s24  }
0xaf: {  	[dreg:$0x3] =	wrdreg $0xA  }
0xb0: {  	_ =	task.clear_ibuf [dreg:s6], $0x4FFFF;
	_ =	strace $0x90000046  }
0xb1: {  	s29 =	simm.s32 $0xA;
	_ =	strace $0x80000048  }
0xb2: {  	_ =	swait.ge [sflag:s29], $0x1  }
0xb3: {  	[sflag:s29] =	ssyncadd.s32 $0xFFFFFFFF  }
0xb4: {  	_ =	strace $0x90000048  }
0xb5: {  	_ =	sfence  }
0xb6: {  	s30 =	sld [smem:$0x0];
	_ =	sdelay $0x2  }
0xb7: {  	s31 =	sshll.u32 s1, $0xD;
	s1 =	sshrl.u32 s1, $0x2  }
0xb8: {  	s3 =	sand.u32 $0x4000, s31;
	s1 =	sadd.s32 s1, s30  }
0xb9: {  	s0 =	sor.u32 s3, s0;
	s1 =	sshll.u32 s1, $0x11  }
0xba: {  	s0 =	sor.u32 s1, s0  }
0xbb: {  	s0 =	sadd.s32 $0x8F2B, s0  }
0xbc: {  	[sflag:s0] =	ssyncadd.remote.s32 $0x1  }
0xbd: {  	_ =	sfence.sel $0xFFFF  }
0xbe: {  	[dreg:$0x0] =	wrdreg $0xFFFFFFFF;
	(pc) =	sbr.abs _section_cstart, $3  }
0xbf: {  	[dreg:$0x1] =	wrdreg $0xFFFFFFFF  }
0xc0: {  	_ =	task.clear_ibuf [dreg:s6], $0x2FFFF;
	_ =	strace $0x9FFFFFFF  }
0xc1: {  	(tm) =	ssettm $0x7FFFFFFF  }
tec
execute0_lowered:
.L_overlay_start_1:
0x0: {  	(tag) =	ssettag $0x1  }
0x1: {  	s0 =	srdreg.scid;
	s2 =	stileid.u32  }
0x2: {  	s1 =	rddreg [dreg:$0x0];
	s12 =	simm.s32 $0x1100;
	s13 =	simm.s32 $0x7  }
0x3: {  	s14 =	simm.s32 $0x80;
	s15 =	simm.s32 $0x400;
	s16 =	simm.s32 $0x1  }
0x4: {  	s17 =	simm.s32 $0x800;
	s18 =	simm.s32 $0x68;
	s19 =	simm.s32 $0x1200  }
0x5: {  	s20 =	simm.s32 $0x3;
	s21 =	simm.s32 $0x2;
	s22 =	simm.s32 $0xC80  }
0x6: {  	s23 =	simm.s32 $0x4600;
	s24 =	simm.s32 $0x4;
	s25 =	simm.s32 $0x5  }
0x7: {  	s26 =	simm.s32 $0x6;
	s28 =	simm.s32 $0x0;
	s0 =	sand.u32 $0x1, s0  }
0x8: {  	s8 =	sshll.u32 s2, $0x9;
	s2 =	simm.s32 $0x0;
	s4 =	sadd.s32 $0x142800, s1  }
0x9: {  	s6 =	sadd.s32 $0x243000, s1;
	s3 =	sshll.u32 s0, $0x8;
	[smem:$0x7FF] =	sst s2  }
0xa: {  	s0 =	ssub.s32 $0x2, s0;
	s3 =	sor.u32 s3, s8;
	_ =	strace $0x80000047  }
0xb: {  	s30 =	sshrl.u32 s0, $0x1;
	s5 =	sshrl.u32 s3, $0x3;
	s7 =	sshll.u32 s3, $0x7  }
0xc: {  	v0 =	vimm.s32 $0x0;
	v1 =	vlaneseq.u32;
	s0 =	ssub.s32 s0, s30;
	s9 =	sadd.s32 s5, s1;
	s5 =	sadd.s32 $0x22800, s1  }
0xd: {  	v2 =	vor.u32 $0x10, v1;
	v3 =	vor.u32 $0x20, v1;
	v4 =	vor.u32 $0x30, v1;
	s7 =	sadd.s32 s4, s7;
	s1 =	sand.u32 $0x1C00, s8;
	s31 =	sadd.s32 $0x242800, s9  }
0xe: {  	v5 =	vor.u32 $0x40, v1;
	v6 =	vor.u32 $0x50, v1;
	v7 =	vor.u32 $0x60, v1;
	s11 =	smax.u32 s0, $0x1;
	s9 =	sadd.s32 $0x10, s7;
	[dreg:$0x2] =	wrdreg s31  }
.LBB2_1:
0xf: {  	s0 =	rddreg [dreg:$0x2]  }
0x10: {  	[tilespmem:s12], [sflag:$0x7] =	stream.linear.gather [hbm4b:s0+s2], $0x100, $0x38;
	[tilespmem:$0x7A00] =	vst v63  }
0x11: {  	_ =	swait.ge [sflag:s13], $0x100  }
0x12: {  	[sflag:s13] =	ssyncset.done $0x0  }
0x13: {  	[sflag:s13] =	ssyncadd.s32 $0xFFFFFF00  }
0x14: {  	[tilespmem:s2], [sflag:$0x1] =	stream.strided.gather [hbm4b:s7+s14], $0x400, s15, s14, $0x38;
	[tilespmem:$0x7A00] =	vst v63  }
0x15: {  	s29 =	simm.s32 $0x0  }
0x16: {  	[tilespmem:s15], [sflag:$0x2] =	stream.strided.gather [hbm4b:s9+s14], $0x400, s15, s14, $0x38;
	[tilespmem:$0x7A00] =	vst v63  }
.LBB2_2:
0x17: {  	_ =	swait.ge [sflag:s16], $0x400  }
0x18: {  	[sflag:s16] =	ssyncset.done $0x0  }
0x19: {  	s0 =	simm.s32 $0x0;
	[sflag:s16] =	ssyncadd.s32 $0xFFFFFC00  }
0x1a: {  	v8 =	vld [tilespmem:s0+$0x0];
	_ =	sdelay $0x4  }
0x1b: {  	vm0 =	vgt.s32 v8, $0x0  }
0x1c: {  	v8 =	vsel vm0, $0x1, v0  }
0x1d: {  	(xrf0) =	vadd.scan.msk.s32 $0xffff, v8;
	_ =	sdelay $0x4  }
0x1e: {  	s30 =	simm.s32 $0x0;
	v8 =	vsel vm0, $0xFFFFFFFF, v0  }
0x1f: {  	v8 =	vadd.s32 s30, v8;
	v9, _, _ =	vpop (xrf0)  }
0x20: {  	v10 =	vadd.s32 v9, v8;
	(v2sf) =	vpush v9, $0xF;
	_ =	sdelay $0x3  }
0x21: {  	v8 =	vor.u32 s1, v1  }
0x22: {  	s10 =	simm.s32 $0x80;
	s31 =	smov.u32 s1;
	s0 =	simm.s32 $0x10;
	[tilespmem:v10+s17+$0x0] =	vst.idx.msk vm0, v8  }
.LBB2_3:
0x23: {  	p0 =	sne.s32 s10, $0xFC0;
	v9 =	vld [tilespmem:s0+$0x0];
	_ =	sdelay $0x4  }
0x24: {  	vm0 =	vgt.s32 v9, $0x0  }
0x25: {  	v9 =	vsel vm0, $0xFFFFFFFF, v0;
	v10 =	vsel vm0, $0x1, v0  }
0x26: {  	(xrf0) =	vadd.scan.msk.s32 $0xffff, v10;
	_ =	sdelay $0x1  }
0x27: {  	s0 =	spop (v2sf)  }
0x28: {  	s30 =	sadd.s32 s30, s0  }
0x29: {  	v9 =	vadd.s32 s30, v9;
	_ =	sdelay $0x1  }
0x2a: {  	v10, _, _ =	vpop (xrf0)  }
0x2b: {  	v9 =	vadd.s32 v10, v9;
	(v2sf) =	vpush v10, $0xF  }
.Ltmp0:
0x2c: {  	(pc) =	sbr.rel @p0 .LBB2_3-.Ltmp0, $4  }
0x2d: {  	_ = 	snop  }
0x2e: {  	s31 =	sadd.s32 $0x10, s31  }
0x2f: {  	v10 =	vor.u32 s31, v1  }
0x30: {  	s0 =	sshra.s32 s10, $0x2;
	s10 =	sadd.s32 $0x40, s10;
	[tilespmem:v9+s17+$0x0] =	vst.idx.msk vm0, v10  }
0x31: {  	v9 =	vld [tilespmem:s0+$0x0];
	_ =	sdelay $0x4  }
0x32: {  	vm0 =	vgt.s32 v9, $0x0  }
0x33: {  	v9 =	vsel vm0, $0x1, v0  }
0x34: {  	(xrf0) =	vadd.scan.msk.s32 $0xffff, v9;
	_ =	sdelay $0x5  }
0x35: {  	v9, _, _ =	vpop (xrf0)  }
0x36: {  	(v2sf) =	vpush v9, $0xF;
	_ =	sdelay $0x3  }
0x37: {  	s10 =	spop (v2sf)  }
0x38: {  	v10 =	vsel vm0, $0xFFFFFFFF, v0;
	s0 =	sadd.s32 s30, s10;
	s30 =	sshll.u32 s29, $0x1  }
0x39: {  	v10 =	vadd.s32 s0, v10;
	v11 =	vmov s30  }
0x3a: {  	v9 =	vadd.s32 v9, v10;
	v10 =	vbroadcast v11, $0x0;
	_ =	sdelay $0x2  }
0x3b: {  	s8 =	sadd.s32 $0x10, s31  }
0x3c: {  	v11 =	vor.u32 s8, v1  }
0x3d: {  	[tilespmem:v9+s17+$0x0] =	vst.idx.msk vm0, v11  }
0x3e: {  	v9 =	vld.idx.msk [tilespmem:v10+s12+$0x0], $0xffff  }
0x3f: {  	v10 =	vld [tilespmem:$0x800]  }
0x40: {  	v11 =	vld [tilespmem:$0x810];
	s31 =	spop (v2sf)  }
0x41: {  	v12 =	vld [tilespmem:$0x820];
	s0 =	sadd.s32 s0, s31  }
0x42: {  	v14 =	vld [tilespmem:$0x830];
	v13 =	vmov s0  }
0x43: {  	v15 =	vld [tilespmem:$0x840];
	vm9 =	vgt.s32 v13, v1  }
0x44: {  	v16 =	vld [tilespmem:$0x850];
	vm10 =	vgt.s32 v13, v2;
	v10 =	vsel vm9, v10, v9  }
0x45: {  	vm11 =	vgt.s32 v13, v3;
	[tilespmem:$0x800] =	vst v10;
	v10 =	vsel vm10, v11, v9;
	v11 =	vld [tilespmem:$0x860]  }
0x46: {  	p0 =	sne.s32 s29, $0x0;
	vm12 =	vgt.s32 v13, v4;
	[tilespmem:$0x810] =	vst v10;
	v10 =	vsel vm11, v12, v9  }
.Ltmp1:
0x47: {  	vm13 =	vgt.s32 v13, v5;
	[tilespmem:$0x820] =	vst v10;
	v10 =	vsel vm12, v14, v9;
	(pc) =	sbr.rel @!p0 .LBB2_5-.Ltmp1, $4  }
0x48: {  	vm14 =	vgt.s32 v13, v6;
	[tilespmem:$0x830] =	vst v10;
	v10 =	vsel vm13, v15, v9  }
0x49: {  	vm15 =	vgt.s32 v13, v7;
	[tilespmem:$0x840] =	vst v10;
	v10 =	vsel vm14, v16, v9  }
0x4a: {  	[tilespmem:$0x850] =	vst v10;
	v9 =	vsel vm15, v11, v9  }
0x4b: {  	[tilespmem:$0x860] =	vst v9  }
0x4c: {  	p1 =	seq.s32 s29, $0x7F  }
.Ltmp2:
0x4d: {  	_ = 	snop;
	(pc) =	sbr.rel @p1 .LBB2_8-.Ltmp2, $4  }
.Ltmp3:
0x4e: {  	_ =	swait.ge [sflag:s25], $0x3400;
	(pc) =	sbr.rel @!p1 .LBB2_7-.Ltmp3, $4  }
0x4f: {  	[sflag:s25] =	ssyncset.done $0x0  }
0x50: {  	p0 =	por $0x1, $0x1;
	[sflag:s25] =	ssyncadd.s32 $0xFFFFCC00  }
0x51: {  	[tilespmem:s19], [sflag:$0x3] =	stream.indirect.gather [hbm4b:s5+s18], $0x80, s17, s18, $0xb8;
	[tilespmem:$0x7A00] =	vst v63  }
0x52: {  	_ = 	snop  }
.LBB2_5:
0x53: {  	[tilespmem:s19], [sflag:$0x3] =	stream.indirect.gather [hbm4b:s5+s18], $0x80, s17, s18, $0xb8;
	[tilespmem:$0x7A00] =	vst v63  }
.LBB2_7:
0x54: {  	s0 =	sadd.s32 $0x2, s30  }
0x55: {  	s8 =	sadd.s32 s3, s0;
	s0 =	sshll.u32 s0, $0x4  }
0x56: {  	s8 =	sshll.u32 s8, $0x7;
	s0 =	sand.u32 $0x60, s0  }
0x57: {  	s8 =	sand.u32 $0x1FFC00, s8;
	s0 =	sadd.s32 s4, s0  }
0x58: {  	p0 =	por $0x0, $0x0;
	s0 =	sadd.s32 s8, s0  }
0x59: {  	[tilespmem:s2], [sflag:$0x1] =	stream.strided.gather [hbm4b:s0+s14], $0x400, s15, s14, $0x38;
	[tilespmem:$0x7A00] =	vst v63  }
.LBB2_8:
0x5a: {  	s0 =	sadd.s32 s3, s30  }
0x5b: {  	_ =	swait.ge [sflag:s20], $0x3400;
	s0 =	smul.u32 $0x680, s0  }
0x5c: {  	[sflag:s20] =	ssyncset.done $0x0  }
0x5d: {  	s31 =	simm.s32 $0x0;
	[sflag:s20] =	ssyncadd.s32 $0xFFFFCC00;
	s0 =	sadd.s32 s6, s0  }
0x5e: {  	[hbm4b:s0+s31] =	stream.linear.scatter [tilespmem:s19], [sflag:$0x5], $0x3400, $0x38;
	[tilespmem:$0x7A00] =	vst v63  }
0x5f: {  	_ =	swait.ge [sflag:s21], $0x400  }
0x60: {  	[sflag:s21] =	ssyncset.done $0x0  }
0x61: {  	s10 =	simm.s32 $0x0;
	[sflag:s21] =	ssyncadd.s32 $0xFFFFFC00  }
0x62: {  	v9 =	vld [tilespmem:s10+$0x400];
	_ =	sdelay $0x4  }
0x63: {  	vm0 =	vgt.s32 v9, $0x0  }
0x64: {  	v9 =	vsel vm0, $0x1, v0  }
0x65: {  	(xrf0) =	vadd.scan.msk.s32 $0xffff, v9;
	_ =	sdelay $0x4  }
0x66: {  	v63 =	vsel vm0, $0xFFFFFFFF, v0  }
0x67: {  	v9 =	vadd.s32 s31, v63;
	v10, _, _ =	vpop (xrf0)  }
0x68: {  	v9 =	vadd.s32 v10, v9;
	(v2sf) =	vpush v10, $0xF;
	_ =	sdelay $0x4  }
0x69: {  	s8 =	simm.s32 $0x10;
	s0 =	simm.s32 $0x80;
	s10 =	smov.u32 s1;
	[tilespmem:v9+s22+$0x0] =	vst.idx.msk vm0, v8  }
.LBB2_9:
0x6a: {  	p1 =	sne.s32 s0, $0xFC0;
	v8 =	vld [tilespmem:s8+$0x400];
	_ =	sdelay $0x4  }
0x6b: {  	vm0 =	vgt.s32 v8, $0x0  }
0x6c: {  	v8 =	vsel vm0, $0xFFFFFFFF, v0;
	v9 =	vsel vm0, $0x1, v0  }
0x6d: {  	(xrf0) =	vadd.scan.msk.s32 $0xffff, v9;
	_ =	sdelay $0x1  }
0x6e: {  	s8 =	spop (v2sf)  }
0x6f: {  	s31 =	sadd.s32 s31, s8  }
0x70: {  	v8 =	vadd.s32 s31, v8;
	_ =	sdelay $0x1  }
0x71: {  	v9, _, _ =	vpop (xrf0)  }
0x72: {  	v8 =	vadd.s32 v9, v8;
	(v2sf) =	vpush v9, $0xF  }
.Ltmp4:
0x73: {  	(pc) =	sbr.rel @p1 .LBB2_9-.Ltmp4, $4  }
0x74: {  	_ = 	snop  }
0x75: {  	s10 =	sadd.s32 $0x10, s10  }
0x76: {  	v9 =	vor.u32 s10, v1  }
0x77: {  	s8 =	sshra.s32 s0, $0x2;
	s0 =	sadd.s32 $0x40, s0;
	[tilespmem:v8+s22+$0x0] =	vst.idx.msk vm0, v9  }
0x78: {  	v8 =	vld [tilespmem:s8+$0x400];
	_ =	sdelay $0x4  }
0x79: {  	vm0 =	vgt.s32 v8, $0x0  }
0x7a: {  	v8 =	vsel vm0, $0x1, v0  }
0x7b: {  	(xrf0) =	vadd.scan.msk.s32 $0xffff, v8;
	_ =	sdelay $0x5  }
0x7c: {  	v8, _, _ =	vpop (xrf0)  }
0x7d: {  	(v2sf) =	vpush v8, $0xF;
	_ =	sdelay $0x3  }
0x7e: {  	s0 =	spop (v2sf)  }
0x7f: {  	v9 =	vsel vm0, $0xFFFFFFFF, v0;
	s0 =	sadd.s32 s31, s0  }
0x80: {  	v9 =	vadd.s32 s0, v9  }
0x81: {  	s8 =	sor.u32 $0x1, s30;
	v8 =	vadd.s32 v8, v9  }
0x82: {  	v56 =	vmov s8;
	_ =	sdelay $0x1  }
0x83: {  	s10 =	sadd.s32 $0x10, s10  }
0x84: {  	v10 =	vor.u32 s10, v1  }
0x85: {  	[tilespmem:v8+s22+$0x0] =	vst.idx.msk vm0, v10  }
0x86: {  	v8 =	vld.idx.msk [tilespmem:v56+s12+$0x0], $0xffff  }
0x87: {  	v57 =	vld [tilespmem:$0xC80]  }
0x88: {  	v10 =	vld [tilespmem:$0xC90];
	s31 =	spop (v2sf)  }
0x89: {  	v11 =	vld [tilespmem:$0xCA0];
	s0 =	sadd.s32 s0, s31  }
0x8a: {  	v13 =	vld [tilespmem:$0xCB0];
	v12 =	vmov s0  }
0x8b: {  	v14 =	vld [tilespmem:$0xCC0];
	vm9 =	vgt.s32 v12, v1  }
0x8c: {  	v15 =	vld [tilespmem:$0xCD0];
	vm10 =	vgt.s32 v12, v2;
	v9 =	vsel vm9, v57, v8  }
0x8d: {  	v59 =	vld [tilespmem:$0xCE0];
	vm11 =	vgt.s32 v12, v3;
	v58 =	vsel vm10, v10, v8;
	[tilespmem:$0xC80] =	vst v9  }
0x8e: {  	vm12 =	vgt.s32 v12, v4;
	v60 =	vsel vm11, v11, v8;
	[tilespmem:$0xC90] =	vst v58  }
0x8f: {  	vm13 =	vgt.s32 v12, v5;
	v61 =	vsel vm12, v13, v8;
	[tilespmem:$0xCA0] =	vst v60  }
0x90: {  	vm14 =	vgt.s32 v12, v6;
	v62 =	vsel vm13, v14, v8;
	[tilespmem:$0xCB0] =	vst v61  }
0x91: {  	vm15 =	vgt.s32 v12, v7;
	v63 =	vsel vm14, v15, v8;
	[tilespmem:$0xCC0] =	vst v62  }
0x92: {  	p1 =	seq.s32 s29, $0x0;
	v8 =	vsel vm15, v59, v8;
	[tilespmem:$0xCD0] =	vst v63  }
0x93: {  	s0 =	simm.s32 @!p1 $0x6;
	[tilespmem:$0xCE0] =	vst v8  }
0x94: {  	_ =	swait.ge @!p1 [sflag:s0], $0x3400  }
0x95: {  	[sflag:s0] =	ssyncset.done @!p1 $0x0  }
0x96: {  	[sflag:s0] =	ssyncadd.s32 @!p1 $0xFFFFCC00;
	s0 =	sadd.s32 @!p0 $0x3, s30  }
0x97: {  	[tilespmem:s23], [sflag:$0x4] =	stream.indirect.gather [hbm4b:s5+s18], $0x80, s22, s18, $0xb8;
	[tilespmem:$0x7A00] =	vst v63  }
0x98: {  	s10 =	sadd.s32 @!p0 s3, s0;
	s0 =	sshll.u32 @!p0 s0, $0x4  }
0x99: {  	s10 =	sshll.u32 @!p0 s10, $0x7;
	s0 =	sand.u32 @!p0 $0x70, s0  }
0x9a: {  	s29 =	sadd.s32 $0x1, s29;
	s10 =	sand.u32 @!p0 $0x1FFC00, s10;
	s0 =	sadd.s32 @!p0 s4, s0  }
0x9b: {  	s30 =	simm.s32 @!p0 $0x400;
	s0 =	sadd.s32 @!p0 s10, s0;
	s10 =	simm.s32 @!p0 $0x80  }
0x9c: {  	[tilespmem:s30], [sflag:$0x2] =	stream.strided.gather @!p0 [hbm4b:s0+s10], $0x400, s30, s10, $0x38;
	[tilespmem:$0x7A00] =	vst v63  }
0x9d: {  	p0 =	sne.s32 s29, $0x80  }
.Ltmp5:
0x9e: {  	s8 =	sadd.s32 s3, s8;
	(pc) =	sbr.rel @p0 .LBB2_2-.Ltmp5, $4  }
0x9f: {  	s31 =	smul.u32 $0x680, s8;
	_ =	swait.ge [sflag:s24], $0x3400  }
0xa0: {  	[sflag:s24] =	ssyncset.done $0x0  }
0xa1: {  	s0 =	sadd.s32 s6, s31;
	[sflag:s24] =	ssyncadd.s32 $0xFFFFCC00  }
0xa2: {  	[hbm4b:s0+s2] =	stream.linear.scatter [tilespmem:s23], [sflag:$0x6], $0x3400, $0x38;
	[tilespmem:$0x7A00] =	vst v63  }
0xa3: {  	s28 =	sadd.s32 $0x1, s28  }
0xa4: {  	_ =	swait.ge [sflag:s25], $0x3400;
	p0 =	sne.s32 s28, s11  }
.Ltmp6:
0xa5: {  	[sflag:s25] =	ssyncset.done $0x0;
	(pc) =	sbr.rel @p0 .LBB2_1-.Ltmp6, $4  }
0xa6: {  	[sflag:s25] =	ssyncadd.s32 $0xFFFFCC00  }
0xa7: {  	_ =	swait.ge [sflag:s26], $0x3400  }
0xa8: {  	[sflag:s26] =	ssyncset.done $0x0  }
0xa9: {  	[sflag:s26] =	ssyncadd.s32 $0xFFFFCC00  }
0xaa: {  	_ =	sfence.sel $0x180000  }
0xab: {  	[bflag:$0x0] =	sbarrier.arrive $0xFFFF  }
0xac: {  	_ =	strace $0x90000047  }
0xad: {  	s0 =	stileid.u32;
	[bflag:$0x2] =	sbarrier.arrive $0xFFFF  }
0xae: {  	p0 =	sne.s32 s0, $0x0;
	s0 =	rddreg [dreg:$0x1]  }
0xaf: {  	s0 =	sadd.s32 @!p0 $0x100000, s0  }
0xb0: {  	[sflag:s0] =	ssyncadd.tile.s32 @!p0 $0x1;
	_ =	shalt  }
.Lfunc_end2:
_tile_overlayer_lowered:
.L_overlay_start_2:
0xb1: {  	(tag) =	ssettag $0x2  }
0xb2: {  	s0 =	rddreg [dreg:$0x0];
	s2 =	stileid.u32  }
0xb3: {  	s1 =	rddreg [dreg:$0x1];
	p0 =	sne.s32 s2, $0x0  }
0xb4: {  	s3 =	rddreg [dreg:$0x2];
	[bflag:$0x3] =	sbarrier.arrive $0xFFFF;
	s2 =	simm.s32 @!p0 $0x1C07  }
0xb5: {  	[timem:s3], [sflag:s2] =	dma.local @!p0 [hbm:s0], s1  }
0xb6: {  	s0 =	simm.s32 @!p0 $0x7  }
0xb7: {  	_ =	swait.ge @!p0 [sflag:s0], s1  }
0xb8: {  	s1 =	ssub.s32 @!p0 $0x0, s1;
	[sflag:s0] =	ssyncset.done @!p0 $0x0  }
0xb9: {  	[sflag:s0] =	ssyncadd.s32 @!p0 s1  }
0xba: {  	[bflag:$0x3] =	sbarrier.arrive $0xFFFF  }
0xbb: {  	_ =	shalt  }

// kernel: kernel.9.cloned.1.call-start
scs
__scs_entry_jumppad:
0x0: {  	(pc) =	sbr.rel $0x88, $3  }
0x1: {  	(tag) =	ssettag $0x0;
	lr =	simm.s32 $0x1  }
0x2: {  	[smem:$0x3F9A] =	sst lr;
	_ =	strace $0xD0000000  }
0x3: {  	_ = 	snop  }
0x4: {  	_ = 	snop  }
0x5: {  	_ = 	snop  }
0x6: {  	_ = 	snop  }
0x7: {  	_ = 	snop  }
__scs_overlays_trampoline_lowered:
0x8: {  	[smem:$0x3FA9] =	sst s0  }
0x9: {  	[smem:$0x3FAA] =	sst s1  }
0xa: {  	[smem:$0x3FAB] =	sst s2  }
0xb: {  	[smem:$0x3FAC] =	sst s3  }
0xc: {  	[smem:$0x3FAD] =	sst s4  }
0xd: {  	[smem:$0x3FAE] =	sst s5  }
0xe: {  	[smem:$0x3FAF] =	sst s6  }
0xf: {  	[smem:$0x3FB0] =	sst s7  }
0x10: {  	[smem:$0x3FB1] =	sst s8  }
0x11: {  	[smem:$0x3FB2] =	sst s9;
	s0 =	simm.s32 @!p0 $0x0  }
0x12: {  	s1 =	sld [smem:$0x3F98];
	s0 =	simm.s32 @p0 $0x1  }
0x13: {  	[smem:$0x3FB3] =	sst s0;
	s0 =	simm.s32 @!p1 $0x0  }
0x14: {  	s2 =	sld [smem:$0x3F97];
	s0 =	simm.s32 @p1 $0x1  }
0x15: {  	[smem:$0x3FB4] =	sst s0;
	s0 =	simm.s32 @!p2 $0x0  }
0x16: {  	s3 =	sld [smem:$0x3FDB];
	s0 =	simm.s32 @p2 $0x1  }
0x17: {  	s4 =	simm.s32 $0x1BF5;
	[smem:$0x3FB6] =	sst s0  }
0x18: {  	s0 =	sld [smem:$0x3F99];
	_ =	swait.ge [sflag:s4], $0x0  }
0x19: {  	s7 =	sld [smem:$0x3F9A]  }
0x1a: {  	s8 =	sadd.s32 $0xFFFFE003, lr  }
0x1b: {  	s9 =	sadd.s32 $0xFFFFFEF7, lr;
	s5 =	simm.s32 $0xFFFFFFFF;
	p2 =	slt.u32 s8, $0xFFFFF086  }
0x1c: {  	p1 =	slt.u32 s9, $0xF7A;
	s5 =	simm.s32 @!p2 $0x0  }
0x1d: {  	s5 =	simm.s32 @p1 $0x1;
	p0 =	seq.s32 s7, s2  }
0x1e: {  	s7 =	smul.u32 @!p0 $0xF7A, s2;
	p2 =	seq.s32 @!p0 s5, $0x0  }
0x1f: {  	s9 =	smul.u32 $0xF7A, s1;
	s8 =	simm.s32 @!p0 $0x1BF5;
	p2 =	por !p2, p0  }
0x20: {  	[sflag:s8] =	ssyncset.s32 @!p0 $0xFFFFF086;
	s6 =	sadd.s32 @!p0 s3, s7;
	s7 =	simm.s32 @!p0 $0x108  }
0x21: {  	s3 =	sadd.s32 s3, s9;
	s6 =	sadd.s32 @!p0 $0x88, s6;
	s7 =	simm.s32 @p2 $0x1082  }
0x22: {  	[simem:s7], [sflag:s8] =	dma.local @!p0 [hbm:s6], $0xF7A  }
0x23: {  	s9 =	sor.u32 $0xD0000000, s2;
	s6 =	simm.s32 $0x108;
	_ =	swait.ge @!p0 [sflag:s8], $0x0  }
0x24: {  	s3 =	sadd.s32 $0x88, s3;
	s6 =	simm.s32 @!p1 $0x1082;
	[sflag:s4] =	ssyncset.s32 $0xFFFFF086  }
0x25: {  	[simem:s6], [sflag:s4] =	dma.local [hbm:s3], $0xF7A  }
0x26: {  	[smem:$0x3F9A] =	sst s1;
	(tag) =	ssettag s2;
	_ =	strace s9  }
0x27: {  	s1 =	sld [smem:$0x3FAA]  }
0x28: {  	s2 =	sld [smem:$0x3FAB]  }
0x29: {  	s4 =	sld [smem:$0x3FAD]  }
0x2a: {  	p0 =	seq.s32 s5, $0x0;
	s5 =	sld [smem:$0x3FAE]  }
0x2b: {  	s6 =	sld [smem:$0x3FAF]  }
0x2c: {  	s7 =	sld [smem:$0x3FB0]  }
0x2d: {  	s3 =	simm.s32 $0x108;
	s8 =	sld [smem:$0x3FB1]  }
0x2e: {  	s3 =	simm.s32 @!p0 $0x1082;
	s9 =	sld [smem:$0x3FB2]  }
0x2f: {  	lr =	sadd.s32 s0, s3;
	s0 =	sld [smem:$0x3FA9]  }
0x30: {  	s3 =	sld [smem:$0x3FAC]  }
0x31: {  	[smem:$0x3FB5] =	sst s10  }
0x32: {  	s10 =	sld [smem:$0x3FB3];
	_ =	sdelay $0x3  }
0x33: {  	p0 =	seq.s32 s10, $0x1;
	s10 =	sld [smem:$0x3FB5];
	_ =	sdelay $0x3  }
0x34: {  	[smem:$0x3FB5] =	sst s10  }
0x35: {  	s10 =	sld [smem:$0x3FB4];
	_ =	sdelay $0x3  }
0x36: {  	p1 =	seq.s32 s10, $0x1;
	s10 =	sld [smem:$0x3FB5];
	_ =	sdelay $0x3  }
0x37: {  	[smem:$0x3FB5] =	sst s10  }
0x38: {  	s10 =	sld [smem:$0x3FB6]  }
0x39: {  	_ = 	snop;
	(pc) =	sbr.ind lr, $3  }
0x3a: {  	_ = 	snop  }
0x3b: {  	_ = 	snop  }
0x3c: {  	p2 =	seq.s32 s10, $0x1;
	s10 =	sld [smem:$0x3FB5]  }
0x3d: {  	_ =	shalt  }
0x3e: {  	_ =	shalt  }
0x3f: {  	_ =	shalt  }
0x40: {  	_ =	shalt  }
0x41: {  	_ =	shalt  }
0x42: {  	_ =	shalt  }
0x43: {  	_ =	shalt  }
0x44: {  	_ =	shalt  }
0x45: {  	_ =	shalt  }
0x46: {  	_ =	shalt  }
0x47: {  	_ =	shalt  }
0x48: {  	_ =	shalt  }
0x49: {  	_ =	shalt  }
0x4a: {  	_ =	shalt  }
0x4b: {  	_ =	shalt  }
0x4c: {  	_ =	shalt  }
0x4d: {  	_ =	shalt  }
0x4e: {  	_ =	shalt  }
0x4f: {  	_ =	shalt  }
0x50: {  	_ =	shalt  }
0x51: {  	_ =	shalt  }
0x52: {  	_ =	shalt  }
0x53: {  	_ =	shalt  }
0x54: {  	_ =	shalt  }
0x55: {  	_ =	shalt  }
0x56: {  	_ =	shalt  }
0x57: {  	_ =	shalt  }
0x58: {  	_ =	shalt  }
0x59: {  	_ =	shalt  }
0x5a: {  	_ =	shalt  }
0x5b: {  	_ =	shalt  }
0x5c: {  	_ =	shalt  }
0x5d: {  	_ =	shalt  }
0x5e: {  	_ =	shalt  }
0x5f: {  	_ =	shalt  }
0x60: {  	_ =	shalt  }
0x61: {  	_ =	shalt  }
0x62: {  	_ =	shalt  }
0x63: {  	_ =	shalt  }
0x64: {  	_ =	shalt  }
0x65: {  	_ =	shalt  }
0x66: {  	_ =	shalt  }
0x67: {  	_ =	shalt  }
0x68: {  	_ =	shalt  }
0x69: {  	_ =	shalt  }
0x6a: {  	_ =	shalt  }
0x6b: {  	_ =	shalt  }
0x6c: {  	_ =	shalt  }
0x6d: {  	_ =	shalt  }
0x6e: {  	_ =	shalt  }
0x6f: {  	_ =	shalt  }
0x70: {  	_ =	shalt  }
0x71: {  	_ =	shalt  }
0x72: {  	_ =	shalt  }
0x73: {  	_ =	shalt  }
0x74: {  	_ =	shalt  }
0x75: {  	_ =	shalt  }
0x76: {  	_ =	shalt  }
0x77: {  	_ =	shalt  }
0x78: {  	_ =	shalt  }
0x79: {  	_ =	shalt  }
0x7a: {  	_ =	shalt  }
0x7b: {  	_ =	shalt  }
0x7c: {  	_ =	shalt  }
0x7d: {  	_ =	shalt  }
0x7e: {  	_ =	shalt  }
0x7f: {  	_ =	shalt  }
0x80: {  	_ =	shalt  }
0x81: {  	_ =	shalt  }
0x82: {  	_ =	shalt  }
0x83: {  	_ =	shalt  }
0x84: {  	_ =	shalt  }
0x85: {  	_ =	shalt  }
0x86: {  	_ =	shalt  }
0x87: {  	_ =	shalt  }
.Lfunc_end0:
.L_simem_size_0:
called_computation_lowered:
.L_overlay_start_0:
0x88: {  	s2 =	sld [smem:$0x3FD9]  }
0x89: {  	s3 =	sld [smem:$0x3FFE];
	_ =	sdelay $0x1  }
0x8a: {  	s1 =	srdreg.scid  }
0x8b: {  	s0 =	sand.u32 $0x1, s1  }
0x8c: {  	s17 =	sshll.u32 s0, $0xA;
	s2 =	sadd.s32 s3, s2  }
0x8d: {  	s2 =	sadd.s32 s2, s17  }
0x8e: {  	[smem:$0x3FC1] =	sst s2  }
0x8f: {  	_ = 	snop  }
0x90: {  	(tm) =	ssettm $0x1  }
0x91: {  	s18 =	sld [smem:$0x3FFB];
	_ =	sdelay $0x3  }
0x92: {  	_ =	strace s18  }
0x93: {  	s2 =	sld [smem:$0x3FFC];
	_ =	sdelay $0x3  }
0x94: {  	_ =	strace s2  }
0x95: {  	s2 =	sld [smem:$0x3FFD];
	_ =	sdelay $0x3  }
0x96: {  	_ =	strace s2  }
0x97: {  	_ =	strace $0x8FFFFFFF  }
0x98: {  	s19 =	sld [smem:$0x3FDB];
	_ =	sdelay $0x1  }
0x99: {  	s20 =	simm.s32 $_scs_section_size  }
0x9a: {  	s4 =	simm.s32 $_size__tile_overlayer_lowered;
	s5 =	simm.s32 $_tile_overlayer_lowered  }
0x9b: {  	s6 =	simm.s32 $0x1BFF;
	s21 =	sshll.u32 s5, $0x1;
	s3 =	sadd.s32 s20, s19  }
0x9c: {  	s22 =	simm.s32 $0x0;
	s4 =	sshll.u32 s4, $0x1;
	s5 =	sadd.s32 s21, s3  }
0x9d: {  	[timem:s22], [sflag:s6] =	dma.local [hbm:s5], s4  }
0x9e: {  	_ =	swait.ge [sflag:s6], s4  }
0x9f: {  	s4 =	ssub.s32 $0x0, s4;
	[sflag:s6] =	ssyncset.done $0x0  }
0xa0: {  	[sflag:s6] =	ssyncadd.s32 s4;
	_ =	sdelay $0x1  }
0xa1: {  	s23 =	simm.s32 $0x1B8B  }
0xa2: {  	_ =	swait.ge [sflag:s23], $0x1  }
0xa3: {  	[sflag:s23] =	ssyncset.done $0x0  }
0xa4: {  	[sflag:s23] =	ssyncadd.s32 $0xFFFFFFFF  }
0xa5: {  	s4 =	sld [smem:$0x0]  }
0xa6: {  	s5 =	sand.u32 $0xFFFFFFFE, s1  }
0xa7: {  	p0 =	sne.s32 s1, s5  }
0xa8: {  	s5 =	sshll.u32 @p0 s5, $0xE  }
0xa9: {  	s5 =	sadd.s32 @p0 $0x11B8D, s5;
	s6 =	sshll.u32 @p0 s4, $0x11  }
0xaa: {  	s5 =	sor.u32 @p0 s6, s5  }
0xab: {  	[sflag:s5] =	ssyncadd.remote.s32 @p0 $0x1;
	_ =	sdelay $0x1  }
0xac: {  	s5 =	simm.s32 @p0 $0x1B8D  }
0xad: {  	_ =	swait.eq @p0 [sflag:s5], $0x1  }
0xae: {  	[sflag:s5] =	ssyncadd.s32 @p0 $0xFFFFFFFF  }
0xaf: {  	s6 =	sshll.u32 @!p0 s1, $0xE  }
0xb0: {  	s6 =	sor.u32 @!p0 $0x4000, s6;
	s5 =	simm.s32 @!p0 $0x1B8D  }
0xb1: {  	s4 =	sshll.u32 @!p0 s4, $0x11;
	s6 =	sadd.s32 @!p0 $0x11B8D, s6;
	_ =	swait.eq @!p0 [sflag:s5], $0x1  }
0xb2: {  	s4 =	sor.u32 @!p0 s4, s6;
	[sflag:s5] =	ssyncadd.s32 @!p0 $0xFFFFFFFF  }
0xb3: {  	s25 =	simm.s32 $0x1B8E;
	s24 =	sld [smem:$0x3FFE];
	[sflag:s4] =	ssyncadd.remote.s32 @!p0 $0x1  }
0xb4: {  	s26 =	simm.s32 $execute0_lowered;
	[smem:$0x3FD2] =	sst s25  }
0xb5: {  	s5 =	sshll.u32 s26, $0x1;
	_ =	strace $0x80000049;
	[dreg:$0x1] =	wrdreg $0xFFFFFFFF  }
0xb6: {  	s28 =	simm.s32 $_size_execute0_lowered;
	s3 =	sadd.s32 s3, s5;
	[dreg:$0x0] =	wrdreg $0x0  }
0xb7: {  	s5 =	sshll.u32 s28, $0x1;
	[dreg:$0x2] =	wrdreg s3  }
0xb8: {  	[dreg:$0x3] =	wrdreg s5  }
0xb9: {  	[dreg:$0x4] =	wrdreg $0xC0  }
0xba: {  	_ =	task [dreg:s22], $0x5FFFF  }
0xbb: {  	[dreg:$0x1] =	wrdreg $0xFFFFFFFF  }
0xbc: {  	[dreg:$0x0] =	wrdreg $0x60  }
0xbd: {  	[dreg:$0x2] =	wrdreg s24  }
0xbe: {  	[dreg:$0x3] =	wrdreg $0x9  }
0xbf: {  	_ =	task.clear_ibuf [dreg:s22], $0x4FFFF;
	_ =	strace $0x90000049  }
0xc0: {  	s29 =	simm.s32 $0x9;
	_ =	strace $0x8000004B  }
0xc1: {  	_ =	swait.ge [sflag:s29], $0x1  }
0xc2: {  	[sflag:s29] =	ssyncadd.s32 $0xFFFFFFFF  }
0xc3: {  	_ =	strace $0x9000004B  }
0xc4: {  	_ =	sfence  }
0xc5: {  	s30 =	sld [smem:$0x0];
	_ =	sdelay $0x2  }
0xc6: {  	s31 =	sshll.u32 s1, $0xD;
	s1 =	sshrl.u32 s1, $0x2  }
0xc7: {  	s4 =	sand.u32 $0x4000, s31;
	s1 =	sadd.s32 s1, s30  }
0xc8: {  	s0 =	sor.u32 s4, s0;
	s1 =	sshll.u32 s1, $0x11  }
0xc9: {  	s0 =	sor.u32 s1, s0  }
0xca: {  	s0 =	sadd.s32 $0x8F2B, s0  }
0xcb: {  	[sflag:s0] =	ssyncadd.remote.s32 $0x1  }
0xcc: {  	_ =	sfence.sel $0xFFFF  }
0xcd: {  	[dreg:$0x0] =	wrdreg $0xFFFFFFFF;
	(pc) =	sbr.abs _section_cstart, $3  }
0xce: {  	[dreg:$0x1] =	wrdreg $0xFFFFFFFF  }
0xcf: {  	_ =	task.clear_ibuf [dreg:s22], $0x2FFFF;
	_ =	strace $0x9FFFFFFF  }
0xd0: {  	(tm) =	ssettm $0x7FFFFFFF  }
0xd1: {  	_ =	shalt  }
tec
execute0_lowered:
.L_overlay_start_1:
0x0: {  	(tag) =	ssettag $0x1  }
0x1: {  	s0 =	srdreg.scid;
	s2 =	stileid.u32  }
0x2: {  	s1 =	rddreg [dreg:$0x0];
	s12 =	simm.s32 $0x1100;
	s13 =	simm.s32 $0x7  }
0x3: {  	s14 =	simm.s32 $0x80;
	s15 =	simm.s32 $0x400;
	s16 =	simm.s32 $0x1  }
0x4: {  	s17 =	simm.s32 $0x800;
	s18 =	simm.s32 $0x68;
	s19 =	simm.s32 $0x1200  }
0x5: {  	s20 =	simm.s32 $0x3;
	s21 =	simm.s32 $0x2;
	s22 =	simm.s32 $0xC80  }
0x6: {  	s23 =	simm.s32 $0x4600;
	s24 =	simm.s32 $0x4;
	s25 =	simm.s32 $0x5  }
0x7: {  	s26 =	simm.s32 $0x6;
	s28 =	simm.s32 $0x0;
	s0 =	sand.u32 $0x1, s0  }
0x8: {  	s8 =	sshll.u32 s2, $0x9;
	s2 =	simm.s32 $0x0;
	s4 =	sadd.s32 $0x42800, s1  }
0x9: {  	s6 =	sadd.s32 $0xF43000, s1;
	s3 =	sshll.u32 s0, $0x8;
	[smem:$0x7FF] =	sst s2  }
0xa: {  	s0 =	ssub.s32 $0x2, s0;
	s3 =	sor.u32 s3, s8;
	_ =	strace $0x8000004A  }
0xb: {  	s30 =	sshrl.u32 s0, $0x1;
	s5 =	sshrl.u32 s3, $0x3;
	s7 =	sshll.u32 s3, $0x7  }
0xc: {  	v0 =	vimm.s32 $0x0;
	v1 =	vlaneseq.u32;
	s0 =	ssub.s32 s0, s30;
	s9 =	sadd.s32 s5, s1;
	s5 =	sadd.s32 $0x2800, s1  }
0xd: {  	v2 =	vor.u32 $0x10, v1;
	v3 =	vor.u32 $0x20, v1;
	v4 =	vor.u32 $0x30, v1;
	s7 =	sadd.s32 s4, s7;
	s1 =	sand.u32 $0x1C00, s8;
	s31 =	sadd.s32 $0x242C00, s9  }
0xe: {  	v5 =	vor.u32 $0x40, v1;
	v6 =	vor.u32 $0x50, v1;
	v7 =	vor.u32 $0x60, v1;
	s11 =	smax.u32 s0, $0x1;
	s9 =	sadd.s32 $0x10, s7;
	[dreg:$0x2] =	wrdreg s31  }
.LBB2_1:
0xf: {  	s0 =	rddreg [dreg:$0x2]  }
0x10: {  	[tilespmem:s12], [sflag:$0x7] =	stream.linear.gather [hbm4b:s0+s2], $0x100, $0x38;
	[tilespmem:$0x7A00] =	vst v63  }
0x11: {  	_ =	swait.ge [sflag:s13], $0x100  }
0x12: {  	[sflag:s13] =	ssyncset.done $0x0  }
0x13: {  	[sflag:s13] =	ssyncadd.s32 $0xFFFFFF00  }
0x14: {  	[tilespmem:s2], [sflag:$0x1] =	stream.strided.gather [hbm4b:s7+s14], $0x400, s15, s14, $0x38;
	[tilespmem:$0x7A00] =	vst v63  }
0x15: {  	s29 =	simm.s32 $0x0  }
0x16: {  	[tilespmem:s15], [sflag:$0x2] =	stream.strided.gather [hbm4b:s9+s14], $0x400, s15, s14, $0x38;
	[tilespmem:$0x7A00] =	vst v63  }
.LBB2_2:
0x17: {  	_ =	swait.ge [sflag:s16], $0x400  }
0x18: {  	[sflag:s16] =	ssyncset.done $0x0  }
0x19: {  	s0 =	simm.s32 $0x0;
	[sflag:s16] =	ssyncadd.s32 $0xFFFFFC00  }
0x1a: {  	v8 =	vld [tilespmem:s0+$0x0];
	_ =	sdelay $0x4  }
0x1b: {  	vm0 =	vgt.s32 v8, $0x0  }
0x1c: {  	v8 =	vsel vm0, $0x1, v0  }
0x1d: {  	(xrf0) =	vadd.scan.msk.s32 $0xffff, v8;
	_ =	sdelay $0x4  }
0x1e: {  	s30 =	simm.s32 $0x0;
	v8 =	vsel vm0, $0xFFFFFFFF, v0  }
0x1f: {  	v8 =	vadd.s32 s30, v8;
	v9, _, _ =	vpop (xrf0)  }
0x20: {  	v10 =	vadd.s32 v9, v8;
	(v2sf) =	vpush v9, $0xF;
	_ =	sdelay $0x3  }
0x21: {  	v8 =	vor.u32 s1, v1  }
0x22: {  	s10 =	simm.s32 $0x80;
	s31 =	smov.u32 s1;
	s0 =	simm.s32 $0x10;
	[tilespmem:v10+s17+$0x0] =	vst.idx.msk vm0, v8  }
.LBB2_3:
0x23: {  	p0 =	sne.s32 s10, $0xFC0;
	v9 =	vld [tilespmem:s0+$0x0];
	_ =	sdelay $0x4  }
0x24: {  	vm0 =	vgt.s32 v9, $0x0  }
0x25: {  	v9 =	vsel vm0, $0xFFFFFFFF, v0;
	v10 =	vsel vm0, $0x1, v0  }
0x26: {  	(xrf0) =	vadd.scan.msk.s32 $0xffff, v10;
	_ =	sdelay $0x1  }
0x27: {  	s0 =	spop (v2sf)  }
0x28: {  	s30 =	sadd.s32 s30, s0  }
0x29: {  	v9 =	vadd.s32 s30, v9;
	_ =	sdelay $0x1  }
0x2a: {  	v10, _, _ =	vpop (xrf0)  }
0x2b: {  	v9 =	vadd.s32 v10, v9;
	(v2sf) =	vpush v10, $0xF  }
.Ltmp0:
0x2c: {  	(pc) =	sbr.rel @p0 .LBB2_3-.Ltmp0, $4  }
0x2d: {  	_ = 	snop  }
0x2e: {  	s31 =	sadd.s32 $0x10, s31  }
0x2f: {  	v10 =	vor.u32 s31, v1  }
0x30: {  	s0 =	sshra.s32 s10, $0x2;
	s10 =	sadd.s32 $0x40, s10;
	[tilespmem:v9+s17+$0x0] =	vst.idx.msk vm0, v10  }
0x31: {  	v9 =	vld [tilespmem:s0+$0x0];
	_ =	sdelay $0x4  }
0x32: {  	vm0 =	vgt.s32 v9, $0x0  }
0x33: {  	v9 =	vsel vm0, $0x1, v0  }
0x34: {  	(xrf0) =	vadd.scan.msk.s32 $0xffff, v9;
	_ =	sdelay $0x5  }
0x35: {  	v9, _, _ =	vpop (xrf0)  }
0x36: {  	(v2sf) =	vpush v9, $0xF;
	_ =	sdelay $0x3  }
0x37: {  	s10 =	spop (v2sf)  }
0x38: {  	v10 =	vsel vm0, $0xFFFFFFFF, v0;
	s0 =	sadd.s32 s30, s10;
	s30 =	sshll.u32 s29, $0x1  }
0x39: {  	v10 =	vadd.s32 s0, v10;
	v11 =	vmov s30  }
0x3a: {  	v9 =	vadd.s32 v9, v10;
	v10 =	vbroadcast v11, $0x0;
	_ =	sdelay $0x2  }
0x3b: {  	s8 =	sadd.s32 $0x10, s31  }
0x3c: {  	v11 =	vor.u32 s8, v1  }
0x3d: {  	[tilespmem:v9+s17+$0x0] =	vst.idx.msk vm0, v11  }
0x3e: {  	v9 =	vld.idx.msk [tilespmem:v10+s12+$0x0], $0xffff  }
0x3f: {  	v10 =	vld [tilespmem:$0x800]  }
0x40: {  	v11 =	vld [tilespmem:$0x810];
	s31 =	spop (v2sf)  }
0x41: {  	v12 =	vld [tilespmem:$0x820];
	s0 =	sadd.s32 s0, s31  }
0x42: {  	v14 =	vld [tilespmem:$0x830];
	v13 =	vmov s0  }
0x43: {  	v15 =	vld [tilespmem:$0x840];
	vm9 =	vgt.s32 v13, v1  }
0x44: {  	v16 =	vld [tilespmem:$0x850];
	vm10 =	vgt.s32 v13, v2;
	v10 =	vsel vm9, v10, v9  }
0x45: {  	vm11 =	vgt.s32 v13, v3;
	[tilespmem:$0x800] =	vst v10;
	v10 =	vsel vm10, v11, v9;
	v11 =	vld [tilespmem:$0x860]  }
0x46: {  	p0 =	sne.s32 s29, $0x0;
	vm12 =	vgt.s32 v13, v4;
	[tilespmem:$0x810] =	vst v10;
	v10 =	vsel vm11, v12, v9  }
.Ltmp1:
0x47: {  	vm13 =	vgt.s32 v13, v5;
	[tilespmem:$0x820] =	vst v10;
	v10 =	vsel vm12, v14, v9;
	(pc) =	sbr.rel @!p0 .LBB2_5-.Ltmp1, $4  }
0x48: {  	vm14 =	vgt.s32 v13, v6;
	[tilespmem:$0x830] =	vst v10;
	v10 =	vsel vm13, v15, v9  }
0x49: {  	vm15 =	vgt.s32 v13, v7;
	[tilespmem:$0x840] =	vst v10;
	v10 =	vsel vm14, v16, v9  }
0x4a: {  	[tilespmem:$0x850] =	vst v10;
	v9 =	vsel vm15, v11, v9  }
0x4b: {  	[tilespmem:$0x860] =	vst v9  }
0x4c: {  	p1 =	seq.s32 s29, $0x7F  }
.Ltmp2:
0x4d: {  	_ = 	snop;
	(pc) =	sbr.rel @p1 .LBB2_8-.Ltmp2, $4  }
.Ltmp3:
0x4e: {  	_ =	swait.ge [sflag:s25], $0x3400;
	(pc) =	sbr.rel @!p1 .LBB2_7-.Ltmp3, $4  }
0x4f: {  	[sflag:s25] =	ssyncset.done $0x0  }
0x50: {  	p0 =	por $0x1, $0x1;
	[sflag:s25] =	ssyncadd.s32 $0xFFFFCC00  }
0x51: {  	[tilespmem:s19], [sflag:$0x3] =	stream.indirect.gather [hbm4b:s5+s18], $0x80, s17, s18, $0xb8;
	[tilespmem:$0x7A00] =	vst v63  }
0x52: {  	_ = 	snop  }
.LBB2_5:
0x53: {  	[tilespmem:s19], [sflag:$0x3] =	stream.indirect.gather [hbm4b:s5+s18], $0x80, s17, s18, $0xb8;
	[tilespmem:$0x7A00] =	vst v63  }
.LBB2_7:
0x54: {  	s0 =	sadd.s32 $0x2, s30  }
0x55: {  	s8 =	sadd.s32 s3, s0;
	s0 =	sshll.u32 s0, $0x4  }
0x56: {  	s8 =	sshll.u32 s8, $0x7;
	s0 =	sand.u32 $0x60, s0  }
0x57: {  	s8 =	sand.u32 $0x1FFC00, s8;
	s0 =	sadd.s32 s4, s0  }
0x58: {  	p0 =	por $0x0, $0x0;
	s0 =	sadd.s32 s8, s0  }
0x59: {  	[tilespmem:s2], [sflag:$0x1] =	stream.strided.gather [hbm4b:s0+s14], $0x400, s15, s14, $0x38;
	[tilespmem:$0x7A00] =	vst v63  }
.LBB2_8:
0x5a: {  	s0 =	sadd.s32 s3, s30  }
0x5b: {  	_ =	swait.ge [sflag:s20], $0x3400;
	s0 =	smul.u32 $0x680, s0  }
0x5c: {  	[sflag:s20] =	ssyncset.done $0x0  }
0x5d: {  	s31 =	simm.s32 $0x0;
	[sflag:s20] =	ssyncadd.s32 $0xFFFFCC00;
	s0 =	sadd.s32 s6, s0  }
0x5e: {  	[hbm4b:s0+s31] =	stream.linear.scatter [tilespmem:s19], [sflag:$0x5], $0x3400, $0x38;
	[tilespmem:$0x7A00] =	vst v63  }
0x5f: {  	_ =	swait.ge [sflag:s21], $0x400  }
0x60: {  	[sflag:s21] =	ssyncset.done $0x0  }
0x61: {  	s10 =	simm.s32 $0x0;
	[sflag:s21] =	ssyncadd.s32 $0xFFFFFC00  }
0x62: {  	v9 =	vld [tilespmem:s10+$0x400];
	_ =	sdelay $0x4  }
0x63: {  	vm0 =	vgt.s32 v9, $0x0  }
0x64: {  	v9 =	vsel vm0, $0x1, v0  }
0x65: {  	(xrf0) =	vadd.scan.msk.s32 $0xffff, v9;
	_ =	sdelay $0x4  }
0x66: {  	v63 =	vsel vm0, $0xFFFFFFFF, v0  }
0x67: {  	v9 =	vadd.s32 s31, v63;
	v10, _, _ =	vpop (xrf0)  }
0x68: {  	v9 =	vadd.s32 v10, v9;
	(v2sf) =	vpush v10, $0xF;
	_ =	sdelay $0x4  }
0x69: {  	s8 =	simm.s32 $0x10;
	s0 =	simm.s32 $0x80;
	s10 =	smov.u32 s1;
	[tilespmem:v9+s22+$0x0] =	vst.idx.msk vm0, v8  }
.LBB2_9:
0x6a: {  	p1 =	sne.s32 s0, $0xFC0;
	v8 =	vld [tilespmem:s8+$0x400];
	_ =	sdelay $0x4  }
0x6b: {  	vm0 =	vgt.s32 v8, $0x0  }
0x6c: {  	v8 =	vsel vm0, $0xFFFFFFFF, v0;
	v9 =	vsel vm0, $0x1, v0  }
0x6d: {  	(xrf0) =	vadd.scan.msk.s32 $0xffff, v9;
	_ =	sdelay $0x1  }
0x6e: {  	s8 =	spop (v2sf)  }
0x6f: {  	s31 =	sadd.s32 s31, s8  }
0x70: {  	v8 =	vadd.s32 s31, v8;
	_ =	sdelay $0x1  }
0x71: {  	v9, _, _ =	vpop (xrf0)  }
0x72: {  	v8 =	vadd.s32 v9, v8;
	(v2sf) =	vpush v9, $0xF  }
.Ltmp4:
0x73: {  	(pc) =	sbr.rel @p1 .LBB2_9-.Ltmp4, $4  }
0x74: {  	_ = 	snop  }
0x75: {  	s10 =	sadd.s32 $0x10, s10  }
0x76: {  	v9 =	vor.u32 s10, v1  }
0x77: {  	s8 =	sshra.s32 s0, $0x2;
	s0 =	sadd.s32 $0x40, s0;
	[tilespmem:v8+s22+$0x0] =	vst.idx.msk vm0, v9  }
0x78: {  	v8 =	vld [tilespmem:s8+$0x400];
	_ =	sdelay $0x4  }
0x79: {  	vm0 =	vgt.s32 v8, $0x0  }
0x7a: {  	v8 =	vsel vm0, $0x1, v0  }
0x7b: {  	(xrf0) =	vadd.scan.msk.s32 $0xffff, v8;
	_ =	sdelay $0x5  }
0x7c: {  	v8, _, _ =	vpop (xrf0)  }
0x7d: {  	(v2sf) =	vpush v8, $0xF;
	_ =	sdelay $0x3  }
0x7e: {  	s0 =	spop (v2sf)  }
0x7f: {  	v9 =	vsel vm0, $0xFFFFFFFF, v0;
	s0 =	sadd.s32 s31, s0  }
0x80: {  	v9 =	vadd.s32 s0, v9  }
0x81: {  	s8 =	sor.u32 $0x1, s30;
	v8 =	vadd.s32 v8, v9  }
0x82: {  	v56 =	vmov s8;
	_ =	sdelay $0x1  }
0x83: {  	s10 =	sadd.s32 $0x10, s10  }
0x84: {  	v10 =	vor.u32 s10, v1  }
0x85: {  	[tilespmem:v8+s22+$0x0] =	vst.idx.msk vm0, v10  }
0x86: {  	v8 =	vld.idx.msk [tilespmem:v56+s12+$0x0], $0xffff  }
0x87: {  	v57 =	vld [tilespmem:$0xC80]  }
0x88: {  	v10 =	vld [tilespmem:$0xC90];
	s31 =	spop (v2sf)  }
0x89: {  	v11 =	vld [tilespmem:$0xCA0];
	s0 =	sadd.s32 s0, s31  }
0x8a: {  	v13 =	vld [tilespmem:$0xCB0];
	v12 =	vmov s0  }
0x8b: {  	v14 =	vld [tilespmem:$0xCC0];
	vm9 =	vgt.s32 v12, v1  }
0x8c: {  	v15 =	vld [tilespmem:$0xCD0];
	vm10 =	vgt.s32 v12, v2;
	v9 =	vsel vm9, v57, v8  }
0x8d: {  	v59 =	vld [tilespmem:$0xCE0];
	vm11 =	vgt.s32 v12, v3;
	v58 =	vsel vm10, v10, v8;
	[tilespmem:$0xC80] =	vst v9  }
0x8e: {  	vm12 =	vgt.s32 v12, v4;
	v60 =	vsel vm11, v11, v8;
	[tilespmem:$0xC90] =	vst v58  }
0x8f: {  	vm13 =	vgt.s32 v12, v5;
	v61 =	vsel vm12, v13, v8;
	[tilespmem:$0xCA0] =	vst v60  }
0x90: {  	vm14 =	vgt.s32 v12, v6;
	v62 =	vsel vm13, v14, v8;
	[tilespmem:$0xCB0] =	vst v61  }
0x91: {  	vm15 =	vgt.s32 v12, v7;
	v63 =	vsel vm14, v15, v8;
	[tilespmem:$0xCC0] =	vst v62  }
0x92: {  	p1 =	seq.s32 s29, $0x0;
	v8 =	vsel vm15, v59, v8;
	[tilespmem:$0xCD0] =	vst v63  }
0x93: {  	s0 =	simm.s32 @!p1 $0x6;
	[tilespmem:$0xCE0] =	vst v8  }
0x94: {  	_ =	swait.ge @!p1 [sflag:s0], $0x3400  }
0x95: {  	[sflag:s0] =	ssyncset.done @!p1 $0x0  }
0x96: {  	[sflag:s0] =	ssyncadd.s32 @!p1 $0xFFFFCC00;
	s0 =	sadd.s32 @!p0 $0x3, s30  }
0x97: {  	[tilespmem:s23], [sflag:$0x4] =	stream.indirect.gather [hbm4b:s5+s18], $0x80, s22, s18, $0xb8;
	[tilespmem:$0x7A00] =	vst v63  }
0x98: {  	s10 =	sadd.s32 @!p0 s3, s0;
	s0 =	sshll.u32 @!p0 s0, $0x4  }
0x99: {  	s10 =	sshll.u32 @!p0 s10, $0x7;
	s0 =	sand.u32 @!p0 $0x70, s0  }
0x9a: {  	s29 =	sadd.s32 $0x1, s29;
	s10 =	sand.u32 @!p0 $0x1FFC00, s10;
	s0 =	sadd.s32 @!p0 s4, s0  }
0x9b: {  	s30 =	simm.s32 @!p0 $0x400;
	s0 =	sadd.s32 @!p0 s10, s0;
	s10 =	simm.s32 @!p0 $0x80  }
0x9c: {  	[tilespmem:s30], [sflag:$0x2] =	stream.strided.gather @!p0 [hbm4b:s0+s10], $0x400, s30, s10, $0x38;
	[tilespmem:$0x7A00] =	vst v63  }
0x9d: {  	p0 =	sne.s32 s29, $0x80  }
.Ltmp5:
0x9e: {  	s8 =	sadd.s32 s3, s8;
	(pc) =	sbr.rel @p0 .LBB2_2-.Ltmp5, $4  }
0x9f: {  	s31 =	smul.u32 $0x680, s8;
	_ =	swait.ge [sflag:s24], $0x3400  }
0xa0: {  	[sflag:s24] =	ssyncset.done $0x0  }
0xa1: {  	s0 =	sadd.s32 s6, s31;
	[sflag:s24] =	ssyncadd.s32 $0xFFFFCC00  }
0xa2: {  	[hbm4b:s0+s2] =	stream.linear.scatter [tilespmem:s23], [sflag:$0x6], $0x3400, $0x38;
	[tilespmem:$0x7A00] =	vst v63  }
0xa3: {  	s28 =	sadd.s32 $0x1, s28  }
0xa4: {  	_ =	swait.ge [sflag:s25], $0x3400;
	p0 =	sne.s32 s28, s11  }
.Ltmp6:
0xa5: {  	[sflag:s25] =	ssyncset.done $0x0;
	(pc) =	sbr.rel @p0 .LBB2_1-.Ltmp6, $4  }
0xa6: {  	[sflag:s25] =	ssyncadd.s32 $0xFFFFCC00  }
0xa7: {  	_ =	swait.ge [sflag:s26], $0x3400  }
0xa8: {  	[sflag:s26] =	ssyncset.done $0x0  }
0xa9: {  	[sflag:s26] =	ssyncadd.s32 $0xFFFFCC00  }
0xaa: {  	_ =	sfence.sel $0x180000  }
0xab: {  	[bflag:$0x0] =	sbarrier.arrive $0xFFFF  }
0xac: {  	_ =	strace $0x9000004A  }
0xad: {  	s0 =	stileid.u32;
	[bflag:$0x2] =	sbarrier.arrive $0xFFFF  }
0xae: {  	p0 =	sne.s32 s0, $0x0;
	s0 =	rddreg [dreg:$0x1]  }
0xaf: {  	s0 =	sadd.s32 @!p0 $0x100000, s0  }
0xb0: {  	[sflag:s0] =	ssyncadd.tile.s32 @!p0 $0x1;
	_ =	shalt  }
.Lfunc_end2:
_tile_overlayer_lowered:
.L_overlay_start_2:
0xb1: {  	(tag) =	ssettag $0x2  }
0xb2: {  	s0 =	rddreg [dreg:$0x0];
	s2 =	stileid.u32  }
0xb3: {  	s1 =	rddreg [dreg:$0x1];
	p0 =	sne.s32 s2, $0x0  }
0xb4: {  	s3 =	rddreg [dreg:$0x2];
	[bflag:$0x3] =	sbarrier.arrive $0xFFFF;
	s2 =	simm.s32 @!p0 $0x1C07  }
0xb5: {  	[timem:s3], [sflag:s2] =	dma.local @!p0 [hbm:s0], s1  }
0xb6: {  	s0 =	simm.s32 @!p0 $0x7  }
0xb7: {  	_ =	swait.ge @!p0 [sflag:s0], s1  }
0xb8: {  	s1 =	ssub.s32 @!p0 $0x0, s1;
	[sflag:s0] =	ssyncset.done @!p0 $0x0  }
0xb9: {  	[sflag:s0] =	ssyncadd.s32 @!p0 s1  }
0xba: {  	[bflag:$0x3] =	sbarrier.arrive $0xFFFF  }
0xbb: {  	_ =	shalt  }

</sc_bundles>
